<compile_context>
chip_gen: v7x
topology: tpu7x:2x2x1
jax: 0.10.2.dev20260603
libtpu: 0.0.44.dev20260713+nightly
codegen_flags: <defaults>
</compile_context>

<pallas_src>
import jax
import jax.numpy as jnp
from jax import lax
from jax.experimental import pallas as pl
from jax.experimental.pallas import tpu as pltpu
from jax.experimental.pallas import tpu_sc as plsc

NUM_ROWS = 16384
SEQ = 200
VOCAB = 100000
DIM = 48

NC, NS = 2, 16
NW = NC * NS
LANES = 16
TILE = 128
TPW = NUM_ROWS // NW
LT = TPW // TILE
KB = DIM // 8
NBUF = 2


PITCH = 49


def _emb_kernel(idx_hbm, table_hbm, out_hbm, idx_v, rows_v, tiles_v, skw_v,
                gsem, ssem, isem):
  wid = lax.axis_index("s") * NC + lax.axis_index("c")
  iota = lax.iota(jnp.int32, LANES)
  row_sel = [(iota + c * LANES) * PITCH for c in range(TILE // LANES)]

  def load_idx(j, b):
    pltpu.async_copy(
        idx_hbm.at[lax.div(j, 8), pl.ds(LT * wid, LT), lax.rem(j, 8)],
        idx_v.at[b], isem)

  def drain_idx(b):
    pltpu.make_async_copy(
        idx_hbm.at[0, pl.ds(0, LT), 0], idx_v.at[b], isem).wait()

  def fire_gathers(b):
    for l in range(LT):
      pltpu.async_copy(
          table_hbm.at[idx_v.at[b, l]], rows_v.at[b, l], gsem.at[b])

  def drain_gathers(b):
    for _ in range(LT):
      pltpu.make_async_copy(
          table_hbm.at[pl.ds(0, TILE)], rows_v.at[b, 0], gsem.at[b]
      ).wait()

  def transpose(b):
    @plsc.parallel_loop(0, TILE, unroll=2)
    def sbody(ir):
      for l in range(LT):
        for m in range(DIM // LANES):
          skw_v[l, pl.ds(ir * PITCH + m * LANES, LANES)] = (
              rows_v[b, l, ir, pl.ds(m * LANES, LANES)])

    @plsc.parallel_loop(0, DIM)
    def kbody(k):
      kdiv = lax.div(k, 8)
      kmod = lax.rem(k, 8)
      colv = lax.broadcast_in_dim(k, (LANES,), ())
      for l in range(LT):
        for c in range(TILE // LANES):
          v = plsc.load_gather(skw_v.at[l], [row_sel[c] + colv])
          tiles_v[b, l, kdiv, kmod, pl.ds(c * LANES, LANES)] = v

  def stores(j, b):
    for l in range(LT):
      pltpu.async_copy(
          tiles_v.at[b, l], out_hbm.at[j, :, LT * wid + l], ssem.at[b])

  def drain_stores(b):
    for _ in range(LT):
      pltpu.make_async_copy(
          tiles_v.at[b, 0], out_hbm.at[0, :, 0], ssem.at[b]).wait()

  load_idx(0, 0)
  drain_idx(0)
  fire_gathers(0)
  load_idx(1, 1)

  def body(g, carry):
    b = lax.rem(g, NBUF)
    nb = lax.rem(g + 1, NBUF)

    @pl.when(g >= NBUF)
    def _free_tiles_buffer():
      drain_stores(b)

    @pl.when(g + 1 < SEQ)
    def _prefetch():
      drain_idx(nb)
      fire_gathers(nb)

    drain_gathers(b)

    @pl.when(g + 2 < SEQ)
    def _prefetch_idx():
      load_idx(g + 2, b)

    transpose(b)
    stores(g, b)
    return carry

  lax.fori_loop(0, SEQ, body, 0)
  drain_stores(0)
  drain_stores(1)


@jax.jit
def _emb(idxP, weight):
  mesh = plsc.VectorSubcoreMesh(core_axis_name="c", subcore_axis_name="s")
  kfn = pl.kernel(
      _emb_kernel,
      out_type=jax.ShapeDtypeStruct((SEQ, KB, NUM_ROWS // TILE, 8, TILE),
                                    jnp.float32),
      mesh=mesh,
      scratch_types=[
          pltpu.VMEM((NBUF, LT, TILE), jnp.int32),
          pltpu.VMEM((NBUF, LT, TILE, DIM), jnp.float32),
          pltpu.VMEM((NBUF, LT, KB, 8, TILE), jnp.float32),
          pltpu.VMEM((LT, TILE * PITCH), jnp.float32),
          pltpu.SemaphoreType.DMA((NBUF,)),
          pltpu.SemaphoreType.DMA((NBUF,)),
          pltpu.SemaphoreType.DMA,
      ],
      compiler_params=pltpu.CompilerParams(
          use_tc_tiling_on_sc=False, needs_layout_passes=False),
  )
  return kfn(idxP, weight)


def kernel(idx, weight):
  idxP = jnp.transpose(
      jnp.transpose(idx).reshape(SEQ // 8, 8, NUM_ROWS // TILE, TILE),
      (0, 2, 1, 3))
  p = _emb(idxP, weight)
  return jnp.transpose(p, (2, 4, 0, 1, 3)).reshape(NUM_ROWS, SEQ, DIM)

# --- scband reference (transcript-rebuilt; emitter-appended) ---
"""Pipeline reference for scband-aoembedding-74388833566983 (READ-ONLY COPY).

The authoritative reference and input builder live on the scoring server;
editing this copy changes nothing except your own understanding.
"""

import jax, jax.numpy as jnp
import numpy as np

NUM_TOKENS = 100000
IRREPS_DIM = 48  # 24x0e (24*1) + 8x1o (8*3)


def setup_inputs(seed: int = 0) -> dict:
    key = jax.random.key(seed)
    k_idx, k_w = jax.random.split(key)
    idx = jax.random.randint(k_idx, (16384, 200), 0, NUM_TOKENS, dtype=jnp.int64 if jax.config.jax_enable_x64 else jnp.int32)
    weight = 0.1 * jax.random.normal(k_w, (NUM_TOKENS, IRREPS_DIM), dtype=jnp.float32)
    return {"idx": idx, "weight": weight}


def reference(idx, weight):
    # AOEmbedding.forward with freeze_s_vectors=False (mask is None):
    #   w = self.weight[idx]; return w
    w = jnp.take(weight, idx, axis=0)
    return w

if __name__ == "__main__":
    import jax
    _d = setup_inputs()
    print(jax.jit(kernel)(*tuple(_d.values())))

</pallas_src>

<mosaic_0001>
#map = affine_map<(d0, d1) -> (0, 0, 0, 0)>
#map1 = affine_map<(d0, d1) -> (0, 0)>
#map2 = affine_map<(d0, d1) -> (0, 0, 0, 0, 0)>
module attributes {stable_mosaic.version = 14 : i64} {
  func.func @_emb_kernel(%arg0: i32, %arg1: i32, %arg2: memref<25x128x8x128xi32, #tpu.memory_space<hbm>>, %arg3: memref<100000x48xf32, #tpu.memory_space<hbm>>, %arg4: memref<200x6x128x8x128xf32, #tpu.memory_space<hbm>>, %arg5: memref<2x4x128xi32, #tpu.memory_space<vmem>>, %arg6: memref<2x4x128x48xf32, #tpu.memory_space<vmem>>, %arg7: memref<2x4x6x8x128xf32, #tpu.memory_space<vmem>>, %arg8: memref<4x6272xf32, #tpu.memory_space<vmem>>, %arg9: memref<2x!tpu.dma_semaphore, #tpu.memory_space<semaphore_mem>>, %arg10: memref<2x!tpu.dma_semaphore, #tpu.memory_space<semaphore_mem>>, %arg11: memref<!tpu.dma_semaphore, #tpu.memory_space<semaphore_mem>>) attributes {dimension_semantics = [#tpu.dimension_semantics<core_parallel>, #tpu.dimension_semantics<subcore_parallel>], iteration_bounds = array<i64: 2, 16>, scalar_prefetch = 0 : i64, scratch_operands = 7 : i64, tpu.core_type = #tpu.core_type<sc_vector_subcore>, window_params = [{transform_indices = #map}, {transform_indices = #map1}, {transform_indices = #map2}]} {
    %mul3A = arith.constant 2 : i32
    %mul3A_0 = arith.muli %arg1, %mul3A : i32
    %add3A = arith.addi %mul3A_0, %arg0 : i32
    %iota3A = tpu.iota {dimensions = array<i32: 0>} : vector<16xi32>
    %add3A_1 = arith.constant 0 : i32
    %add3A_2 = vector.broadcast %add3A_1 : i32 to vector<16xi32>
    %add3A_3 = arith.addi %iota3A, %add3A_2 : vector<16xi32>
    %mul3A_4 = arith.constant 49 : i32
    %mul3A_5 = vector.broadcast %mul3A_4 : i32 to vector<16xi32>
    %mul3A_6 = arith.muli %add3A_3, %mul3A_5 : vector<16xi32>
    %add3A_7 = arith.constant 16 : i32
    %add3A_8 = vector.broadcast %add3A_7 : i32 to vector<16xi32>
    %add3A_9 = arith.addi %iota3A, %add3A_8 : vector<16xi32>
    %mul3A_10 = arith.constant 49 : i32
    %mul3A_11 = vector.broadcast %mul3A_10 : i32 to vector<16xi32>
    %mul3A_12 = arith.muli %add3A_9, %mul3A_11 : vector<16xi32>
    %add3A_13 = arith.constant 32 : i32
    %add3A_14 = vector.broadcast %add3A_13 : i32 to vector<16xi32>
    %add3A_15 = arith.addi %iota3A, %add3A_14 : vector<16xi32>
    %mul3A_16 = arith.constant 49 : i32
    %mul3A_17 = vector.broadcast %mul3A_16 : i32 to vector<16xi32>
    %mul3A_18 = arith.muli %add3A_15, %mul3A_17 : vector<16xi32>
    %add3A_19 = arith.constant 48 : i32
    %add3A_20 = vector.broadcast %add3A_19 : i32 to vector<16xi32>
    %add3A_21 = arith.addi %iota3A, %add3A_20 : vector<16xi32>
    %mul3A_22 = arith.constant 49 : i32
    %mul3A_23 = vector.broadcast %mul3A_22 : i32 to vector<16xi32>
    %mul3A_24 = arith.muli %add3A_21, %mul3A_23 : vector<16xi32>
    %add3A_25 = arith.constant 64 : i32
    %add3A_26 = vector.broadcast %add3A_25 : i32 to vector<16xi32>
    %add3A_27 = arith.addi %iota3A, %add3A_26 : vector<16xi32>
    %mul3A_28 = arith.constant 49 : i32
    %mul3A_29 = vector.broadcast %mul3A_28 : i32 to vector<16xi32>
    %mul3A_30 = arith.muli %add3A_27, %mul3A_29 : vector<16xi32>
    %add3A_31 = arith.constant 80 : i32
    %add3A_32 = vector.broadcast %add3A_31 : i32 to vector<16xi32>
    %add3A_33 = arith.addi %iota3A, %add3A_32 : vector<16xi32>
    %mul3A_34 = arith.constant 49 : i32
    %mul3A_35 = vector.broadcast %mul3A_34 : i32 to vector<16xi32>
    %mul3A_36 = arith.muli %add3A_33, %mul3A_35 : vector<16xi32>
    %add3A_37 = arith.constant 96 : i32
    %add3A_38 = vector.broadcast %add3A_37 : i32 to vector<16xi32>
    %add3A_39 = arith.addi %iota3A, %add3A_38 : vector<16xi32>
    %mul3A_40 = arith.constant 49 : i32
    %mul3A_41 = vector.broadcast %mul3A_40 : i32 to vector<16xi32>
    %mul3A_42 = arith.muli %add3A_39, %mul3A_41 : vector<16xi32>
    %add3A_43 = arith.constant 112 : i32
    %add3A_44 = vector.broadcast %add3A_43 : i32 to vector<16xi32>
    %add3A_45 = arith.addi %iota3A, %add3A_44 : vector<16xi32>
    %mul3A_46 = arith.constant 49 : i32
    %mul3A_47 = vector.broadcast %mul3A_46 : i32 to vector<16xi32>
    %mul3A_48 = arith.muli %add3A_45, %mul3A_47 : vector<16xi32>
    %div3A = arith.constant 0 : i32
    %div3A_49 = arith.constant 8 : i32
    %div3A_50 = arith.divsi %div3A, %div3A_49 : i32
    %mul3A_51 = arith.constant 4 : i32
    %mul3A_52 = arith.muli %mul3A_51, %add3A : i32
    %rem3A = arith.constant 0 : i32
    %rem3A_53 = arith.constant 8 : i32
    %rem3A_54 = arith.remsi %rem3A, %rem3A_53 : i32
    %dma_start3A = arith.constant 0 : i32
    %dma_start3A_55 = arith.constant 0 : i32
    %dma_start3A_56 = arith.constant 0 : i32
    %dma_start3A_57 = tpu.memref_slice %arg5[%dma_start3A, %dma_start3A_55, %dma_start3A_56] : memref<2x4x128xi32, #tpu.memory_space<vmem>> -> memref<1x4x128xi32, #tpu.memory_space<vmem>>
    %dma_start3A_58 = tpu.memref_squeeze %dma_start3A_57 : memref<1x4x128xi32, #tpu.memory_space<vmem>> -> memref<4x128xi32, #tpu.memory_space<vmem>>
    %dma_start3A_59 = arith.constant 0 : i32
    %dma_start3A_60 = tpu.memref_slice %arg2[%div3A_50, %mul3A_52, %rem3A_54, %dma_start3A_59] : memref<25x128x8x128xi32, #tpu.memory_space<hbm>> -> memref<1x4x1x128xi32, #tpu.memory_space<hbm>>
    %dma_start3A_61 = tpu.memref_squeeze %dma_start3A_60 : memref<1x4x1x128xi32, #tpu.memory_space<hbm>> -> memref<4x128xi32, #tpu.memory_space<hbm>>
    %dma_start3A_62 = arith.constant 0 : i32
    %dma_start3A_63 = arith.constant 0 : i32
    %dma_start3A_64 = tpu.memref_slice %arg5[%dma_start3A, %dma_start3A_62, %dma_start3A_63] : memref<2x4x128xi32, #tpu.memory_space<vmem>> -> memref<1x4x128xi32, #tpu.memory_space<vmem>>
    %dma_start3A_65 = tpu.memref_squeeze %dma_start3A_64 : memref<1x4x128xi32, #tpu.memory_space<vmem>> -> memref<4x128xi32, #tpu.memory_space<vmem>>
    %dma_start3A_66 = arith.constant 0 : i32
    %dma_start3A_67 = tpu.memref_slice %arg2[%div3A_50, %mul3A_52, %rem3A_54, %dma_start3A_66] : memref<25x128x8x128xi32, #tpu.memory_space<hbm>> -> memref<1x4x1x128xi32, #tpu.memory_space<hbm>>
    %dma_start3A_68 = tpu.memref_squeeze %dma_start3A_67 : memref<1x4x1x128xi32, #tpu.memory_space<hbm>> -> memref<4x128xi32, #tpu.memory_space<hbm>>
    tpu.enqueue_dma source(%dma_start3A_68 : memref<4x128xi32, #tpu.memory_space<hbm>>) target(%dma_start3A_65 : memref<4x128xi32, #tpu.memory_space<vmem>>) target_semaphore(%arg11 : memref<!tpu.dma_semaphore, #tpu.memory_space<semaphore_mem>>)
    %dma_wait3A = arith.constant 0 : i32
    %dma_wait3A_69 = arith.constant 0 : i32
    %dma_wait3A_70 = arith.constant 0 : i32
    %dma_wait3A_71 = arith.constant 0 : i32
    %dma_wait3A_72 = arith.constant 0 : i32
    %dma_wait3A_73 = tpu.memref_slice %arg5[%dma_wait3A_70, %dma_wait3A_71, %dma_wait3A_72] : memref<2x4x128xi32, #tpu.memory_space<vmem>> -> memref<1x4x128xi32, #tpu.memory_space<vmem>>
    %dma_wait3A_74 = tpu.memref_squeeze %dma_wait3A_73 : memref<1x4x128xi32, #tpu.memory_space<vmem>> -> memref<4x128xi32, #tpu.memory_space<vmem>>
    %dma_wait3A_75 = arith.constant 0 : i32
    %dma_wait3A_76 = arith.constant 0 : i32
    %dma_wait3A_77 = tpu.memref_slice %arg2[%dma_wait3A, %dma_wait3A_75, %dma_wait3A_69, %dma_wait3A_76] : memref<25x128x8x128xi32, #tpu.memory_space<hbm>> -> memref<1x4x1x128xi32, #tpu.memory_space<hbm>>
    %dma_wait3A_78 = tpu.memref_squeeze %dma_wait3A_77 : memref<1x4x1x128xi32, #tpu.memory_space<hbm>> -> memref<4x128xi32, #tpu.memory_space<hbm>>
    %dma_wait3A_79 = arith.constant 0 : i32
    %dma_wait3A_80 = arith.constant 0 : i32
    %dma_wait3A_81 = tpu.memref_slice %arg5[%dma_wait3A_70, %dma_wait3A_79, %dma_wait3A_80] : memref<2x4x128xi32, #tpu.memory_space<vmem>> -> memref<1x4x128xi32, #tpu.memory_space<vmem>>
    %dma_wait3A_82 = tpu.memref_squeeze %dma_wait3A_81 : memref<1x4x128xi32, #tpu.memory_space<vmem>> -> memref<4x128xi32, #tpu.memory_space<vmem>>
    %dma_wait3A_83 = arith.constant 0 : i32
    %dma_wait3A_84 = arith.constant 0 : i32
    %dma_wait3A_85 = tpu.memref_slice %arg2[%dma_wait3A, %dma_wait3A_83, %dma_wait3A_69, %dma_wait3A_84] : memref<25x128x8x128xi32, #tpu.memory_space<hbm>> -> memref<1x4x1x128xi32, #tpu.memory_space<hbm>>
    %dma_wait3A_86 = tpu.memref_squeeze %dma_wait3A_85 : memref<1x4x1x128xi32, #tpu.memory_space<hbm>> -> memref<4x128xi32, #tpu.memory_space<hbm>>
    tpu.wait_dma2 semaphore(%arg11 : memref<!tpu.dma_semaphore, #tpu.memory_space<semaphore_mem>>) src(%dma_wait3A_86 : memref<4x128xi32, #tpu.memory_space<hbm>>) dst(%dma_wait3A_82 : memref<4x128xi32, #tpu.memory_space<vmem>>)
    %dma_start3A_87 = arith.constant 0 : i32
    %dma_start3A_88 = arith.constant 0 : i32
    %dma_start3A_89 = arith.constant 0 : i32
    %dma_start3A_90 = arith.constant 0 : i32
    %dma_start3A_91 = arith.constant 0 : i32
    %dma_start3A_92 = arith.constant 0 : i32
    %dma_start3A_93 = arith.constant 0 : i32
    %dma_start3A_94 = tpu.memref_slice %arg6[%dma_start3A_89, %dma_start3A_90, %dma_start3A_92, %dma_start3A_93] : memref<2x4x128x48xf32, #tpu.memory_space<vmem>> -> memref<1x1x128x48xf32, #tpu.memory_space<vmem>>
    %dma_start3A_95 = tpu.memref_squeeze %dma_start3A_94 : memref<1x1x128x48xf32, #tpu.memory_space<vmem>> -> memref<128x48xf32, #tpu.memory_space<vmem>>
    %dma_start3A_96 = arith.constant 0 : i32
    %dma_start3A_97 = tpu.memref_slice %arg5[%dma_start3A_87, %dma_start3A_88, %dma_start3A_96] : memref<2x4x128xi32, #tpu.memory_space<vmem>> -> memref<1x1x128xi32, #tpu.memory_space<vmem>>
    %dma_start3A_98 = tpu.memref_squeeze %dma_start3A_97 : memref<1x1x128xi32, #tpu.memory_space<vmem>> -> memref<128xi32, #tpu.memory_space<vmem>>
    %dma_start3A_99 = arith.constant 0 : i32
    %dma_start3A_100 = arith.constant 0 : i32
    %dma_start3A_101 = tpu.memref_slice %arg3[%dma_start3A_99, %dma_start3A_100] : memref<100000x48xf32, #tpu.memory_space<hbm>> -> memref<100000x48xf32, #tpu.memory_space<hbm>>
    %dma_start3A_102 = tpu.memref_slice %arg9[%dma_start3A_91] : memref<2x!tpu.dma_semaphore, #tpu.memory_space<semaphore_mem>> -> memref<1x!tpu.dma_semaphore, #tpu.memory_space<semaphore_mem>>
    %dma_start3A_103 = tpu.memref_squeeze %dma_start3A_102 : memref<1x!tpu.dma_semaphore, #tpu.memory_space<semaphore_mem>> -> memref<!tpu.dma_semaphore, #tpu.memory_space<semaphore_mem>>
    tpu.enqueue_indirect_dma source(%dma_start3A_101 : memref<100000x48xf32, #tpu.memory_space<hbm>>) target(%dma_start3A_95 : memref<128x48xf32, #tpu.memory_space<vmem>>) offsets(%dma_start3A_98 : memref<128xi32, #tpu.memory_space<vmem>>) semaphore(%dma_start3A_103 : memref<!tpu.dma_semaphore, #tpu.memory_space<semaphore_mem>>)
    %dma_start3A_104 = arith.constant 0 : i32
    %dma_start3A_105 = arith.constant 1 : i32
    %dma_start3A_106 = arith.constant 0 : i32
    %dma_start3A_107 = arith.constant 1 : i32
    %dma_start3A_108 = arith.constant 0 : i32
    %dma_start3A_109 = arith.constant 0 : i32
    %dma_start3A_110 = arith.constant 0 : i32
    %dma_start3A_111 = tpu.memref_slice %arg6[%dma_start3A_106, %dma_start3A_107, %dma_start3A_109, %dma_start3A_110] : memref<2x4x128x48xf32, #tpu.memory_space<vmem>> -> memref<1x1x128x48xf32, #tpu.memory_space<vmem>>
    %dma_start3A_112 = tpu.memref_squeeze %dma_start3A_111 : memref<1x1x128x48xf32, #tpu.memory_space<vmem>> -> memref<128x48xf32, #tpu.memory_space<vmem>>
    %dma_start3A_113 = arith.constant 0 : i32
    %dma_start3A_114 = tpu.memref_slice %arg5[%dma_start3A_104, %dma_start3A_105, %dma_start3A_113] : memref<2x4x128xi32, #tpu.memory_space<vmem>> -> memref<1x1x128xi32, #tpu.memory_space<vmem>>
    %dma_start3A_115 = tpu.memref_squeeze %dma_start3A_114 : memref<1x1x128xi32, #tpu.memory_space<vmem>> -> memref<128xi32, #tpu.memory_space<vmem>>
    %dma_start3A_116 = arith.constant 0 : i32
    %dma_start3A_117 = arith.constant 0 : i32
    %dma_start3A_118 = tpu.memref_slice %arg3[%dma_start3A_116, %dma_start3A_117] : memref<100000x48xf32, #tpu.memory_space<hbm>> -> memref<100000x48xf32, #tpu.memory_space<hbm>>
    %dma_start3A_119 = tpu.memref_slice %arg9[%dma_start3A_108] : memref<2x!tpu.dma_semaphore, #tpu.memory_space<semaphore_mem>> -> memref<1x!tpu.dma_semaphore, #tpu.memory_space<semaphore_mem>>
    %dma_start3A_120 = tpu.memref_squeeze %dma_start3A_119 : memref<1x!tpu.dma_semaphore, #tpu.memory_space<semaphore_mem>> -> memref<!tpu.dma_semaphore, #tpu.memory_space<semaphore_mem>>
    tpu.enqueue_indirect_dma source(%dma_start3A_118 : memref<100000x48xf32, #tpu.memory_space<hbm>>) target(%dma_start3A_112 : memref<128x48xf32, #tpu.memory_space<vmem>>) offsets(%dma_start3A_115 : memref<128xi32, #tpu.memory_space<vmem>>) semaphore(%dma_start3A_120 : memref<!tpu.dma_semaphore, #tpu.memory_space<semaphore_mem>>)
    %dma_start3A_121 = arith.constant 0 : i32
    %dma_start3A_122 = arith.constant 2 : i32
    %dma_start3A_123 = arith.constant 0 : i32
    %dma_start3A_124 = arith.constant 2 : i32
    %dma_start3A_125 = arith.constant 0 : i32
    %dma_start3A_126 = arith.constant 0 : i32
    %dma_start3A_127 = arith.constant 0 : i32
    %dma_start3A_128 = tpu.memref_slice %arg6[%dma_start3A_123, %dma_start3A_124, %dma_start3A_126, %dma_start3A_127] : memref<2x4x128x48xf32, #tpu.memory_space<vmem>> -> memref<1x1x128x48xf32, #tpu.memory_space<vmem>>
    %dma_start3A_129 = tpu.memref_squeeze %dma_start3A_128 : memref<1x1x128x48xf32, #tpu.memory_space<vmem>> -> memref<128x48xf32, #tpu.memory_space<vmem>>
    %dma_start3A_130 = arith.constant 0 : i32
    %dma_start3A_131 = tpu.memref_slice %arg5[%dma_start3A_121, %dma_start3A_122, %dma_start3A_130] : memref<2x4x128xi32, #tpu.memory_space<vmem>> -> memref<1x1x128xi32, #tpu.memory_space<vmem>>
    %dma_start3A_132 = tpu.memref_squeeze %dma_start3A_131 : memref<1x1x128xi32, #tpu.memory_space<vmem>> -> memref<128xi32, #tpu.memory_space<vmem>>
    %dma_start3A_133 = arith.constant 0 : i32
    %dma_start3A_134 = arith.constant 0 : i32
    %dma_start3A_135 = tpu.memref_slice %arg3[%dma_start3A_133, %dma_start3A_134] : memref<100000x48xf32, #tpu.memory_space<hbm>> -> memref<100000x48xf32, #tpu.memory_space<hbm>>
    %dma_start3A_136 = tpu.memref_slice %arg9[%dma_start3A_125] : memref<2x!tpu.dma_semaphore, #tpu.memory_space<semaphore_mem>> -> memref<1x!tpu.dma_semaphore, #tpu.memory_space<semaphore_mem>>
    %dma_start3A_137 = tpu.memref_squeeze %dma_start3A_136 : memref<1x!tpu.dma_semaphore, #tpu.memory_space<semaphore_mem>> -> memref<!tpu.dma_semaphore, #tpu.memory_space<semaphore_mem>>
    tpu.enqueue_indirect_dma source(%dma_start3A_135 : memref<100000x48xf32, #tpu.memory_space<hbm>>) target(%dma_start3A_129 : memref<128x48xf32, #tpu.memory_space<vmem>>) offsets(%dma_start3A_132 : memref<128xi32, #tpu.memory_space<vmem>>) semaphore(%dma_start3A_137 : memref<!tpu.dma_semaphore, #tpu.memory_space<semaphore_mem>>)
    %dma_start3A_138 = arith.constant 0 : i32
    %dma_start3A_139 = arith.constant 3 : i32
    %dma_start3A_140 = arith.constant 0 : i32
    %dma_start3A_141 = arith.constant 3 : i32
    %dma_start3A_142 = arith.constant 0 : i32
    %dma_start3A_143 = arith.constant 0 : i32
    %dma_start3A_144 = arith.constant 0 : i32
    %dma_start3A_145 = tpu.memref_slice %arg6[%dma_start3A_140, %dma_start3A_141, %dma_start3A_143, %dma_start3A_144] : memref<2x4x128x48xf32, #tpu.memory_space<vmem>> -> memref<1x1x128x48xf32, #tpu.memory_space<vmem>>
    %dma_start3A_146 = tpu.memref_squeeze %dma_start3A_145 : memref<1x1x128x48xf32, #tpu.memory_space<vmem>> -> memref<128x48xf32, #tpu.memory_space<vmem>>
    %dma_start3A_147 = arith.constant 0 : i32
    %dma_start3A_148 = tpu.memref_slice %arg5[%dma_start3A_138, %dma_start3A_139, %dma_start3A_147] : memref<2x4x128xi32, #tpu.memory_space<vmem>> -> memref<1x1x128xi32, #tpu.memory_space<vmem>>
    %dma_start3A_149 = tpu.memref_squeeze %dma_start3A_148 : memref<1x1x128xi32, #tpu.memory_space<vmem>> -> memref<128xi32, #tpu.memory_space<vmem>>
    %dma_start3A_150 = arith.constant 0 : i32
    %dma_start3A_151 = arith.constant 0 : i32
    %dma_start3A_152 = tpu.memref_slice %arg3[%dma_start3A_150, %dma_start3A_151] : memref<100000x48xf32, #tpu.memory_space<hbm>> -> memref<100000x48xf32, #tpu.memory_space<hbm>>
    %dma_start3A_153 = tpu.memref_slice %arg9[%dma_start3A_142] : memref<2x!tpu.dma_semaphore, #tpu.memory_space<semaphore_mem>> -> memref<1x!tpu.dma_semaphore, #tpu.memory_space<semaphore_mem>>
    %dma_start3A_154 = tpu.memref_squeeze %dma_start3A_153 : memref<1x!tpu.dma_semaphore, #tpu.memory_space<semaphore_mem>> -> memref<!tpu.dma_semaphore, #tpu.memory_space<semaphore_mem>>
    tpu.enqueue_indirect_dma source(%dma_start3A_152 : memref<100000x48xf32, #tpu.memory_space<hbm>>) target(%dma_start3A_146 : memref<128x48xf32, #tpu.memory_space<vmem>>) offsets(%dma_start3A_149 : memref<128xi32, #tpu.memory_space<vmem>>) semaphore(%dma_start3A_154 : memref<!tpu.dma_semaphore, #tpu.memory_space<semaphore_mem>>)
    %div3A_155 = arith.constant 1 : i32
    %div3A_156 = arith.constant 8 : i32
    %div3A_157 = arith.divsi %div3A_155, %div3A_156 : i32
    %mul3A_158 = arith.constant 4 : i32
    %mul3A_159 = arith.muli %mul3A_158, %add3A : i32
    %rem3A_160 = arith.constant 1 : i32
    %rem3A_161 = arith.constant 8 : i32
    %rem3A_162 = arith.remsi %rem3A_160, %rem3A_161 : i32
    %dma_start3A_163 = arith.constant 1 : i32
    %dma_start3A_164 = arith.constant 0 : i32
    %dma_start3A_165 = arith.constant 0 : i32
    %dma_start3A_166 = tpu.memref_slice %arg5[%dma_start3A_163, %dma_start3A_164, %dma_start3A_165] : memref<2x4x128xi32, #tpu.memory_space<vmem>> -> memref<1x4x128xi32, #tpu.memory_space<vmem>>
    %dma_start3A_167 = tpu.memref_squeeze %dma_start3A_166 : memref<1x4x128xi32, #tpu.memory_space<vmem>> -> memref<4x128xi32, #tpu.memory_space<vmem>>
    %dma_start3A_168 = arith.constant 0 : i32
    %dma_start3A_169 = tpu.memref_slice %arg2[%div3A_157, %mul3A_159, %rem3A_162, %dma_start3A_168] : memref<25x128x8x128xi32, #tpu.memory_space<hbm>> -> memref<1x4x1x128xi32, #tpu.memory_space<hbm>>
    %dma_start3A_170 = tpu.memref_squeeze %dma_start3A_169 : memref<1x4x1x128xi32, #tpu.memory_space<hbm>> -> memref<4x128xi32, #tpu.memory_space<hbm>>
    %dma_start3A_171 = arith.constant 0 : i32
    %dma_start3A_172 = arith.constant 0 : i32
    %dma_start3A_173 = tpu.memref_slice %arg5[%dma_start3A_163, %dma_start3A_171, %dma_start3A_172] : memref<2x4x128xi32, #tpu.memory_space<vmem>> -> memref<1x4x128xi32, #tpu.memory_space<vmem>>
    %dma_start3A_174 = tpu.memref_squeeze %dma_start3A_173 : memref<1x4x128xi32, #tpu.memory_space<vmem>> -> memref<4x128xi32, #tpu.memory_space<vmem>>
    %dma_start3A_175 = arith.constant 0 : i32
    %dma_start3A_176 = tpu.memref_slice %arg2[%div3A_157, %mul3A_159, %rem3A_162, %dma_start3A_175] : memref<25x128x8x128xi32, #tpu.memory_space<hbm>> -> memref<1x4x1x128xi32, #tpu.memory_space<hbm>>
    %dma_start3A_177 = tpu.memref_squeeze %dma_start3A_176 : memref<1x4x1x128xi32, #tpu.memory_space<hbm>> -> memref<4x128xi32, #tpu.memory_space<hbm>>
    tpu.enqueue_dma source(%dma_start3A_177 : memref<4x128xi32, #tpu.memory_space<hbm>>) target(%dma_start3A_174 : memref<4x128xi32, #tpu.memory_space<vmem>>) target_semaphore(%arg11 : memref<!tpu.dma_semaphore, #tpu.memory_space<semaphore_mem>>)
    %scan3A = arith.constant 0 : i32
    %scan3A_178 = arith.constant 0 : i32
    %scan3A_179 = arith.constant 200 : i32
    %scan3A_180 = arith.addi %scan3A_178, %scan3A_179 : i32
    %scan3A_181 = arith.constant 1 : i32
    scf.for %scan3A_399 = %scan3A_178 to %scan3A_180 step %scan3A_181  : i32 {
      %rem3A_400 = arith.constant 2 : i32
      %rem3A_401 = arith.remsi %scan3A_399, %rem3A_400 : i32
      %add3A_402 = arith.constant 1 : i32
      %add3A_403 = arith.addi %scan3A_399, %add3A_402 : i32
      %rem3A_404 = arith.constant 2 : i32
      %rem3A_405 = arith.remsi %add3A_403, %rem3A_404 : i32
      %ge3A = arith.constant 2 : i32
      %ge3A_406 = arith.cmpi sge, %scan3A_399, %ge3A : i32
      %convert_element_type3A = arith.extui %ge3A_406 : i1 to i32
      %cond3A = arith.constant 0 : i32
      %cond3A_407 = arith.cmpi ne, %convert_element_type3A, %cond3A : i32
      scf.if %cond3A_407 {
        %dma_wait3A_602 = arith.constant 0 : i32
        %dma_wait3A_603 = arith.constant 0 : i32
        %dma_wait3A_604 = arith.constant 0 : i32
        %dma_wait3A_605 = arith.constant 0 : i32
        %dma_wait3A_606 = arith.constant 0 : i32
        %dma_wait3A_607 = arith.constant 0 : i32
        %dma_wait3A_608 = tpu.memref_slice %arg7[%rem3A_401, %dma_wait3A_602, %dma_wait3A_605, %dma_wait3A_606, %dma_wait3A_607] : memref<2x4x6x8x128xf32, #tpu.memory_space<vmem>> -> memref<1x1x6x8x128xf32, #tpu.memory_space<vmem>>
        %dma_wait3A_609 = tpu.memref_squeeze %dma_wait3A_608 : memref<1x1x6x8x128xf32, #tpu.memory_space<vmem>> -> memref<6x8x128xf32, #tpu.memory_space<vmem>>
        %dma_wait3A_610 = arith.constant 0 : i32
        %dma_wait3A_611 = arith.constant 0 : i32
        %dma_wait3A_612 = arith.constant 0 : i32
        %dma_wait3A_613 = tpu.memref_slice %arg4[%dma_wait3A_603, %dma_wait3A_610, %dma_wait3A_604, %dma_wait3A_611, %dma_wait3A_612] : memref<200x6x128x8x128xf32, #tpu.memory_space<hbm>> -> memref<1x6x1x8x128xf32, #tpu.memory_space<hbm>>
        %dma_wait3A_614 = tpu.memref_squeeze %dma_wait3A_613 : memref<1x6x1x8x128xf32, #tpu.memory_space<hbm>> -> memref<6x8x128xf32, #tpu.memory_space<hbm>>
        %dma_wait3A_615 = tpu.memref_slice %arg10[%rem3A_401] : memref<2x!tpu.dma_semaphore, #tpu.memory_space<semaphore_mem>> -> memref<1x!tpu.dma_semaphore, #tpu.memory_space<semaphore_mem>>
        %dma_wait3A_616 = tpu.memref_squeeze %dma_wait3A_615 : memref<1x!tpu.dma_semaphore, #tpu.memory_space<semaphore_mem>> -> memref<!tpu.dma_semaphore, #tpu.memory_space<semaphore_mem>>
        %dma_wait3A_617 = arith.constant 0 : i32
        %dma_wait3A_618 = arith.constant 0 : i32
        %dma_wait3A_619 = arith.constant 0 : i32
        %dma_wait3A_620 = tpu.memref_slice %arg4[%dma_wait3A_603, %dma_wait3A_617, %dma_wait3A_604, %dma_wait3A_618, %dma_wait3A_619] : memref<200x6x128x8x128xf32, #tpu.memory_space<hbm>> -> memref<1x6x1x8x128xf32, #tpu.memory_space<hbm>>
        %dma_wait3A_621 = tpu.memref_squeeze %dma_wait3A_620 : memref<1x6x1x8x128xf32, #tpu.memory_space<hbm>> -> memref<6x8x128xf32, #tpu.memory_space<hbm>>
        %dma_wait3A_622 = arith.constant 0 : i32
        %dma_wait3A_623 = arith.constant 0 : i32
        %dma_wait3A_624 = arith.constant 0 : i32
        %dma_wait3A_625 = tpu.memref_slice %arg7[%rem3A_401, %dma_wait3A_602, %dma_wait3A_622, %dma_wait3A_623, %dma_wait3A_624] : memref<2x4x6x8x128xf32, #tpu.memory_space<vmem>> -> memref<1x1x6x8x128xf32, #tpu.memory_space<vmem>>
        %dma_wait3A_626 = tpu.memref_squeeze %dma_wait3A_625 : memref<1x1x6x8x128xf32, #tpu.memory_space<vmem>> -> memref<6x8x128xf32, #tpu.memory_space<vmem>>
        tpu.wait_dma2 semaphore(%dma_wait3A_616 : memref<!tpu.dma_semaphore, #tpu.memory_space<semaphore_mem>>) src(%dma_wait3A_626 : memref<6x8x128xf32, #tpu.memory_space<vmem>>) dst(%dma_wait3A_621 : memref<6x8x128xf32, #tpu.memory_space<hbm>>)
        %dma_wait3A_627 = arith.constant 0 : i32
        %dma_wait3A_628 = arith.constant 0 : i32
        %dma_wait3A_629 = arith.constant 0 : i32
        %dma_wait3A_630 = arith.constant 0 : i32
        %dma_wait3A_631 = arith.constant 0 : i32
        %dma_wait3A_632 = arith.constant 0 : i32
        %dma_wait3A_633 = tpu.memref_slice %arg7[%rem3A_401, %dma_wait3A_627, %dma_wait3A_630, %dma_wait3A_631, %dma_wait3A_632] : memref<2x4x6x8x128xf32, #tpu.memory_space<vmem>> -> memref<1x1x6x8x128xf32, #tpu.memory_space<vmem>>
        %dma_wait3A_634 = tpu.memref_squeeze %dma_wait3A_633 : memref<1x1x6x8x128xf32, #tpu.memory_space<vmem>> -> memref<6x8x128xf32, #tpu.memory_space<vmem>>
        %dma_wait3A_635 = arith.constant 0 : i32
        %dma_wait3A_636 = arith.constant 0 : i32
        %dma_wait3A_637 = arith.constant 0 : i32
        %dma_wait3A_638 = tpu.memref_slice %arg4[%dma_wait3A_628, %dma_wait3A_635, %dma_wait3A_629, %dma_wait3A_636, %dma_wait3A_637] : memref<200x6x128x8x128xf32, #tpu.memory_space<hbm>> -> memref<1x6x1x8x128xf32, #tpu.memory_space<hbm>>
        %dma_wait3A_639 = tpu.memref_squeeze %dma_wait3A_638 : memref<1x6x1x8x128xf32, #tpu.memory_space<hbm>> -> memref<6x8x128xf32, #tpu.memory_space<hbm>>
        %dma_wait3A_640 = tpu.memref_slice %arg10[%rem3A_401] : memref<2x!tpu.dma_semaphore, #tpu.memory_space<semaphore_mem>> -> memref<1x!tpu.dma_semaphore, #tpu.memory_space<semaphore_mem>>
        %dma_wait3A_641 = tpu.memref_squeeze %dma_wait3A_640 : memref<1x!tpu.dma_semaphore, #tpu.memory_space<semaphore_mem>> -> memref<!tpu.dma_semaphore, #tpu.memory_space<semaphore_mem>>
        %dma_wait3A_642 = arith.constant 0 : i32
        %dma_wait3A_643 = arith.constant 0 : i32
        %dma_wait3A_644 = arith.constant 0 : i32
        %dma_wait3A_645 = tpu.memref_slice %arg4[%dma_wait3A_628, %dma_wait3A_642, %dma_wait3A_629, %dma_wait3A_643, %dma_wait3A_644] : memref<200x6x128x8x128xf32, #tpu.memory_space<hbm>> -> memref<1x6x1x8x128xf32, #tpu.memory_space<hbm>>
        %dma_wait3A_646 = tpu.memref_squeeze %dma_wait3A_645 : memref<1x6x1x8x128xf32, #tpu.memory_space<hbm>> -> memref<6x8x128xf32, #tpu.memory_space<hbm>>
        %dma_wait3A_647 = arith.constant 0 : i32
        %dma_wait3A_648 = arith.constant 0 : i32
        %dma_wait3A_649 = arith.constant 0 : i32
        %dma_wait3A_650 = tpu.memref_slice %arg7[%rem3A_401, %dma_wait3A_627, %dma_wait3A_647, %dma_wait3A_648, %dma_wait3A_649] : memref<2x4x6x8x128xf32, #tpu.memory_space<vmem>> -> memref<1x1x6x8x128xf32, #tpu.memory_space<vmem>>
        %dma_wait3A_651 = tpu.memref_squeeze %dma_wait3A_650 : memref<1x1x6x8x128xf32, #tpu.memory_space<vmem>> -> memref<6x8x128xf32, #tpu.memory_space<vmem>>
        tpu.wait_dma2 semaphore(%dma_wait3A_641 : memref<!tpu.dma_semaphore, #tpu.memory_space<semaphore_mem>>) src(%dma_wait3A_651 : memref<6x8x128xf32, #tpu.memory_space<vmem>>) dst(%dma_wait3A_646 : memref<6x8x128xf32, #tpu.memory_space<hbm>>)
        %dma_wait3A_652 = arith.constant 0 : i32
        %dma_wait3A_653 = arith.constant 0 : i32
        %dma_wait3A_654 = arith.constant 0 : i32
        %dma_wait3A_655 = arith.constant 0 : i32
        %dma_wait3A_656 = arith.constant 0 : i32
        %dma_wait3A_657 = arith.constant 0 : i32
        %dma_wait3A_658 = tpu.memref_slice %arg7[%rem3A_401, %dma_wait3A_652, %dma_wait3A_655, %dma_wait3A_656, %dma_wait3A_657] : memref<2x4x6x8x128xf32, #tpu.memory_space<vmem>> -> memref<1x1x6x8x128xf32, #tpu.memory_space<vmem>>
        %dma_wait3A_659 = tpu.memref_squeeze %dma_wait3A_658 : memref<1x1x6x8x128xf32, #tpu.memory_space<vmem>> -> memref<6x8x128xf32, #tpu.memory_space<vmem>>
        %dma_wait3A_660 = arith.constant 0 : i32
        %dma_wait3A_661 = arith.constant 0 : i32
        %dma_wait3A_662 = arith.constant 0 : i32
        %dma_wait3A_663 = tpu.memref_slice %arg4[%dma_wait3A_653, %dma_wait3A_660, %dma_wait3A_654, %dma_wait3A_661, %dma_wait3A_662] : memref<200x6x128x8x128xf32, #tpu.memory_space<hbm>> -> memref<1x6x1x8x128xf32, #tpu.memory_space<hbm>>
        %dma_wait3A_664 = tpu.memref_squeeze %dma_wait3A_663 : memref<1x6x1x8x128xf32, #tpu.memory_space<hbm>> -> memref<6x8x128xf32, #tpu.memory_space<hbm>>
        %dma_wait3A_665 = tpu.memref_slice %arg10[%rem3A_401] : memref<2x!tpu.dma_semaphore, #tpu.memory_space<semaphore_mem>> -> memref<1x!tpu.dma_semaphore, #tpu.memory_space<semaphore_mem>>
        %dma_wait3A_666 = tpu.memref_squeeze %dma_wait3A_665 : memref<1x!tpu.dma_semaphore, #tpu.memory_space<semaphore_mem>> -> memref<!tpu.dma_semaphore, #tpu.memory_space<semaphore_mem>>
        %dma_wait3A_667 = arith.constant 0 : i32
        %dma_wait3A_668 = arith.constant 0 : i32
        %dma_wait3A_669 = arith.constant 0 : i32
        %dma_wait3A_670 = tpu.memref_slice %arg4[%dma_wait3A_653, %dma_wait3A_667, %dma_wait3A_654, %dma_wait3A_668, %dma_wait3A_669] : memref<200x6x128x8x128xf32, #tpu.memory_space<hbm>> -> memref<1x6x1x8x128xf32, #tpu.memory_space<hbm>>
        %dma_wait3A_671 = tpu.memref_squeeze %dma_wait3A_670 : memref<1x6x1x8x128xf32, #tpu.memory_space<hbm>> -> memref<6x8x128xf32, #tpu.memory_space<hbm>>
        %dma_wait3A_672 = arith.constant 0 : i32
        %dma_wait3A_673 = arith.constant 0 : i32
        %dma_wait3A_674 = arith.constant 0 : i32
        %dma_wait3A_675 = tpu.memref_slice %arg7[%rem3A_401, %dma_wait3A_652, %dma_wait3A_672, %dma_wait3A_673, %dma_wait3A_674] : memref<2x4x6x8x128xf32, #tpu.memory_space<vmem>> -> memref<1x1x6x8x128xf32, #tpu.memory_space<vmem>>
        %dma_wait3A_676 = tpu.memref_squeeze %dma_wait3A_675 : memref<1x1x6x8x128xf32, #tpu.memory_space<vmem>> -> memref<6x8x128xf32, #tpu.memory_space<vmem>>
        tpu.wait_dma2 semaphore(%dma_wait3A_666 : memref<!tpu.dma_semaphore, #tpu.memory_space<semaphore_mem>>) src(%dma_wait3A_676 : memref<6x8x128xf32, #tpu.memory_space<vmem>>) dst(%dma_wait3A_671 : memref<6x8x128xf32, #tpu.memory_space<hbm>>)
        %dma_wait3A_677 = arith.constant 0 : i32
        %dma_wait3A_678 = arith.constant 0 : i32
        %dma_wait3A_679 = arith.constant 0 : i32
        %dma_wait3A_680 = arith.constant 0 : i32
        %dma_wait3A_681 = arith.constant 0 : i32
        %dma_wait3A_682 = arith.constant 0 : i32
        %dma_wait3A_683 = tpu.memref_slice %arg7[%rem3A_401, %dma_wait3A_677, %dma_wait3A_680, %dma_wait3A_681, %dma_wait3A_682] : memref<2x4x6x8x128xf32, #tpu.memory_space<vmem>> -> memref<1x1x6x8x128xf32, #tpu.memory_space<vmem>>
        %dma_wait3A_684 = tpu.memref_squeeze %dma_wait3A_683 : memref<1x1x6x8x128xf32, #tpu.memory_space<vmem>> -> memref<6x8x128xf32, #tpu.memory_space<vmem>>
        %dma_wait3A_685 = arith.constant 0 : i32
        %dma_wait3A_686 = arith.constant 0 : i32
        %dma_wait3A_687 = arith.constant 0 : i32
        %dma_wait3A_688 = tpu.memref_slice %arg4[%dma_wait3A_678, %dma_wait3A_685, %dma_wait3A_679, %dma_wait3A_686, %dma_wait3A_687] : memref<200x6x128x8x128xf32, #tpu.memory_space<hbm>> -> memref<1x6x1x8x128xf32, #tpu.memory_space<hbm>>
        %dma_wait3A_689 = tpu.memref_squeeze %dma_wait3A_688 : memref<1x6x1x8x128xf32, #tpu.memory_space<hbm>> -> memref<6x8x128xf32, #tpu.memory_space<hbm>>
        %dma_wait3A_690 = tpu.memref_slice %arg10[%rem3A_401] : memref<2x!tpu.dma_semaphore, #tpu.memory_space<semaphore_mem>> -> memref<1x!tpu.dma_semaphore, #tpu.memory_space<semaphore_mem>>
        %dma_wait3A_691 = tpu.memref_squeeze %dma_wait3A_690 : memref<1x!tpu.dma_semaphore, #tpu.memory_space<semaphore_mem>> -> memref<!tpu.dma_semaphore, #tpu.memory_space<semaphore_mem>>
        %dma_wait3A_692 = arith.constant 0 : i32
        %dma_wait3A_693 = arith.constant 0 : i32
        %dma_wait3A_694 = arith.constant 0 : i32
        %dma_wait3A_695 = tpu.memref_slice %arg4[%dma_wait3A_678, %dma_wait3A_692, %dma_wait3A_679, %dma_wait3A_693, %dma_wait3A_694] : memref<200x6x128x8x128xf32, #tpu.memory_space<hbm>> -> memref<1x6x1x8x128xf32, #tpu.memory_space<hbm>>
        %dma_wait3A_696 = tpu.memref_squeeze %dma_wait3A_695 : memref<1x6x1x8x128xf32, #tpu.memory_space<hbm>> -> memref<6x8x128xf32, #tpu.memory_space<hbm>>
        %dma_wait3A_697 = arith.constant 0 : i32
        %dma_wait3A_698 = arith.constant 0 : i32
        %dma_wait3A_699 = arith.constant 0 : i32
        %dma_wait3A_700 = tpu.memref_slice %arg7[%rem3A_401, %dma_wait3A_677, %dma_wait3A_697, %dma_wait3A_698, %dma_wait3A_699] : memref<2x4x6x8x128xf32, #tpu.memory_space<vmem>> -> memref<1x1x6x8x128xf32, #tpu.memory_space<vmem>>
        %dma_wait3A_701 = tpu.memref_squeeze %dma_wait3A_700 : memref<1x1x6x8x128xf32, #tpu.memory_space<vmem>> -> memref<6x8x128xf32, #tpu.memory_space<vmem>>
        tpu.wait_dma2 semaphore(%dma_wait3A_691 : memref<!tpu.dma_semaphore, #tpu.memory_space<semaphore_mem>>) src(%dma_wait3A_701 : memref<6x8x128xf32, #tpu.memory_space<vmem>>) dst(%dma_wait3A_696 : memref<6x8x128xf32, #tpu.memory_space<hbm>>)
      } else {
      }
      %add3A_408 = arith.constant 1 : i32
      %add3A_409 = arith.addi %scan3A_399, %add3A_408 : i32
      %lt3A = arith.constant 200 : i32
      %lt3A_410 = arith.cmpi slt, %add3A_409, %lt3A : i32
      %convert_element_type3A_411 = arith.extui %lt3A_410 : i1 to i32
      %cond3A_412 = arith.constant 0 : i32
      %cond3A_413 = arith.cmpi ne, %convert_element_type3A_411, %cond3A_412 : i32
      scf.if %cond3A_413 {
        %dma_wait3A_602 = arith.constant 0 : i32
        %dma_wait3A_603 = arith.constant 0 : i32
        %dma_wait3A_604 = arith.constant 0 : i32
        %dma_wait3A_605 = arith.constant 0 : i32
        %dma_wait3A_606 = tpu.memref_slice %arg5[%rem3A_405, %dma_wait3A_604, %dma_wait3A_605] : memref<2x4x128xi32, #tpu.memory_space<vmem>> -> memref<1x4x128xi32, #tpu.memory_space<vmem>>
        %dma_wait3A_607 = tpu.memref_squeeze %dma_wait3A_606 : memref<1x4x128xi32, #tpu.memory_space<vmem>> -> memref<4x128xi32, #tpu.memory_space<vmem>>
        %dma_wait3A_608 = arith.constant 0 : i32
        %dma_wait3A_609 = arith.constant 0 : i32
        %dma_wait3A_610 = tpu.memref_slice %arg2[%dma_wait3A_602, %dma_wait3A_608, %dma_wait3A_603, %dma_wait3A_609] : memref<25x128x8x128xi32, #tpu.memory_space<hbm>> -> memref<1x4x1x128xi32, #tpu.memory_space<hbm>>
        %dma_wait3A_611 = tpu.memref_squeeze %dma_wait3A_610 : memref<1x4x1x128xi32, #tpu.memory_space<hbm>> -> memref<4x128xi32, #tpu.memory_space<hbm>>
        %dma_wait3A_612 = arith.constant 0 : i32
        %dma_wait3A_613 = arith.constant 0 : i32
        %dma_wait3A_614 = tpu.memref_slice %arg5[%rem3A_405, %dma_wait3A_612, %dma_wait3A_613] : memref<2x4x128xi32, #tpu.memory_space<vmem>> -> memref<1x4x128xi32, #tpu.memory_space<vmem>>
        %dma_wait3A_615 = tpu.memref_squeeze %dma_wait3A_614 : memref<1x4x128xi32, #tpu.memory_space<vmem>> -> memref<4x128xi32, #tpu.memory_space<vmem>>
        %dma_wait3A_616 = arith.constant 0 : i32
        %dma_wait3A_617 = arith.constant 0 : i32
        %dma_wait3A_618 = tpu.memref_slice %arg2[%dma_wait3A_602, %dma_wait3A_616, %dma_wait3A_603, %dma_wait3A_617] : memref<25x128x8x128xi32, #tpu.memory_space<hbm>> -> memref<1x4x1x128xi32, #tpu.memory_space<hbm>>
        %dma_wait3A_619 = tpu.memref_squeeze %dma_wait3A_618 : memref<1x4x1x128xi32, #tpu.memory_space<hbm>> -> memref<4x128xi32, #tpu.memory_space<hbm>>
        tpu.wait_dma2 semaphore(%arg11 : memref<!tpu.dma_semaphore, #tpu.memory_space<semaphore_mem>>) src(%dma_wait3A_619 : memref<4x128xi32, #tpu.memory_space<hbm>>) dst(%dma_wait3A_615 : memref<4x128xi32, #tpu.memory_space<vmem>>)
        %dma_start3A_620 = arith.constant 0 : i32
        %dma_start3A_621 = arith.constant 0 : i32
        %dma_start3A_622 = arith.constant 0 : i32
        %dma_start3A_623 = arith.constant 0 : i32
        %dma_start3A_624 = tpu.memref_slice %arg6[%rem3A_405, %dma_start3A_621, %dma_start3A_622, %dma_start3A_623] : memref<2x4x128x48xf32, #tpu.memory_space<vmem>> -> memref<1x1x128x48xf32, #tpu.memory_space<vmem>>
        %dma_start3A_625 = tpu.memref_squeeze %dma_start3A_624 : memref<1x1x128x48xf32, #tpu.memory_space<vmem>> -> memref<128x48xf32, #tpu.memory_space<vmem>>
        %dma_start3A_626 = arith.constant 0 : i32
        %dma_start3A_627 = tpu.memref_slice %arg5[%rem3A_405, %dma_start3A_620, %dma_start3A_626] : memref<2x4x128xi32, #tpu.memory_space<vmem>> -> memref<1x1x128xi32, #tpu.memory_space<vmem>>
        %dma_start3A_628 = tpu.memref_squeeze %dma_start3A_627 : memref<1x1x128xi32, #tpu.memory_space<vmem>> -> memref<128xi32, #tpu.memory_space<vmem>>
        %dma_start3A_629 = arith.constant 0 : i32
        %dma_start3A_630 = arith.constant 0 : i32
        %dma_start3A_631 = tpu.memref_slice %arg3[%dma_start3A_629, %dma_start3A_630] : memref<100000x48xf32, #tpu.memory_space<hbm>> -> memref<100000x48xf32, #tpu.memory_space<hbm>>
        %dma_start3A_632 = tpu.memref_slice %arg9[%rem3A_405] : memref<2x!tpu.dma_semaphore, #tpu.memory_space<semaphore_mem>> -> memref<1x!tpu.dma_semaphore, #tpu.memory_space<semaphore_mem>>
        %dma_start3A_633 = tpu.memref_squeeze %dma_start3A_632 : memref<1x!tpu.dma_semaphore, #tpu.memory_space<semaphore_mem>> -> memref<!tpu.dma_semaphore, #tpu.memory_space<semaphore_mem>>
        tpu.enqueue_indirect_dma source(%dma_start3A_631 : memref<100000x48xf32, #tpu.memory_space<hbm>>) target(%dma_start3A_625 : memref<128x48xf32, #tpu.memory_space<vmem>>) offsets(%dma_start3A_628 : memref<128xi32, #tpu.memory_space<vmem>>) semaphore(%dma_start3A_633 : memref<!tpu.dma_semaphore, #tpu.memory_space<semaphore_mem>>)
        %dma_start3A_634 = arith.constant 1 : i32
        %dma_start3A_635 = arith.constant 1 : i32
        %dma_start3A_636 = arith.constant 0 : i32
        %dma_start3A_637 = arith.constant 0 : i32
        %dma_start3A_638 = tpu.memref_slice %arg6[%rem3A_405, %dma_start3A_635, %dma_start3A_636, %dma_start3A_637] : memref<2x4x128x48xf32, #tpu.memory_space<vmem>> -> memref<1x1x128x48xf32, #tpu.memory_space<vmem>>
        %dma_start3A_639 = tpu.memref_squeeze %dma_start3A_638 : memref<1x1x128x48xf32, #tpu.memory_space<vmem>> -> memref<128x48xf32, #tpu.memory_space<vmem>>
        %dma_start3A_640 = arith.constant 0 : i32
        %dma_start3A_641 = tpu.memref_slice %arg5[%rem3A_405, %dma_start3A_634, %dma_start3A_640] : memref<2x4x128xi32, #tpu.memory_space<vmem>> -> memref<1x1x128xi32, #tpu.memory_space<vmem>>
        %dma_start3A_642 = tpu.memref_squeeze %dma_start3A_641 : memref<1x1x128xi32, #tpu.memory_space<vmem>> -> memref<128xi32, #tpu.memory_space<vmem>>
        %dma_start3A_643 = arith.constant 0 : i32
        %dma_start3A_644 = arith.constant 0 : i32
        %dma_start3A_645 = tpu.memref_slice %arg3[%dma_start3A_643, %dma_start3A_644] : memref<100000x48xf32, #tpu.memory_space<hbm>> -> memref<100000x48xf32, #tpu.memory_space<hbm>>
        %dma_start3A_646 = tpu.memref_slice %arg9[%rem3A_405] : memref<2x!tpu.dma_semaphore, #tpu.memory_space<semaphore_mem>> -> memref<1x!tpu.dma_semaphore, #tpu.memory_space<semaphore_mem>>
        %dma_start3A_647 = tpu.memref_squeeze %dma_start3A_646 : memref<1x!tpu.dma_semaphore, #tpu.memory_space<semaphore_mem>> -> memref<!tpu.dma_semaphore, #tpu.memory_space<semaphore_mem>>
        tpu.enqueue_indirect_dma source(%dma_start3A_645 : memref<100000x48xf32, #tpu.memory_space<hbm>>) target(%dma_start3A_639 : memref<128x48xf32, #tpu.memory_space<vmem>>) offsets(%dma_start3A_642 : memref<128xi32, #tpu.memory_space<vmem>>) semaphore(%dma_start3A_647 : memref<!tpu.dma_semaphore, #tpu.memory_space<semaphore_mem>>)
        %dma_start3A_648 = arith.constant 2 : i32
        %dma_start3A_649 = arith.constant 2 : i32
        %dma_start3A_650 = arith.constant 0 : i32
        %dma_start3A_651 = arith.constant 0 : i32
        %dma_start3A_652 = tpu.memref_slice %arg6[%rem3A_405, %dma_start3A_649, %dma_start3A_650, %dma_start3A_651] : memref<2x4x128x48xf32, #tpu.memory_space<vmem>> -> memref<1x1x128x48xf32, #tpu.memory_space<vmem>>
        %dma_start3A_653 = tpu.memref_squeeze %dma_start3A_652 : memref<1x1x128x48xf32, #tpu.memory_space<vmem>> -> memref<128x48xf32, #tpu.memory_space<vmem>>
        %dma_start3A_654 = arith.constant 0 : i32
        %dma_start3A_655 = tpu.memref_slice %arg5[%rem3A_405, %dma_start3A_648, %dma_start3A_654] : memref<2x4x128xi32, #tpu.memory_space<vmem>> -> memref<1x1x128xi32, #tpu.memory_space<vmem>>
        %dma_start3A_656 = tpu.memref_squeeze %dma_start3A_655 : memref<1x1x128xi32, #tpu.memory_space<vmem>> -> memref<128xi32, #tpu.memory_space<vmem>>
        %dma_start3A_657 = arith.constant 0 : i32
        %dma_start3A_658 = arith.constant 0 : i32
        %dma_start3A_659 = tpu.memref_slice %arg3[%dma_start3A_657, %dma_start3A_658] : memref<100000x48xf32, #tpu.memory_space<hbm>> -> memref<100000x48xf32, #tpu.memory_space<hbm>>
        %dma_start3A_660 = tpu.memref_slice %arg9[%rem3A_405] : memref<2x!tpu.dma_semaphore, #tpu.memory_space<semaphore_mem>> -> memref<1x!tpu.dma_semaphore, #tpu.memory_space<semaphore_mem>>
        %dma_start3A_661 = tpu.memref_squeeze %dma_start3A_660 : memref<1x!tpu.dma_semaphore, #tpu.memory_space<semaphore_mem>> -> memref<!tpu.dma_semaphore, #tpu.memory_space<semaphore_mem>>
        tpu.enqueue_indirect_dma source(%dma_start3A_659 : memref<100000x48xf32, #tpu.memory_space<hbm>>) target(%dma_start3A_653 : memref<128x48xf32, #tpu.memory_space<vmem>>) offsets(%dma_start3A_656 : memref<128xi32, #tpu.memory_space<vmem>>) semaphore(%dma_start3A_661 : memref<!tpu.dma_semaphore, #tpu.memory_space<semaphore_mem>>)
        %dma_start3A_662 = arith.constant 3 : i32
        %dma_start3A_663 = arith.constant 3 : i32
        %dma_start3A_664 = arith.constant 0 : i32
        %dma_start3A_665 = arith.constant 0 : i32
        %dma_start3A_666 = tpu.memref_slice %arg6[%rem3A_405, %dma_start3A_663, %dma_start3A_664, %dma_start3A_665] : memref<2x4x128x48xf32, #tpu.memory_space<vmem>> -> memref<1x1x128x48xf32, #tpu.memory_space<vmem>>
        %dma_start3A_667 = tpu.memref_squeeze %dma_start3A_666 : memref<1x1x128x48xf32, #tpu.memory_space<vmem>> -> memref<128x48xf32, #tpu.memory_space<vmem>>
        %dma_start3A_668 = arith.constant 0 : i32
        %dma_start3A_669 = tpu.memref_slice %arg5[%rem3A_405, %dma_start3A_662, %dma_start3A_668] : memref<2x4x128xi32, #tpu.memory_space<vmem>> -> memref<1x1x128xi32, #tpu.memory_space<vmem>>
        %dma_start3A_670 = tpu.memref_squeeze %dma_start3A_669 : memref<1x1x128xi32, #tpu.memory_space<vmem>> -> memref<128xi32, #tpu.memory_space<vmem>>
        %dma_start3A_671 = arith.constant 0 : i32
        %dma_start3A_672 = arith.constant 0 : i32
        %dma_start3A_673 = tpu.memref_slice %arg3[%dma_start3A_671, %dma_start3A_672] : memref<100000x48xf32, #tpu.memory_space<hbm>> -> memref<100000x48xf32, #tpu.memory_space<hbm>>
        %dma_start3A_674 = tpu.memref_slice %arg9[%rem3A_405] : memref<2x!tpu.dma_semaphore, #tpu.memory_space<semaphore_mem>> -> memref<1x!tpu.dma_semaphore, #tpu.memory_space<semaphore_mem>>
        %dma_start3A_675 = tpu.memref_squeeze %dma_start3A_674 : memref<1x!tpu.dma_semaphore, #tpu.memory_space<semaphore_mem>> -> memref<!tpu.dma_semaphore, #tpu.memory_space<semaphore_mem>>
        tpu.enqueue_indirect_dma source(%dma_start3A_673 : memref<100000x48xf32, #tpu.memory_space<hbm>>) target(%dma_start3A_667 : memref<128x48xf32, #tpu.memory_space<vmem>>) offsets(%dma_start3A_670 : memref<128xi32, #tpu.memory_space<vmem>>) semaphore(%dma_start3A_675 : memref<!tpu.dma_semaphore, #tpu.memory_space<semaphore_mem>>)
      } else {
      }
      %dma_wait3A_414 = arith.constant 0 : i32
      %dma_wait3A_415 = arith.constant 0 : i32
      %dma_wait3A_416 = arith.constant 0 : i32
      %dma_wait3A_417 = tpu.memref_slice %arg6[%rem3A_401, %dma_wait3A_414, %dma_wait3A_415, %dma_wait3A_416] : memref<2x4x128x48xf32, #tpu.memory_space<vmem>> -> memref<1x1x128x48xf32, #tpu.memory_space<vmem>>
      %dma_wait3A_418 = tpu.memref_squeeze %dma_wait3A_417 : memref<1x1x128x48xf32, #tpu.memory_space<vmem>> -> memref<128x48xf32, #tpu.memory_space<vmem>>
      %dma_wait3A_419 = arith.constant 0 : i32
      %dma_wait3A_420 = arith.constant 0 : i32
      %dma_wait3A_421 = tpu.memref_slice %arg3[%dma_wait3A_419, %dma_wait3A_420] : memref<100000x48xf32, #tpu.memory_space<hbm>> -> memref<128x48xf32, #tpu.memory_space<hbm>>
      %dma_wait3A_422 = tpu.memref_slice %arg9[%rem3A_401] : memref<2x!tpu.dma_semaphore, #tpu.memory_space<semaphore_mem>> -> memref<1x!tpu.dma_semaphore, #tpu.memory_space<semaphore_mem>>
      %dma_wait3A_423 = tpu.memref_squeeze %dma_wait3A_422 : memref<1x!tpu.dma_semaphore, #tpu.memory_space<semaphore_mem>> -> memref<!tpu.dma_semaphore, #tpu.memory_space<semaphore_mem>>
      %dma_wait3A_424 = arith.constant 0 : i32
      %dma_wait3A_425 = arith.constant 0 : i32
      %dma_wait3A_426 = tpu.memref_slice %arg6[%rem3A_401, %dma_wait3A_414, %dma_wait3A_424, %dma_wait3A_425] : memref<2x4x128x48xf32, #tpu.memory_space<vmem>> -> memref<1x1x128x48xf32, #tpu.memory_space<vmem>>
      %dma_wait3A_427 = tpu.memref_squeeze %dma_wait3A_426 : memref<1x1x128x48xf32, #tpu.memory_space<vmem>> -> memref<128x48xf32, #tpu.memory_space<vmem>>
      %dma_wait3A_428 = arith.constant 0 : i32
      %dma_wait3A_429 = arith.constant 0 : i32
      %dma_wait3A_430 = tpu.memref_slice %arg3[%dma_wait3A_428, %dma_wait3A_429] : memref<100000x48xf32, #tpu.memory_space<hbm>> -> memref<128x48xf32, #tpu.memory_space<hbm>>
      tpu.wait_dma2 semaphore(%dma_wait3A_423 : memref<!tpu.dma_semaphore, #tpu.memory_space<semaphore_mem>>) src(%dma_wait3A_430 : memref<128x48xf32, #tpu.memory_space<hbm>>) dst(%dma_wait3A_427 : memref<128x48xf32, #tpu.memory_space<vmem>>)
      %dma_wait3A_431 = arith.constant 0 : i32
      %dma_wait3A_432 = arith.constant 0 : i32
      %dma_wait3A_433 = arith.constant 0 : i32
      %dma_wait3A_434 = tpu.memref_slice %arg6[%rem3A_401, %dma_wait3A_431, %dma_wait3A_432, %dma_wait3A_433] : memref<2x4x128x48xf32, #tpu.memory_space<vmem>> -> memref<1x1x128x48xf32, #tpu.memory_space<vmem>>
      %dma_wait3A_435 = tpu.memref_squeeze %dma_wait3A_434 : memref<1x1x128x48xf32, #tpu.memory_space<vmem>> -> memref<128x48xf32, #tpu.memory_space<vmem>>
      %dma_wait3A_436 = arith.constant 0 : i32
      %dma_wait3A_437 = arith.constant 0 : i32
      %dma_wait3A_438 = tpu.memref_slice %arg3[%dma_wait3A_436, %dma_wait3A_437] : memref<100000x48xf32, #tpu.memory_space<hbm>> -> memref<128x48xf32, #tpu.memory_space<hbm>>
      %dma_wait3A_439 = tpu.memref_slice %arg9[%rem3A_401] : memref<2x!tpu.dma_semaphore, #tpu.memory_space<semaphore_mem>> -> memref<1x!tpu.dma_semaphore, #tpu.memory_space<semaphore_mem>>
      %dma_wait3A_440 = tpu.memref_squeeze %dma_wait3A_439 : memref<1x!tpu.dma_semaphore, #tpu.memory_space<semaphore_mem>> -> memref<!tpu.dma_semaphore, #tpu.memory_space<semaphore_mem>>
      %dma_wait3A_441 = arith.constant 0 : i32
      %dma_wait3A_442 = arith.constant 0 : i32
      %dma_wait3A_443 = tpu.memref_slice %arg6[%rem3A_401, %dma_wait3A_431, %dma_wait3A_441, %dma_wait3A_442] : memref<2x4x128x48xf32, #tpu.memory_space<vmem>> -> memref<1x1x128x48xf32, #tpu.memory_space<vmem>>
      %dma_wait3A_444 = tpu.memref_squeeze %dma_wait3A_443 : memref<1x1x128x48xf32, #tpu.memory_space<vmem>> -> memref<128x48xf32, #tpu.memory_space<vmem>>
      %dma_wait3A_445 = arith.constant 0 : i32
      %dma_wait3A_446 = arith.constant 0 : i32
      %dma_wait3A_447 = tpu.memref_slice %arg3[%dma_wait3A_445, %dma_wait3A_446] : memref<100000x48xf32, #tpu.memory_space<hbm>> -> memref<128x48xf32, #tpu.memory_space<hbm>>
      tpu.wait_dma2 semaphore(%dma_wait3A_440 : memref<!tpu.dma_semaphore, #tpu.memory_space<semaphore_mem>>) src(%dma_wait3A_447 : memref<128x48xf32, #tpu.memory_space<hbm>>) dst(%dma_wait3A_444 : memref<128x48xf32, #tpu.memory_space<vmem>>)
      %dma_wait3A_448 = arith.constant 0 : i32
      %dma_wait3A_449 = arith.constant 0 : i32
      %dma_wait3A_450 = arith.constant 0 : i32
      %dma_wait3A_451 = tpu.memref_slice %arg6[%rem3A_401, %dma_wait3A_448, %dma_wait3A_449, %dma_wait3A_450] : memref<2x4x128x48xf32, #tpu.memory_space<vmem>> -> memref<1x1x128x48xf32, #tpu.memory_space<vmem>>
      %dma_wait3A_452 = tpu.memref_squeeze %dma_wait3A_451 : memref<1x1x128x48xf32, #tpu.memory_space<vmem>> -> memref<128x48xf32, #tpu.memory_space<vmem>>
      %dma_wait3A_453 = arith.constant 0 : i32
      %dma_wait3A_454 = arith.constant 0 : i32
      %dma_wait3A_455 = tpu.memref_slice %arg3[%dma_wait3A_453, %dma_wait3A_454] : memref<100000x48xf32, #tpu.memory_space<hbm>> -> memref<128x48xf32, #tpu.memory_space<hbm>>
      %dma_wait3A_456 = tpu.memref_slice %arg9[%rem3A_401] : memref<2x!tpu.dma_semaphore, #tpu.memory_space<semaphore_mem>> -> memref<1x!tpu.dma_semaphore, #tpu.memory_space<semaphore_mem>>
      %dma_wait3A_457 = tpu.memref_squeeze %dma_wait3A_456 : memref<1x!tpu.dma_semaphore, #tpu.memory_space<semaphore_mem>> -> memref<!tpu.dma_semaphore, #tpu.memory_space<semaphore_mem>>
      %dma_wait3A_458 = arith.constant 0 : i32
      %dma_wait3A_459 = arith.constant 0 : i32
      %dma_wait3A_460 = tpu.memref_slice %arg6[%rem3A_401, %dma_wait3A_448, %dma_wait3A_458, %dma_wait3A_459] : memref<2x4x128x48xf32, #tpu.memory_space<vmem>> -> memref<1x1x128x48xf32, #tpu.memory_space<vmem>>
      %dma_wait3A_461 = tpu.memref_squeeze %dma_wait3A_460 : memref<1x1x128x48xf32, #tpu.memory_space<vmem>> -> memref<128x48xf32, #tpu.memory_space<vmem>>
      %dma_wait3A_462 = arith.constant 0 : i32
      %dma_wait3A_463 = arith.constant 0 : i32
      %dma_wait3A_464 = tpu.memref_slice %arg3[%dma_wait3A_462, %dma_wait3A_463] : memref<100000x48xf32, #tpu.memory_space<hbm>> -> memref<128x48xf32, #tpu.memory_space<hbm>>
      tpu.wait_dma2 semaphore(%dma_wait3A_457 : memref<!tpu.dma_semaphore, #tpu.memory_space<semaphore_mem>>) src(%dma_wait3A_464 : memref<128x48xf32, #tpu.memory_space<hbm>>) dst(%dma_wait3A_461 : memref<128x48xf32, #tpu.memory_space<vmem>>)
      %dma_wait3A_465 = arith.constant 0 : i32
      %dma_wait3A_466 = arith.constant 0 : i32
      %dma_wait3A_467 = arith.constant 0 : i32
      %dma_wait3A_468 = tpu.memref_slice %arg6[%rem3A_401, %dma_wait3A_465, %dma_wait3A_466, %dma_wait3A_467] : memref<2x4x128x48xf32, #tpu.memory_space<vmem>> -> memref<1x1x128x48xf32, #tpu.memory_space<vmem>>
      %dma_wait3A_469 = tpu.memref_squeeze %dma_wait3A_468 : memref<1x1x128x48xf32, #tpu.memory_space<vmem>> -> memref<128x48xf32, #tpu.memory_space<vmem>>
      %dma_wait3A_470 = arith.constant 0 : i32
      %dma_wait3A_471 = arith.constant 0 : i32
      %dma_wait3A_472 = tpu.memref_slice %arg3[%dma_wait3A_470, %dma_wait3A_471] : memref<100000x48xf32, #tpu.memory_space<hbm>> -> memref<128x48xf32, #tpu.memory_space<hbm>>
      %dma_wait3A_473 = tpu.memref_slice %arg9[%rem3A_401] : memref<2x!tpu.dma_semaphore, #tpu.memory_space<semaphore_mem>> -> memref<1x!tpu.dma_semaphore, #tpu.memory_space<semaphore_mem>>
      %dma_wait3A_474 = tpu.memref_squeeze %dma_wait3A_473 : memref<1x!tpu.dma_semaphore, #tpu.memory_space<semaphore_mem>> -> memref<!tpu.dma_semaphore, #tpu.memory_space<semaphore_mem>>
      %dma_wait3A_475 = arith.constant 0 : i32
      %dma_wait3A_476 = arith.constant 0 : i32
      %dma_wait3A_477 = tpu.memref_slice %arg6[%rem3A_401, %dma_wait3A_465, %dma_wait3A_475, %dma_wait3A_476] : memref<2x4x128x48xf32, #tpu.memory_space<vmem>> -> memref<1x1x128x48xf32, #tpu.memory_space<vmem>>
      %dma_wait3A_478 = tpu.memref_squeeze %dma_wait3A_477 : memref<1x1x128x48xf32, #tpu.memory_space<vmem>> -> memref<128x48xf32, #tpu.memory_space<vmem>>
      %dma_wait3A_479 = arith.constant 0 : i32
      %dma_wait3A_480 = arith.constant 0 : i32
      %dma_wait3A_481 = tpu.memref_slice %arg3[%dma_wait3A_479, %dma_wait3A_480] : memref<100000x48xf32, #tpu.memory_space<hbm>> -> memref<128x48xf32, #tpu.memory_space<hbm>>
      tpu.wait_dma2 semaphore(%dma_wait3A_474 : memref<!tpu.dma_semaphore, #tpu.memory_space<semaphore_mem>>) src(%dma_wait3A_481 : memref<128x48xf32, #tpu.memory_space<hbm>>) dst(%dma_wait3A_478 : memref<128x48xf32, #tpu.memory_space<vmem>>)
      %add3A_482 = arith.constant 2 : i32
      %add3A_483 = arith.addi %scan3A_399, %add3A_482 : i32
      %lt3A_484 = arith.constant 200 : i32
      %lt3A_485 = arith.cmpi slt, %add3A_483, %lt3A_484 : i32
      %convert_element_type3A_486 = arith.extui %lt3A_485 : i1 to i32
      %cond3A_487 = arith.constant 0 : i32
      %cond3A_488 = arith.cmpi ne, %convert_element_type3A_486, %cond3A_487 : i32
      scf.if %cond3A_488 {
        %add3A_602 = arith.constant 2 : i32
        %add3A_603 = arith.addi %scan3A_399, %add3A_602 : i32
        %div3A_604 = arith.constant 8 : i32
        %div3A_605 = arith.divsi %add3A_603, %div3A_604 : i32
        %mul3A_606 = arith.constant 4 : i32
        %mul3A_607 = arith.muli %mul3A_606, %add3A : i32
        %rem3A_608 = arith.constant 8 : i32
        %rem3A_609 = arith.remsi %add3A_603, %rem3A_608 : i32
        %dma_start3A_610 = arith.constant 0 : i32
        %dma_start3A_611 = arith.constant 0 : i32
        %dma_start3A_612 = tpu.memref_slice %arg5[%rem3A_401, %dma_start3A_610, %dma_start3A_611] : memref<2x4x128xi32, #tpu.memory_space<vmem>> -> memref<1x4x128xi32, #tpu.memory_space<vmem>>
        %dma_start3A_613 = tpu.memref_squeeze %dma_start3A_612 : memref<1x4x128xi32, #tpu.memory_space<vmem>> -> memref<4x128xi32, #tpu.memory_space<vmem>>
        %dma_start3A_614 = arith.constant 0 : i32
        %dma_start3A_615 = tpu.memref_slice %arg2[%div3A_605, %mul3A_607, %rem3A_609, %dma_start3A_614] : memref<25x128x8x128xi32, #tpu.memory_space<hbm>> -> memref<1x4x1x128xi32, #tpu.memory_space<hbm>>
        %dma_start3A_616 = tpu.memref_squeeze %dma_start3A_615 : memref<1x4x1x128xi32, #tpu.memory_space<hbm>> -> memref<4x128xi32, #tpu.memory_space<hbm>>
        %dma_start3A_617 = arith.constant 0 : i32
        %dma_start3A_618 = arith.constant 0 : i32
        %dma_start3A_619 = tpu.memref_slice %arg5[%rem3A_401, %dma_start3A_617, %dma_start3A_618] : memref<2x4x128xi32, #tpu.memory_space<vmem>> -> memref<1x4x128xi32, #tpu.memory_space<vmem>>
        %dma_start3A_620 = tpu.memref_squeeze %dma_start3A_619 : memref<1x4x128xi32, #tpu.memory_space<vmem>> -> memref<4x128xi32, #tpu.memory_space<vmem>>
        %dma_start3A_621 = arith.constant 0 : i32
        %dma_start3A_622 = tpu.memref_slice %arg2[%div3A_605, %mul3A_607, %rem3A_609, %dma_start3A_621] : memref<25x128x8x128xi32, #tpu.memory_space<hbm>> -> memref<1x4x1x128xi32, #tpu.memory_space<hbm>>
        %dma_start3A_623 = tpu.memref_squeeze %dma_start3A_622 : memref<1x4x1x128xi32, #tpu.memory_space<hbm>> -> memref<4x128xi32, #tpu.memory_space<hbm>>
        tpu.enqueue_dma source(%dma_start3A_623 : memref<4x128xi32, #tpu.memory_space<hbm>>) target(%dma_start3A_620 : memref<4x128xi32, #tpu.memory_space<vmem>>) target_semaphore(%arg11 : memref<!tpu.dma_semaphore, #tpu.memory_space<semaphore_mem>>)
      } else {
      }
      %parallel_loop3A = arith.constant 0 : i32
      %parallel_loop3A_489 = arith.constant 128 : i32
      %parallel_loop3A_490 = arith.constant 1 : i32
      scf.for %parallel_loop3A_602 = %parallel_loop3A to %parallel_loop3A_489 step %parallel_loop3A_490  : i32 {
        %parallel_loop3A_603 = arith.constant 0 : i32
        %parallel_loop3A_604 = arith.index_cast %rem3A_401 : i32 to index
        %parallel_loop3A_605 = arith.index_cast %parallel_loop3A_603 : i32 to index
        %parallel_loop3A_606 = arith.index_cast %parallel_loop3A_602 : i32 to index
        %parallel_loop3A_607 = arith.constant 0 : index
        %parallel_loop3A_608 = tpu.vector_load %arg6[%parallel_loop3A_604, %parallel_loop3A_605, %parallel_loop3A_606, %parallel_loop3A_607] {strides = array<i32>} : memref<2x4x128x48xf32, #tpu.memory_space<vmem>>, vector<16xf32>,
        %parallel_loop3A_609 = arith.constant 49 : i32
        %parallel_loop3A_610 = arith.muli %parallel_loop3A_602, %parallel_loop3A_609 : i32
        %parallel_loop3A_611 = arith.constant 0 : i32
        %parallel_loop3A_612 = arith.addi %parallel_loop3A_610, %parallel_loop3A_611 : i32
        %parallel_loop3A_613 = arith.constant 0 : i32
        %parallel_loop3A_614 = arith.index_cast %parallel_loop3A_613 : i32 to index
        %parallel_loop3A_615 = arith.index_cast %parallel_loop3A_612 : i32 to index
        %parallel_loop3A_616 = tpu.vector_load %arg8[%parallel_loop3A_614, %parallel_loop3A_615] {strides = array<i32>} : memref<4x6272xf32, #tpu.memory_space<vmem>>, vector<16xf32>,
        tpu.vector_store %arg8[%parallel_loop3A_614, %parallel_loop3A_615], %parallel_loop3A_608 {strides = array<i32>} : memref<4x6272xf32, #tpu.memory_space<vmem>>, vector<16xf32>,
        %parallel_loop3A_617 = arith.constant 0 : i32
        %parallel_loop3A_618 = arith.index_cast %rem3A_401 : i32 to index
        %parallel_loop3A_619 = arith.index_cast %parallel_loop3A_617 : i32 to index
        %parallel_loop3A_620 = arith.index_cast %parallel_loop3A_602 : i32 to index
        %parallel_loop3A_621 = arith.constant 16 : index
        %parallel_loop3A_622 = tpu.vector_load %arg6[%parallel_loop3A_618, %parallel_loop3A_619, %parallel_loop3A_620, %parallel_loop3A_621] {strides = array<i32>} : memref<2x4x128x48xf32, #tpu.memory_space<vmem>>, vector<16xf32>,
        %parallel_loop3A_623 = arith.constant 49 : i32
        %parallel_loop3A_624 = arith.muli %parallel_loop3A_602, %parallel_loop3A_623 : i32
        %parallel_loop3A_625 = arith.constant 16 : i32
        %parallel_loop3A_626 = arith.addi %parallel_loop3A_624, %parallel_loop3A_625 : i32
        %parallel_loop3A_627 = arith.constant 0 : i32
        %parallel_loop3A_628 = arith.index_cast %parallel_loop3A_627 : i32 to index
        %parallel_loop3A_629 = arith.index_cast %parallel_loop3A_626 : i32 to index
        %parallel_loop3A_630 = tpu.vector_load %arg8[%parallel_loop3A_628, %parallel_loop3A_629] {strides = array<i32>} : memref<4x6272xf32, #tpu.memory_space<vmem>>, vector<16xf32>,
        tpu.vector_store %arg8[%parallel_loop3A_628, %parallel_loop3A_629], %parallel_loop3A_622 {strides = array<i32>} : memref<4x6272xf32, #tpu.memory_space<vmem>>, vector<16xf32>,
        %parallel_loop3A_631 = arith.constant 0 : i32
        %parallel_loop3A_632 = arith.index_cast %rem3A_401 : i32 to index
        %parallel_loop3A_633 = arith.index_cast %parallel_loop3A_631 : i32 to index
        %parallel_loop3A_634 = arith.index_cast %parallel_loop3A_602 : i32 to index
        %parallel_loop3A_635 = arith.constant 32 : index
        %parallel_loop3A_636 = tpu.vector_load %arg6[%parallel_loop3A_632, %parallel_loop3A_633, %parallel_loop3A_634, %parallel_loop3A_635] {strides = array<i32>} : memref<2x4x128x48xf32, #tpu.memory_space<vmem>>, vector<16xf32>,
        %parallel_loop3A_637 = arith.constant 49 : i32
        %parallel_loop3A_638 = arith.muli %parallel_loop3A_602, %parallel_loop3A_637 : i32
        %parallel_loop3A_639 = arith.constant 32 : i32
        %parallel_loop3A_640 = arith.addi %parallel_loop3A_638, %parallel_loop3A_639 : i32
        %parallel_loop3A_641 = arith.constant 0 : i32
        %parallel_loop3A_642 = arith.index_cast %parallel_loop3A_641 : i32 to index
        %parallel_loop3A_643 = arith.index_cast %parallel_loop3A_640 : i32 to index
        %parallel_loop3A_644 = tpu.vector_load %arg8[%parallel_loop3A_642, %parallel_loop3A_643] {strides = array<i32>} : memref<4x6272xf32, #tpu.memory_space<vmem>>, vector<16xf32>,
        tpu.vector_store %arg8[%parallel_loop3A_642, %parallel_loop3A_643], %parallel_loop3A_636 {strides = array<i32>} : memref<4x6272xf32, #tpu.memory_space<vmem>>, vector<16xf32>,
        %parallel_loop3A_645 = arith.constant 1 : i32
        %parallel_loop3A_646 = arith.index_cast %rem3A_401 : i32 to index
        %parallel_loop3A_647 = arith.index_cast %parallel_loop3A_645 : i32 to index
        %parallel_loop3A_648 = arith.index_cast %parallel_loop3A_602 : i32 to index
        %parallel_loop3A_649 = arith.constant 0 : index
        %parallel_loop3A_650 = tpu.vector_load %arg6[%parallel_loop3A_646, %parallel_loop3A_647, %parallel_loop3A_648, %parallel_loop3A_649] {strides = array<i32>} : memref<2x4x128x48xf32, #tpu.memory_space<vmem>>, vector<16xf32>,
        %parallel_loop3A_651 = arith.constant 49 : i32
        %parallel_loop3A_652 = arith.muli %parallel_loop3A_602, %parallel_loop3A_651 : i32
        %parallel_loop3A_653 = arith.constant 0 : i32
        %parallel_loop3A_654 = arith.addi %parallel_loop3A_652, %parallel_loop3A_653 : i32
        %parallel_loop3A_655 = arith.constant 1 : i32
        %parallel_loop3A_656 = arith.index_cast %parallel_loop3A_655 : i32 to index
        %parallel_loop3A_657 = arith.index_cast %parallel_loop3A_654 : i32 to index
        %parallel_loop3A_658 = tpu.vector_load %arg8[%parallel_loop3A_656, %parallel_loop3A_657] {strides = array<i32>} : memref<4x6272xf32, #tpu.memory_space<vmem>>, vector<16xf32>,
        tpu.vector_store %arg8[%parallel_loop3A_656, %parallel_loop3A_657], %parallel_loop3A_650 {strides = array<i32>} : memref<4x6272xf32, #tpu.memory_space<vmem>>, vector<16xf32>,
        %parallel_loop3A_659 = arith.constant 1 : i32
        %parallel_loop3A_660 = arith.index_cast %rem3A_401 : i32 to index
        %parallel_loop3A_661 = arith.index_cast %parallel_loop3A_659 : i32 to index
        %parallel_loop3A_662 = arith.index_cast %parallel_loop3A_602 : i32 to index
        %parallel_loop3A_663 = arith.constant 16 : index
        %parallel_loop3A_664 = tpu.vector_load %arg6[%parallel_loop3A_660, %parallel_loop3A_661, %parallel_loop3A_662, %parallel_loop3A_663] {strides = array<i32>} : memref<2x4x128x48xf32, #tpu.memory_space<vmem>>, vector<16xf32>,
        %parallel_loop3A_665 = arith.constant 49 : i32
        %parallel_loop3A_666 = arith.muli %parallel_loop3A_602, %parallel_loop3A_665 : i32
        %parallel_loop3A_667 = arith.constant 16 : i32
        %parallel_loop3A_668 = arith.addi %parallel_loop3A_666, %parallel_loop3A_667 : i32
        %parallel_loop3A_669 = arith.constant 1 : i32
        %parallel_loop3A_670 = arith.index_cast %parallel_loop3A_669 : i32 to index
        %parallel_loop3A_671 = arith.index_cast %parallel_loop3A_668 : i32 to index
        %parallel_loop3A_672 = tpu.vector_load %arg8[%parallel_loop3A_670, %parallel_loop3A_671] {strides = array<i32>} : memref<4x6272xf32, #tpu.memory_space<vmem>>, vector<16xf32>,
        tpu.vector_store %arg8[%parallel_loop3A_670, %parallel_loop3A_671], %parallel_loop3A_664 {strides = array<i32>} : memref<4x6272xf32, #tpu.memory_space<vmem>>, vector<16xf32>,
        %parallel_loop3A_673 = arith.constant 1 : i32
        %parallel_loop3A_674 = arith.index_cast %rem3A_401 : i32 to index
        %parallel_loop3A_675 = arith.index_cast %parallel_loop3A_673 : i32 to index
        %parallel_loop3A_676 = arith.index_cast %parallel_loop3A_602 : i32 to index
        %parallel_loop3A_677 = arith.constant 32 : index
        %parallel_loop3A_678 = tpu.vector_load %arg6[%parallel_loop3A_674, %parallel_loop3A_675, %parallel_loop3A_676, %parallel_loop3A_677] {strides = array<i32>} : memref<2x4x128x48xf32, #tpu.memory_space<vmem>>, vector<16xf32>,
        %parallel_loop3A_679 = arith.constant 49 : i32
        %parallel_loop3A_680 = arith.muli %parallel_loop3A_602, %parallel_loop3A_679 : i32
        %parallel_loop3A_681 = arith.constant 32 : i32
        %parallel_loop3A_682 = arith.addi %parallel_loop3A_680, %parallel_loop3A_681 : i32
        %parallel_loop3A_683 = arith.constant 1 : i32
        %parallel_loop3A_684 = arith.index_cast %parallel_loop3A_683 : i32 to index
        %parallel_loop3A_685 = arith.index_cast %parallel_loop3A_682 : i32 to index
        %parallel_loop3A_686 = tpu.vector_load %arg8[%parallel_loop3A_684, %parallel_loop3A_685] {strides = array<i32>} : memref<4x6272xf32, #tpu.memory_space<vmem>>, vector<16xf32>,
        tpu.vector_store %arg8[%parallel_loop3A_684, %parallel_loop3A_685], %parallel_loop3A_678 {strides = array<i32>} : memref<4x6272xf32, #tpu.memory_space<vmem>>, vector<16xf32>,
        %parallel_loop3A_687 = arith.constant 2 : i32
        %parallel_loop3A_688 = arith.index_cast %rem3A_401 : i32 to index
        %parallel_loop3A_689 = arith.index_cast %parallel_loop3A_687 : i32 to index
        %parallel_loop3A_690 = arith.index_cast %parallel_loop3A_602 : i32 to index
        %parallel_loop3A_691 = arith.constant 0 : index
        %parallel_loop3A_692 = tpu.vector_load %arg6[%parallel_loop3A_688, %parallel_loop3A_689, %parallel_loop3A_690, %parallel_loop3A_691] {strides = array<i32>} : memref<2x4x128x48xf32, #tpu.memory_space<vmem>>, vector<16xf32>,
        %parallel_loop3A_693 = arith.constant 49 : i32
        %parallel_loop3A_694 = arith.muli %parallel_loop3A_602, %parallel_loop3A_693 : i32
        %parallel_loop3A_695 = arith.constant 0 : i32
        %parallel_loop3A_696 = arith.addi %parallel_loop3A_694, %parallel_loop3A_695 : i32
        %parallel_loop3A_697 = arith.constant 2 : i32
        %parallel_loop3A_698 = arith.index_cast %parallel_loop3A_697 : i32 to index
        %parallel_loop3A_699 = arith.index_cast %parallel_loop3A_696 : i32 to index
        %parallel_loop3A_700 = tpu.vector_load %arg8[%parallel_loop3A_698, %parallel_loop3A_699] {strides = array<i32>} : memref<4x6272xf32, #tpu.memory_space<vmem>>, vector<16xf32>,
        tpu.vector_store %arg8[%parallel_loop3A_698, %parallel_loop3A_699], %parallel_loop3A_692 {strides = array<i32>} : memref<4x6272xf32, #tpu.memory_space<vmem>>, vector<16xf32>,
        %parallel_loop3A_701 = arith.constant 2 : i32
        %parallel_loop3A_702 = arith.index_cast %rem3A_401 : i32 to index
        %parallel_loop3A_703 = arith.index_cast %parallel_loop3A_701 : i32 to index
        %parallel_loop3A_704 = arith.index_cast %parallel_loop3A_602 : i32 to index
        %parallel_loop3A_705 = arith.constant 16 : index
        %parallel_loop3A_706 = tpu.vector_load %arg6[%parallel_loop3A_702, %parallel_loop3A_703, %parallel_loop3A_704, %parallel_loop3A_705] {strides = array<i32>} : memref<2x4x128x48xf32, #tpu.memory_space<vmem>>, vector<16xf32>,
        %parallel_loop3A_707 = arith.constant 49 : i32
        %parallel_loop3A_708 = arith.muli %parallel_loop3A_602, %parallel_loop3A_707 : i32
        %parallel_loop3A_709 = arith.constant 16 : i32
        %parallel_loop3A_710 = arith.addi %parallel_loop3A_708, %parallel_loop3A_709 : i32
        %parallel_loop3A_711 = arith.constant 2 : i32
        %parallel_loop3A_712 = arith.index_cast %parallel_loop3A_711 : i32 to index
        %parallel_loop3A_713 = arith.index_cast %parallel_loop3A_710 : i32 to index
        %parallel_loop3A_714 = tpu.vector_load %arg8[%parallel_loop3A_712, %parallel_loop3A_713] {strides = array<i32>} : memref<4x6272xf32, #tpu.memory_space<vmem>>, vector<16xf32>,
        tpu.vector_store %arg8[%parallel_loop3A_712, %parallel_loop3A_713], %parallel_loop3A_706 {strides = array<i32>} : memref<4x6272xf32, #tpu.memory_space<vmem>>, vector<16xf32>,
        %parallel_loop3A_715 = arith.constant 2 : i32
        %parallel_loop3A_716 = arith.index_cast %rem3A_401 : i32 to index
        %parallel_loop3A_717 = arith.index_cast %parallel_loop3A_715 : i32 to index
        %parallel_loop3A_718 = arith.index_cast %parallel_loop3A_602 : i32 to index
        %parallel_loop3A_719 = arith.constant 32 : index
        %parallel_loop3A_720 = tpu.vector_load %arg6[%parallel_loop3A_716, %parallel_loop3A_717, %parallel_loop3A_718, %parallel_loop3A_719] {strides = array<i32>} : memref<2x4x128x48xf32, #tpu.memory_space<vmem>>, vector<16xf32>,
        %parallel_loop3A_721 = arith.constant 49 : i32
        %parallel_loop3A_722 = arith.muli %parallel_loop3A_602, %parallel_loop3A_721 : i32
        %parallel_loop3A_723 = arith.constant 32 : i32
        %parallel_loop3A_724 = arith.addi %parallel_loop3A_722, %parallel_loop3A_723 : i32
        %parallel_loop3A_725 = arith.constant 2 : i32
        %parallel_loop3A_726 = arith.index_cast %parallel_loop3A_725 : i32 to index
        %parallel_loop3A_727 = arith.index_cast %parallel_loop3A_724 : i32 to index
        %parallel_loop3A_728 = tpu.vector_load %arg8[%parallel_loop3A_726, %parallel_loop3A_727] {strides = array<i32>} : memref<4x6272xf32, #tpu.memory_space<vmem>>, vector<16xf32>,
        tpu.vector_store %arg8[%parallel_loop3A_726, %parallel_loop3A_727], %parallel_loop3A_720 {strides = array<i32>} : memref<4x6272xf32, #tpu.memory_space<vmem>>, vector<16xf32>,
        %parallel_loop3A_729 = arith.constant 3 : i32
        %parallel_loop3A_730 = arith.index_cast %rem3A_401 : i32 to index
        %parallel_loop3A_731 = arith.index_cast %parallel_loop3A_729 : i32 to index
        %parallel_loop3A_732 = arith.index_cast %parallel_loop3A_602 : i32 to index
        %parallel_loop3A_733 = arith.constant 0 : index
        %parallel_loop3A_734 = tpu.vector_load %arg6[%parallel_loop3A_730, %parallel_loop3A_731, %parallel_loop3A_732, %parallel_loop3A_733] {strides = array<i32>} : memref<2x4x128x48xf32, #tpu.memory_space<vmem>>, vector<16xf32>,
        %parallel_loop3A_735 = arith.constant 49 : i32
        %parallel_loop3A_736 = arith.muli %parallel_loop3A_602, %parallel_loop3A_735 : i32
        %parallel_loop3A_737 = arith.constant 0 : i32
        %parallel_loop3A_738 = arith.addi %parallel_loop3A_736, %parallel_loop3A_737 : i32
        %parallel_loop3A_739 = arith.constant 3 : i32
        %parallel_loop3A_740 = arith.index_cast %parallel_loop3A_739 : i32 to index
        %parallel_loop3A_741 = arith.index_cast %parallel_loop3A_738 : i32 to index
        %parallel_loop3A_742 = tpu.vector_load %arg8[%parallel_loop3A_740, %parallel_loop3A_741] {strides = array<i32>} : memref<4x6272xf32, #tpu.memory_space<vmem>>, vector<16xf32>,
        tpu.vector_store %arg8[%parallel_loop3A_740, %parallel_loop3A_741], %parallel_loop3A_734 {strides = array<i32>} : memref<4x6272xf32, #tpu.memory_space<vmem>>, vector<16xf32>,
        %parallel_loop3A_743 = arith.constant 3 : i32
        %parallel_loop3A_744 = arith.index_cast %rem3A_401 : i32 to index
        %parallel_loop3A_745 = arith.index_cast %parallel_loop3A_743 : i32 to index
        %parallel_loop3A_746 = arith.index_cast %parallel_loop3A_602 : i32 to index
        %parallel_loop3A_747 = arith.constant 16 : index
        %parallel_loop3A_748 = tpu.vector_load %arg6[%parallel_loop3A_744, %parallel_loop3A_745, %parallel_loop3A_746, %parallel_loop3A_747] {strides = array<i32>} : memref<2x4x128x48xf32, #tpu.memory_space<vmem>>, vector<16xf32>,
        %parallel_loop3A_749 = arith.constant 49 : i32
        %parallel_loop3A_750 = arith.muli %parallel_loop3A_602, %parallel_loop3A_749 : i32
        %parallel_loop3A_751 = arith.constant 16 : i32
        %parallel_loop3A_752 = arith.addi %parallel_loop3A_750, %parallel_loop3A_751 : i32
        %parallel_loop3A_753 = arith.constant 3 : i32
        %parallel_loop3A_754 = arith.index_cast %parallel_loop3A_753 : i32 to index
        %parallel_loop3A_755 = arith.index_cast %parallel_loop3A_752 : i32 to index
        %parallel_loop3A_756 = tpu.vector_load %arg8[%parallel_loop3A_754, %parallel_loop3A_755] {strides = array<i32>} : memref<4x6272xf32, #tpu.memory_space<vmem>>, vector<16xf32>,
        tpu.vector_store %arg8[%parallel_loop3A_754, %parallel_loop3A_755], %parallel_loop3A_748 {strides = array<i32>} : memref<4x6272xf32, #tpu.memory_space<vmem>>, vector<16xf32>,
        %parallel_loop3A_757 = arith.constant 3 : i32
        %parallel_loop3A_758 = arith.index_cast %rem3A_401 : i32 to index
        %parallel_loop3A_759 = arith.index_cast %parallel_loop3A_757 : i32 to index
        %parallel_loop3A_760 = arith.index_cast %parallel_loop3A_602 : i32 to index
        %parallel_loop3A_761 = arith.constant 32 : index
        %parallel_loop3A_762 = tpu.vector_load %arg6[%parallel_loop3A_758, %parallel_loop3A_759, %parallel_loop3A_760, %parallel_loop3A_761] {strides = array<i32>} : memref<2x4x128x48xf32, #tpu.memory_space<vmem>>, vector<16xf32>,
        %parallel_loop3A_763 = arith.constant 49 : i32
        %parallel_loop3A_764 = arith.muli %parallel_loop3A_602, %parallel_loop3A_763 : i32
        %parallel_loop3A_765 = arith.constant 32 : i32
        %parallel_loop3A_766 = arith.addi %parallel_loop3A_764, %parallel_loop3A_765 : i32
        %parallel_loop3A_767 = arith.constant 3 : i32
        %parallel_loop3A_768 = arith.index_cast %parallel_loop3A_767 : i32 to index
        %parallel_loop3A_769 = arith.index_cast %parallel_loop3A_766 : i32 to index
        %parallel_loop3A_770 = tpu.vector_load %arg8[%parallel_loop3A_768, %parallel_loop3A_769] {strides = array<i32>} : memref<4x6272xf32, #tpu.memory_space<vmem>>, vector<16xf32>,
        tpu.vector_store %arg8[%parallel_loop3A_768, %parallel_loop3A_769], %parallel_loop3A_762 {strides = array<i32>} : memref<4x6272xf32, #tpu.memory_space<vmem>>, vector<16xf32>,
      } {sc.loop_unroll_factor = 2 : i64, sc.parallel_access}
      %parallel_loop3A_491 = arith.constant 0 : i32
      %parallel_loop3A_492 = arith.constant 48 : i32
      %parallel_loop3A_493 = arith.constant 1 : i32
      scf.for %parallel_loop3A_602 = %parallel_loop3A_491 to %parallel_loop3A_492 step %parallel_loop3A_493  : i32 {
        %parallel_loop3A_603 = arith.constant 8 : i32
        %parallel_loop3A_604 = arith.divsi %parallel_loop3A_602, %parallel_loop3A_603 : i32
        %parallel_loop3A_605 = arith.constant 8 : i32
        %parallel_loop3A_606 = arith.remsi %parallel_loop3A_602, %parallel_loop3A_605 : i32
        %parallel_loop3A_607 = vector.broadcast %parallel_loop3A_602 : i32 to vector<16xi32>
        %parallel_loop3A_608 = arith.addi %mul3A_6, %parallel_loop3A_607 : vector<16xi32>
        %parallel_loop3A_609 = arith.constant 0 : i32
        %parallel_loop3A_610 = arith.constant 0 : i32
        %parallel_loop3A_611 = tpu.memref_slice %arg8[%parallel_loop3A_609, %parallel_loop3A_610] : memref<4x6272xf32, #tpu.memory_space<vmem>> -> memref<1x6272xf32, #tpu.memory_space<vmem>>
        %parallel_loop3A_612 = tpu.memref_squeeze %parallel_loop3A_611 : memref<1x6272xf32, #tpu.memory_space<vmem>> -> memref<6272xf32, #tpu.memory_space<vmem>>
        %parallel_loop3A_613 = tpu.vector_load_idx %parallel_loop3A_612[%parallel_loop3A_608] : memref<6272xf32, #tpu.memory_space<vmem>>[vector<16xi32>], vector<16xf32>,
        %parallel_loop3A_614 = arith.constant 0 : i32
        %parallel_loop3A_615 = arith.index_cast %rem3A_401 : i32 to index
        %parallel_loop3A_616 = arith.index_cast %parallel_loop3A_614 : i32 to index
        %parallel_loop3A_617 = arith.index_cast %parallel_loop3A_604 : i32 to index
        %parallel_loop3A_618 = arith.index_cast %parallel_loop3A_606 : i32 to index
        %parallel_loop3A_619 = arith.constant 0 : index
        %parallel_loop3A_620 = tpu.vector_load %arg7[%parallel_loop3A_615, %parallel_loop3A_616, %parallel_loop3A_617, %parallel_loop3A_618, %parallel_loop3A_619] {strides = array<i32>} : memref<2x4x6x8x128xf32, #tpu.memory_space<vmem>>, vector<16xf32>,
        tpu.vector_store %arg7[%parallel_loop3A_615, %parallel_loop3A_616, %parallel_loop3A_617, %parallel_loop3A_618, %parallel_loop3A_619], %parallel_loop3A_613 {strides = array<i32>} : memref<2x4x6x8x128xf32, #tpu.memory_space<vmem>>, vector<16xf32>,
        %parallel_loop3A_621 = arith.addi %mul3A_12, %parallel_loop3A_607 : vector<16xi32>
        %parallel_loop3A_622 = arith.constant 0 : i32
        %parallel_loop3A_623 = arith.constant 0 : i32
        %parallel_loop3A_624 = tpu.memref_slice %arg8[%parallel_loop3A_622, %parallel_loop3A_623] : memref<4x6272xf32, #tpu.memory_space<vmem>> -> memref<1x6272xf32, #tpu.memory_space<vmem>>
        %parallel_loop3A_625 = tpu.memref_squeeze %parallel_loop3A_624 : memref<1x6272xf32, #tpu.memory_space<vmem>> -> memref<6272xf32, #tpu.memory_space<vmem>>
        %parallel_loop3A_626 = tpu.vector_load_idx %parallel_loop3A_625[%parallel_loop3A_621] : memref<6272xf32, #tpu.memory_space<vmem>>[vector<16xi32>], vector<16xf32>,
        %parallel_loop3A_627 = arith.constant 0 : i32
        %parallel_loop3A_628 = arith.index_cast %rem3A_401 : i32 to index
        %parallel_loop3A_629 = arith.index_cast %parallel_loop3A_627 : i32 to index
        %parallel_loop3A_630 = arith.index_cast %parallel_loop3A_604 : i32 to index
        %parallel_loop3A_631 = arith.index_cast %parallel_loop3A_606 : i32 to index
        %parallel_loop3A_632 = arith.constant 16 : index
        %parallel_loop3A_633 = tpu.vector_load %arg7[%parallel_loop3A_628, %parallel_loop3A_629, %parallel_loop3A_630, %parallel_loop3A_631, %parallel_loop3A_632] {strides = array<i32>} : memref<2x4x6x8x128xf32, #tpu.memory_space<vmem>>, vector<16xf32>,
        tpu.vector_store %arg7[%parallel_loop3A_628, %parallel_loop3A_629, %parallel_loop3A_630, %parallel_loop3A_631, %parallel_loop3A_632], %parallel_loop3A_626 {strides = array<i32>} : memref<2x4x6x8x128xf32, #tpu.memory_space<vmem>>, vector<16xf32>,
        %parallel_loop3A_634 = arith.addi %mul3A_18, %parallel_loop3A_607 : vector<16xi32>
        %parallel_loop3A_635 = arith.constant 0 : i32
        %parallel_loop3A_636 = arith.constant 0 : i32
        %parallel_loop3A_637 = tpu.memref_slice %arg8[%parallel_loop3A_635, %parallel_loop3A_636] : memref<4x6272xf32, #tpu.memory_space<vmem>> -> memref<1x6272xf32, #tpu.memory_space<vmem>>
        %parallel_loop3A_638 = tpu.memref_squeeze %parallel_loop3A_637 : memref<1x6272xf32, #tpu.memory_space<vmem>> -> memref<6272xf32, #tpu.memory_space<vmem>>
        %parallel_loop3A_639 = tpu.vector_load_idx %parallel_loop3A_638[%parallel_loop3A_634] : memref<6272xf32, #tpu.memory_space<vmem>>[vector<16xi32>], vector<16xf32>,
        %parallel_loop3A_640 = arith.constant 0 : i32
        %parallel_loop3A_641 = arith.index_cast %rem3A_401 : i32 to index
        %parallel_loop3A_642 = arith.index_cast %parallel_loop3A_640 : i32 to index
        %parallel_loop3A_643 = arith.index_cast %parallel_loop3A_604 : i32 to index
        %parallel_loop3A_644 = arith.index_cast %parallel_loop3A_606 : i32 to index
        %parallel_loop3A_645 = arith.constant 32 : index
        %parallel_loop3A_646 = tpu.vector_load %arg7[%parallel_loop3A_641, %parallel_loop3A_642, %parallel_loop3A_643, %parallel_loop3A_644, %parallel_loop3A_645] {strides = array<i32>} : memref<2x4x6x8x128xf32, #tpu.memory_space<vmem>>, vector<16xf32>,
        tpu.vector_store %arg7[%parallel_loop3A_641, %parallel_loop3A_642, %parallel_loop3A_643, %parallel_loop3A_644, %parallel_loop3A_645], %parallel_loop3A_639 {strides = array<i32>} : memref<2x4x6x8x128xf32, #tpu.memory_space<vmem>>, vector<16xf32>,
        %parallel_loop3A_647 = arith.addi %mul3A_24, %parallel_loop3A_607 : vector<16xi32>
        %parallel_loop3A_648 = arith.constant 0 : i32
        %parallel_loop3A_649 = arith.constant 0 : i32
        %parallel_loop3A_650 = tpu.memref_slice %arg8[%parallel_loop3A_648, %parallel_loop3A_649] : memref<4x6272xf32, #tpu.memory_space<vmem>> -> memref<1x6272xf32, #tpu.memory_space<vmem>>
        %parallel_loop3A_651 = tpu.memref_squeeze %parallel_loop3A_650 : memref<1x6272xf32, #tpu.memory_space<vmem>> -> memref<6272xf32, #tpu.memory_space<vmem>>
        %parallel_loop3A_652 = tpu.vector_load_idx %parallel_loop3A_651[%parallel_loop3A_647] : memref<6272xf32, #tpu.memory_space<vmem>>[vector<16xi32>], vector<16xf32>,
        %parallel_loop3A_653 = arith.constant 0 : i32
        %parallel_loop3A_654 = arith.index_cast %rem3A_401 : i32 to index
        %parallel_loop3A_655 = arith.index_cast %parallel_loop3A_653 : i32 to index
        %parallel_loop3A_656 = arith.index_cast %parallel_loop3A_604 : i32 to index
        %parallel_loop3A_657 = arith.index_cast %parallel_loop3A_606 : i32 to index
        %parallel_loop3A_658 = arith.constant 48 : index
        %parallel_loop3A_659 = tpu.vector_load %arg7[%parallel_loop3A_654, %parallel_loop3A_655, %parallel_loop3A_656, %parallel_loop3A_657, %parallel_loop3A_658] {strides = array<i32>} : memref<2x4x6x8x128xf32, #tpu.memory_space<vmem>>, vector<16xf32>,
        tpu.vector_store %arg7[%parallel_loop3A_654, %parallel_loop3A_655, %parallel_loop3A_656, %parallel_loop3A_657, %parallel_loop3A_658], %parallel_loop3A_652 {strides = array<i32>} : memref<2x4x6x8x128xf32, #tpu.memory_space<vmem>>, vector<16xf32>,
        %parallel_loop3A_660 = arith.addi %mul3A_30, %parallel_loop3A_607 : vector<16xi32>
        %parallel_loop3A_661 = arith.constant 0 : i32
        %parallel_loop3A_662 = arith.constant 0 : i32
        %parallel_loop3A_663 = tpu.memref_slice %arg8[%parallel_loop3A_661, %parallel_loop3A_662] : memref<4x6272xf32, #tpu.memory_space<vmem>> -> memref<1x6272xf32, #tpu.memory_space<vmem>>
        %parallel_loop3A_664 = tpu.memref_squeeze %parallel_loop3A_663 : memref<1x6272xf32, #tpu.memory_space<vmem>> -> memref<6272xf32, #tpu.memory_space<vmem>>
        %parallel_loop3A_665 = tpu.vector_load_idx %parallel_loop3A_664[%parallel_loop3A_660] : memref<6272xf32, #tpu.memory_space<vmem>>[vector<16xi32>], vector<16xf32>,
        %parallel_loop3A_666 = arith.constant 0 : i32
        %parallel_loop3A_667 = arith.index_cast %rem3A_401 : i32 to index
        %parallel_loop3A_668 = arith.index_cast %parallel_loop3A_666 : i32 to index
        %parallel_loop3A_669 = arith.index_cast %parallel_loop3A_604 : i32 to index
        %parallel_loop3A_670 = arith.index_cast %parallel_loop3A_606 : i32 to index
        %parallel_loop3A_671 = arith.constant 64 : index
        %parallel_loop3A_672 = tpu.vector_load %arg7[%parallel_loop3A_667, %parallel_loop3A_668, %parallel_loop3A_669, %parallel_loop3A_670, %parallel_loop3A_671] {strides = array<i32>} : memref<2x4x6x8x128xf32, #tpu.memory_space<vmem>>, vector<16xf32>,
        tpu.vector_store %arg7[%parallel_loop3A_667, %parallel_loop3A_668, %parallel_loop3A_669, %parallel_loop3A_670, %parallel_loop3A_671], %parallel_loop3A_665 {strides = array<i32>} : memref<2x4x6x8x128xf32, #tpu.memory_space<vmem>>, vector<16xf32>,
        %parallel_loop3A_673 = arith.addi %mul3A_36, %parallel_loop3A_607 : vector<16xi32>
        %parallel_loop3A_674 = arith.constant 0 : i32
        %parallel_loop3A_675 = arith.constant 0 : i32
        %parallel_loop3A_676 = tpu.memref_slice %arg8[%parallel_loop3A_674, %parallel_loop3A_675] : memref<4x6272xf32, #tpu.memory_space<vmem>> -> memref<1x6272xf32, #tpu.memory_space<vmem>>
        %parallel_loop3A_677 = tpu.memref_squeeze %parallel_loop3A_676 : memref<1x6272xf32, #tpu.memory_space<vmem>> -> memref<6272xf32, #tpu.memory_space<vmem>>
        %parallel_loop3A_678 = tpu.vector_load_idx %parallel_loop3A_677[%parallel_loop3A_673] : memref<6272xf32, #tpu.memory_space<vmem>>[vector<16xi32>], vector<16xf32>,
        %parallel_loop3A_679 = arith.constant 0 : i32
        %parallel_loop3A_680 = arith.index_cast %rem3A_401 : i32 to index
        %parallel_loop3A_681 = arith.index_cast %parallel_loop3A_679 : i32 to index
        %parallel_loop3A_682 = arith.index_cast %parallel_loop3A_604 : i32 to index
        %parallel_loop3A_683 = arith.index_cast %parallel_loop3A_606 : i32 to index
        %parallel_loop3A_684 = arith.constant 80 : index
        %parallel_loop3A_685 = tpu.vector_load %arg7[%parallel_loop3A_680, %parallel_loop3A_681, %parallel_loop3A_682, %parallel_loop3A_683, %parallel_loop3A_684] {strides = array<i32>} : memref<2x4x6x8x128xf32, #tpu.memory_space<vmem>>, vector<16xf32>,
        tpu.vector_store %arg7[%parallel_loop3A_680, %parallel_loop3A_681, %parallel_loop3A_682, %parallel_loop3A_683, %parallel_loop3A_684], %parallel_loop3A_678 {strides = array<i32>} : memref<2x4x6x8x128xf32, #tpu.memory_space<vmem>>, vector<16xf32>,
        %parallel_loop3A_686 = arith.addi %mul3A_42, %parallel_loop3A_607 : vector<16xi32>
        %parallel_loop3A_687 = arith.constant 0 : i32
        %parallel_loop3A_688 = arith.constant 0 : i32
        %parallel_loop3A_689 = tpu.memref_slice %arg8[%parallel_loop3A_687, %parallel_loop3A_688] : memref<4x6272xf32, #tpu.memory_space<vmem>> -> memref<1x6272xf32, #tpu.memory_space<vmem>>
        %parallel_loop3A_690 = tpu.memref_squeeze %parallel_loop3A_689 : memref<1x6272xf32, #tpu.memory_space<vmem>> -> memref<6272xf32, #tpu.memory_space<vmem>>
        %parallel_loop3A_691 = tpu.vector_load_idx %parallel_loop3A_690[%parallel_loop3A_686] : memref<6272xf32, #tpu.memory_space<vmem>>[vector<16xi32>], vector<16xf32>,
        %parallel_loop3A_692 = arith.constant 0 : i32
        %parallel_loop3A_693 = arith.index_cast %rem3A_401 : i32 to index
        %parallel_loop3A_694 = arith.index_cast %parallel_loop3A_692 : i32 to index
        %parallel_loop3A_695 = arith.index_cast %parallel_loop3A_604 : i32 to index
        %parallel_loop3A_696 = arith.index_cast %parallel_loop3A_606 : i32 to index
        %parallel_loop3A_697 = arith.constant 96 : index
        %parallel_loop3A_698 = tpu.vector_load %arg7[%parallel_loop3A_693, %parallel_loop3A_694, %parallel_loop3A_695, %parallel_loop3A_696, %parallel_loop3A_697] {strides = array<i32>} : memref<2x4x6x8x128xf32, #tpu.memory_space<vmem>>, vector<16xf32>,
        tpu.vector_store %arg7[%parallel_loop3A_693, %parallel_loop3A_694, %parallel_loop3A_695, %parallel_loop3A_696, %parallel_loop3A_697], %parallel_loop3A_691 {strides = array<i32>} : memref<2x4x6x8x128xf32, #tpu.memory_space<vmem>>, vector<16xf32>,
        %parallel_loop3A_699 = arith.addi %mul3A_48, %parallel_loop3A_607 : vector<16xi32>
        %parallel_loop3A_700 = arith.constant 0 : i32
        %parallel_loop3A_701 = arith.constant 0 : i32
        %parallel_loop3A_702 = tpu.memref_slice %arg8[%parallel_loop3A_700, %parallel_loop3A_701] : memref<4x6272xf32, #tpu.memory_space<vmem>> -> memref<1x6272xf32, #tpu.memory_space<vmem>>
        %parallel_loop3A_703 = tpu.memref_squeeze %parallel_loop3A_702 : memref<1x6272xf32, #tpu.memory_space<vmem>> -> memref<6272xf32, #tpu.memory_space<vmem>>
        %parallel_loop3A_704 = tpu.vector_load_idx %parallel_loop3A_703[%parallel_loop3A_699] : memref<6272xf32, #tpu.memory_space<vmem>>[vector<16xi32>], vector<16xf32>,
        %parallel_loop3A_705 = arith.constant 0 : i32
        %parallel_loop3A_706 = arith.index_cast %rem3A_401 : i32 to index
        %parallel_loop3A_707 = arith.index_cast %parallel_loop3A_705 : i32 to index
        %parallel_loop3A_708 = arith.index_cast %parallel_loop3A_604 : i32 to index
        %parallel_loop3A_709 = arith.index_cast %parallel_loop3A_606 : i32 to index
        %parallel_loop3A_710 = arith.constant 112 : index
        %parallel_loop3A_711 = tpu.vector_load %arg7[%parallel_loop3A_706, %parallel_loop3A_707, %parallel_loop3A_708, %parallel_loop3A_709, %parallel_loop3A_710] {strides = array<i32>} : memref<2x4x6x8x128xf32, #tpu.memory_space<vmem>>, vector<16xf32>,
        tpu.vector_store %arg7[%parallel_loop3A_706, %parallel_loop3A_707, %parallel_loop3A_708, %parallel_loop3A_709, %parallel_loop3A_710], %parallel_loop3A_704 {strides = array<i32>} : memref<2x4x6x8x128xf32, #tpu.memory_space<vmem>>, vector<16xf32>,
        %parallel_loop3A_712 = arith.addi %mul3A_6, %parallel_loop3A_607 : vector<16xi32>
        %parallel_loop3A_713 = arith.constant 1 : i32
        %parallel_loop3A_714 = arith.constant 0 : i32
        %parallel_loop3A_715 = tpu.memref_slice %arg8[%parallel_loop3A_713, %parallel_loop3A_714] : memref<4x6272xf32, #tpu.memory_space<vmem>> -> memref<1x6272xf32, #tpu.memory_space<vmem>>
        %parallel_loop3A_716 = tpu.memref_squeeze %parallel_loop3A_715 : memref<1x6272xf32, #tpu.memory_space<vmem>> -> memref<6272xf32, #tpu.memory_space<vmem>>
        %parallel_loop3A_717 = tpu.vector_load_idx %parallel_loop3A_716[%parallel_loop3A_712] : memref<6272xf32, #tpu.memory_space<vmem>>[vector<16xi32>], vector<16xf32>,
        %parallel_loop3A_718 = arith.constant 1 : i32
        %parallel_loop3A_719 = arith.index_cast %rem3A_401 : i32 to index
        %parallel_loop3A_720 = arith.index_cast %parallel_loop3A_718 : i32 to index
        %parallel_loop3A_721 = arith.index_cast %parallel_loop3A_604 : i32 to index
        %parallel_loop3A_722 = arith.index_cast %parallel_loop3A_606 : i32 to index
        %parallel_loop3A_723 = arith.constant 0 : index
        %parallel_loop3A_724 = tpu.vector_load %arg7[%parallel_loop3A_719, %parallel_loop3A_720, %parallel_loop3A_721, %parallel_loop3A_722, %parallel_loop3A_723] {strides = array<i32>} : memref<2x4x6x8x128xf32, #tpu.memory_space<vmem>>, vector<16xf32>,
        tpu.vector_store %arg7[%parallel_loop3A_719, %parallel_loop3A_720, %parallel_loop3A_721, %parallel_loop3A_722, %parallel_loop3A_723], %parallel_loop3A_717 {strides = array<i32>} : memref<2x4x6x8x128xf32, #tpu.memory_space<vmem>>, vector<16xf32>,
        %parallel_loop3A_725 = arith.addi %mul3A_12, %parallel_loop3A_607 : vector<16xi32>
        %parallel_loop3A_726 = arith.constant 1 : i32
        %parallel_loop3A_727 = arith.constant 0 : i32
        %parallel_loop3A_728 = tpu.memref_slice %arg8[%parallel_loop3A_726, %parallel_loop3A_727] : memref<4x6272xf32, #tpu.memory_space<vmem>> -> memref<1x6272xf32, #tpu.memory_space<vmem>>
        %parallel_loop3A_729 = tpu.memref_squeeze %parallel_loop3A_728 : memref<1x6272xf32, #tpu.memory_space<vmem>> -> memref<6272xf32, #tpu.memory_space<vmem>>
        %parallel_loop3A_730 = tpu.vector_load_idx %parallel_loop3A_729[%parallel_loop3A_725] : memref<6272xf32, #tpu.memory_space<vmem>>[vector<16xi32>], vector<16xf32>,
        %parallel_loop3A_731 = arith.constant 1 : i32
        %parallel_loop3A_732 = arith.index_cast %rem3A_401 : i32 to index
        %parallel_loop3A_733 = arith.index_cast %parallel_loop3A_731 : i32 to index
        %parallel_loop3A_734 = arith.index_cast %parallel_loop3A_604 : i32 to index
        %parallel_loop3A_735 = arith.index_cast %parallel_loop3A_606 : i32 to index
        %parallel_loop3A_736 = arith.constant 16 : index
        %parallel_loop3A_737 = tpu.vector_load %arg7[%parallel_loop3A_732, %parallel_loop3A_733, %parallel_loop3A_734, %parallel_loop3A_735, %parallel_loop3A_736] {strides = array<i32>} : memref<2x4x6x8x128xf32, #tpu.memory_space<vmem>>, vector<16xf32>,
        tpu.vector_store %arg7[%parallel_loop3A_732, %parallel_loop3A_733, %parallel_loop3A_734, %parallel_loop3A_735, %parallel_loop3A_736], %parallel_loop3A_730 {strides = array<i32>} : memref<2x4x6x8x128xf32, #tpu.memory_space<vmem>>, vector<16xf32>,
        %parallel_loop3A_738 = arith.addi %mul3A_18, %parallel_loop3A_607 : vector<16xi32>
        %parallel_loop3A_739 = arith.constant 1 : i32
        %parallel_loop3A_740 = arith.constant 0 : i32
        %parallel_loop3A_741 = tpu.memref_slice %arg8[%parallel_loop3A_739, %parallel_loop3A_740] : memref<4x6272xf32, #tpu.memory_space<vmem>> -> memref<1x6272xf32, #tpu.memory_space<vmem>>
        %parallel_loop3A_742 = tpu.memref_squeeze %parallel_loop3A_741 : memref<1x6272xf32, #tpu.memory_space<vmem>> -> memref<6272xf32, #tpu.memory_space<vmem>>
        %parallel_loop3A_743 = tpu.vector_load_idx %parallel_loop3A_742[%parallel_loop3A_738] : memref<6272xf32, #tpu.memory_space<vmem>>[vector<16xi32>], vector<16xf32>,
        %parallel_loop3A_744 = arith.constant 1 : i32
        %parallel_loop3A_745 = arith.index_cast %rem3A_401 : i32 to index
        %parallel_loop3A_746 = arith.index_cast %parallel_loop3A_744 : i32 to index
        %parallel_loop3A_747 = arith.index_cast %parallel_loop3A_604 : i32 to index
        %parallel_loop3A_748 = arith.index_cast %parallel_loop3A_606 : i32 to index
        %parallel_loop3A_749 = arith.constant 32 : index
        %parallel_loop3A_750 = tpu.vector_load %arg7[%parallel_loop3A_745, %parallel_loop3A_746, %parallel_loop3A_747, %parallel_loop3A_748, %parallel_loop3A_749] {strides = array<i32>} : memref<2x4x6x8x128xf32, #tpu.memory_space<vmem>>, vector<16xf32>,
        tpu.vector_store %arg7[%parallel_loop3A_745, %parallel_loop3A_746, %parallel_loop3A_747, %parallel_loop3A_748, %parallel_loop3A_749], %parallel_loop3A_743 {strides = array<i32>} : memref<2x4x6x8x128xf32, #tpu.memory_space<vmem>>, vector<16xf32>,
        %parallel_loop3A_751 = arith.addi %mul3A_24, %parallel_loop3A_607 : vector<16xi32>
        %parallel_loop3A_752 = arith.constant 1 : i32
        %parallel_loop3A_753 = arith.constant 0 : i32
        %parallel_loop3A_754 = tpu.memref_slice %arg8[%parallel_loop3A_752, %parallel_loop3A_753] : memref<4x6272xf32, #tpu.memory_space<vmem>> -> memref<1x6272xf32, #tpu.memory_space<vmem>>
        %parallel_loop3A_755 = tpu.memref_squeeze %parallel_loop3A_754 : memref<1x6272xf32, #tpu.memory_space<vmem>> -> memref<6272xf32, #tpu.memory_space<vmem>>
        %parallel_loop3A_756 = tpu.vector_load_idx %parallel_loop3A_755[%parallel_loop3A_751] : memref<6272xf32, #tpu.memory_space<vmem>>[vector<16xi32>], vector<16xf32>,
        %parallel_loop3A_757 = arith.constant 1 : i32
        %parallel_loop3A_758 = arith.index_cast %rem3A_401 : i32 to index
        %parallel_loop3A_759 = arith.index_cast %parallel_loop3A_757 : i32 to index
        %parallel_loop3A_760 = arith.index_cast %parallel_loop3A_604 : i32 to index
        %parallel_loop3A_761 = arith.index_cast %parallel_loop3A_606 : i32 to index
        %parallel_loop3A_762 = arith.constant 48 : index
        %parallel_loop3A_763 = tpu.vector_load %arg7[%parallel_loop3A_758, %parallel_loop3A_759, %parallel_loop3A_760, %parallel_loop3A_761, %parallel_loop3A_762] {strides = array<i32>} : memref<2x4x6x8x128xf32, #tpu.memory_space<vmem>>, vector<16xf32>,
        tpu.vector_store %arg7[%parallel_loop3A_758, %parallel_loop3A_759, %parallel_loop3A_760, %parallel_loop3A_761, %parallel_loop3A_762], %parallel_loop3A_756 {strides = array<i32>} : memref<2x4x6x8x128xf32, #tpu.memory_space<vmem>>, vector<16xf32>,
        %parallel_loop3A_764 = arith.addi %mul3A_30, %parallel_loop3A_607 : vector<16xi32>
        %parallel_loop3A_765 = arith.constant 1 : i32
        %parallel_loop3A_766 = arith.constant 0 : i32
        %parallel_loop3A_767 = tpu.memref_slice %arg8[%parallel_loop3A_765, %parallel_loop3A_766] : memref<4x6272xf32, #tpu.memory_space<vmem>> -> memref<1x6272xf32, #tpu.memory_space<vmem>>
        %parallel_loop3A_768 = tpu.memref_squeeze %parallel_loop3A_767 : memref<1x6272xf32, #tpu.memory_space<vmem>> -> memref<6272xf32, #tpu.memory_space<vmem>>
        %parallel_loop3A_769 = tpu.vector_load_idx %parallel_loop3A_768[%parallel_loop3A_764] : memref<6272xf32, #tpu.memory_space<vmem>>[vector<16xi32>], vector<16xf32>,
        %parallel_loop3A_770 = arith.constant 1 : i32
        %parallel_loop3A_771 = arith.index_cast %rem3A_401 : i32 to index
        %parallel_loop3A_772 = arith.index_cast %parallel_loop3A_770 : i32 to index
        %parallel_loop3A_773 = arith.index_cast %parallel_loop3A_604 : i32 to index
        %parallel_loop3A_774 = arith.index_cast %parallel_loop3A_606 : i32 to index
        %parallel_loop3A_775 = arith.constant 64 : index
        %parallel_loop3A_776 = tpu.vector_load %arg7[%parallel_loop3A_771, %parallel_loop3A_772, %parallel_loop3A_773, %parallel_loop3A_774, %parallel_loop3A_775] {strides = array<i32>} : memref<2x4x6x8x128xf32, #tpu.memory_space<vmem>>, vector<16xf32>,
        tpu.vector_store %arg7[%parallel_loop3A_771, %parallel_loop3A_772, %parallel_loop3A_773, %parallel_loop3A_774, %parallel_loop3A_775], %parallel_loop3A_769 {strides = array<i32>} : memref<2x4x6x8x128xf32, #tpu.memory_space<vmem>>, vector<16xf32>,
        %parallel_loop3A_777 = arith.addi %mul3A_36, %parallel_loop3A_607 : vector<16xi32>
        %parallel_loop3A_778 = arith.constant 1 : i32
        %parallel_loop3A_779 = arith.constant 0 : i32
        %parallel_loop3A_780 = tpu.memref_slice %arg8[%parallel_loop3A_778, %parallel_loop3A_779] : memref<4x6272xf32, #tpu.memory_space<vmem>> -> memref<1x6272xf32, #tpu.memory_space<vmem>>
        %parallel_loop3A_781 = tpu.memref_squeeze %parallel_loop3A_780 : memref<1x6272xf32, #tpu.memory_space<vmem>> -> memref<6272xf32, #tpu.memory_space<vmem>>
        %parallel_loop3A_782 = tpu.vector_load_idx %parallel_loop3A_781[%parallel_loop3A_777] : memref<6272xf32, #tpu.memory_space<vmem>>[vector<16xi32>], vector<16xf32>,
        %parallel_loop3A_783 = arith.constant 1 : i32
        %parallel_loop3A_784 = arith.index_cast %rem3A_401 : i32 to index
        %parallel_loop3A_785 = arith.index_cast %parallel_loop3A_783 : i32 to index
        %parallel_loop3A_786 = arith.index_cast %parallel_loop3A_604 : i32 to index
        %parallel_loop3A_787 = arith.index_cast %parallel_loop3A_606 : i32 to index
        %parallel_loop3A_788 = arith.constant 80 : index
        %parallel_loop3A_789 = tpu.vector_load %arg7[%parallel_loop3A_784, %parallel_loop3A_785, %parallel_loop3A_786, %parallel_loop3A_787, %parallel_loop3A_788] {strides = array<i32>} : memref<2x4x6x8x128xf32, #tpu.memory_space<vmem>>, vector<16xf32>,
        tpu.vector_store %arg7[%parallel_loop3A_784, %parallel_loop3A_785, %parallel_loop3A_786, %parallel_loop3A_787, %parallel_loop3A_788], %parallel_loop3A_782 {strides = array<i32>} : memref<2x4x6x8x128xf32, #tpu.memory_space<vmem>>, vector<16xf32>,
        %parallel_loop3A_790 = arith.addi %mul3A_42, %parallel_loop3A_607 : vector<16xi32>
        %parallel_loop3A_791 = arith.constant 1 : i32
        %parallel_loop3A_792 = arith.constant 0 : i32
        %parallel_loop3A_793 = tpu.memref_slice %arg8[%parallel_loop3A_791, %parallel_loop3A_792] : memref<4x6272xf32, #tpu.memory_space<vmem>> -> memref<1x6272xf32, #tpu.memory_space<vmem>>
        %parallel_loop3A_794 = tpu.memref_squeeze %parallel_loop3A_793 : memref<1x6272xf32, #tpu.memory_space<vmem>> -> memref<6272xf32, #tpu.memory_space<vmem>>
        %parallel_loop3A_795 = tpu.vector_load_idx %parallel_loop3A_794[%parallel_loop3A_790] : memref<6272xf32, #tpu.memory_space<vmem>>[vector<16xi32>], vector<16xf32>,
        %parallel_loop3A_796 = arith.constant 1 : i32
        %parallel_loop3A_797 = arith.index_cast %rem3A_401 : i32 to index
        %parallel_loop3A_798 = arith.index_cast %parallel_loop3A_796 : i32 to index
        %parallel_loop3A_799 = arith.index_cast %parallel_loop3A_604 : i32 to index
        %parallel_loop3A_800 = arith.index_cast %parallel_loop3A_606 : i32 to index
        %parallel_loop3A_801 = arith.constant 96 : index
        %parallel_loop3A_802 = tpu.vector_load %arg7[%parallel_loop3A_797, %parallel_loop3A_798, %parallel_loop3A_799, %parallel_loop3A_800, %parallel_loop3A_801] {strides = array<i32>} : memref<2x4x6x8x128xf32, #tpu.memory_space<vmem>>, vector<16xf32>,
        tpu.vector_store %arg7[%parallel_loop3A_797, %parallel_loop3A_798, %parallel_loop3A_799, %parallel_loop3A_800, %parallel_loop3A_801], %parallel_loop3A_795 {strides = array<i32>} : memref<2x4x6x8x128xf32, #tpu.memory_space<vmem>>, vector<16xf32>,
        %parallel_loop3A_803 = arith.addi %mul3A_48, %parallel_loop3A_607 : vector<16xi32>
        %parallel_loop3A_804 = arith.constant 1 : i32
        %parallel_loop3A_805 = arith.constant 0 : i32
        %parallel_loop3A_806 = tpu.memref_slice %arg8[%parallel_loop3A_804, %parallel_loop3A_805] : memref<4x6272xf32, #tpu.memory_space<vmem>> -> memref<1x6272xf32, #tpu.memory_space<vmem>>
        %parallel_loop3A_807 = tpu.memref_squeeze %parallel_loop3A_806 : memref<1x6272xf32, #tpu.memory_space<vmem>> -> memref<6272xf32, #tpu.memory_space<vmem>>
        %parallel_loop3A_808 = tpu.vector_load_idx %parallel_loop3A_807[%parallel_loop3A_803] : memref<6272xf32, #tpu.memory_space<vmem>>[vector<16xi32>], vector<16xf32>,
        %parallel_loop3A_809 = arith.constant 1 : i32
        %parallel_loop3A_810 = arith.index_cast %rem3A_401 : i32 to index
        %parallel_loop3A_811 = arith.index_cast %parallel_loop3A_809 : i32 to index
        %parallel_loop3A_812 = arith.index_cast %parallel_loop3A_604 : i32 to index
        %parallel_loop3A_813 = arith.index_cast %parallel_loop3A_606 : i32 to index
        %parallel_loop3A_814 = arith.constant 112 : index
        %parallel_loop3A_815 = tpu.vector_load %arg7[%parallel_loop3A_810, %parallel_loop3A_811, %parallel_loop3A_812, %parallel_loop3A_813, %parallel_loop3A_814] {strides = array<i32>} : memref<2x4x6x8x128xf32, #tpu.memory_space<vmem>>, vector<16xf32>,
        tpu.vector_store %arg7[%parallel_loop3A_810, %parallel_loop3A_811, %parallel_loop3A_812, %parallel_loop3A_813, %parallel_loop3A_814], %parallel_loop3A_808 {strides = array<i32>} : memref<2x4x6x8x128xf32, #tpu.memory_space<vmem>>, vector<16xf32>,
        %parallel_loop3A_816 = arith.addi %mul3A_6, %parallel_loop3A_607 : vector<16xi32>
        %parallel_loop3A_817 = arith.constant 2 : i32
        %parallel_loop3A_818 = arith.constant 0 : i32
        %parallel_loop3A_819 = tpu.memref_slice %arg8[%parallel_loop3A_817, %parallel_loop3A_818] : memref<4x6272xf32, #tpu.memory_space<vmem>> -> memref<1x6272xf32, #tpu.memory_space<vmem>>
        %parallel_loop3A_820 = tpu.memref_squeeze %parallel_loop3A_819 : memref<1x6272xf32, #tpu.memory_space<vmem>> -> memref<6272xf32, #tpu.memory_space<vmem>>
        %parallel_loop3A_821 = tpu.vector_load_idx %parallel_loop3A_820[%parallel_loop3A_816] : memref<6272xf32, #tpu.memory_space<vmem>>[vector<16xi32>], vector<16xf32>,
        %parallel_loop3A_822 = arith.constant 2 : i32
        %parallel_loop3A_823 = arith.index_cast %rem3A_401 : i32 to index
        %parallel_loop3A_824 = arith.index_cast %parallel_loop3A_822 : i32 to index
        %parallel_loop3A_825 = arith.index_cast %parallel_loop3A_604 : i32 to index
        %parallel_loop3A_826 = arith.index_cast %parallel_loop3A_606 : i32 to index
        %parallel_loop3A_827 = arith.constant 0 : index
        %parallel_loop3A_828 = tpu.vector_load %arg7[%parallel_loop3A_823, %parallel_loop3A_824, %parallel_loop3A_825, %parallel_loop3A_826, %parallel_loop3A_827] {strides = array<i32>} : memref<2x4x6x8x128xf32, #tpu.memory_space<vmem>>, vector<16xf32>,
        tpu.vector_store %arg7[%parallel_loop3A_823, %parallel_loop3A_824, %parallel_loop3A_825, %parallel_loop3A_826, %parallel_loop3A_827], %parallel_loop3A_821 {strides = array<i32>} : memref<2x4x6x8x128xf32, #tpu.memory_space<vmem>>, vector<16xf32>,
        %parallel_loop3A_829 = arith.addi %mul3A_12, %parallel_loop3A_607 : vector<16xi32>
        %parallel_loop3A_830 = arith.constant 2 : i32
        %parallel_loop3A_831 = arith.constant 0 : i32
        %parallel_loop3A_832 = tpu.memref_slice %arg8[%parallel_loop3A_830, %parallel_loop3A_831] : memref<4x6272xf32, #tpu.memory_space<vmem>> -> memref<1x6272xf32, #tpu.memory_space<vmem>>
        %parallel_loop3A_833 = tpu.memref_squeeze %parallel_loop3A_832 : memref<1x6272xf32, #tpu.memory_space<vmem>> -> memref<6272xf32, #tpu.memory_space<vmem>>
        %parallel_loop3A_834 = tpu.vector_load_idx %parallel_loop3A_833[%parallel_loop3A_829] : memref<6272xf32, #tpu.memory_space<vmem>>[vector<16xi32>], vector<16xf32>,
        %parallel_loop3A_835 = arith.constant 2 : i32
        %parallel_loop3A_836 = arith.index_cast %rem3A_401 : i32 to index
        %parallel_loop3A_837 = arith.index_cast %parallel_loop3A_835 : i32 to index
        %parallel_loop3A_838 = arith.index_cast %parallel_loop3A_604 : i32 to index
        %parallel_loop3A_839 = arith.index_cast %parallel_loop3A_606 : i32 to index
        %parallel_loop3A_840 = arith.constant 16 : index
        %parallel_loop3A_841 = tpu.vector_load %arg7[%parallel_loop3A_836, %parallel_loop3A_837, %parallel_loop3A_838, %parallel_loop3A_839, %parallel_loop3A_840] {strides = array<i32>} : memref<2x4x6x8x128xf32, #tpu.memory_space<vmem>>, vector<16xf32>,
        tpu.vector_store %arg7[%parallel_loop3A_836, %parallel_loop3A_837, %parallel_loop3A_838, %parallel_loop3A_839, %parallel_loop3A_840], %parallel_loop3A_834 {strides = array<i32>} : memref<2x4x6x8x128xf32, #tpu.memory_space<vmem>>, vector<16xf32>,
        %parallel_loop3A_842 = arith.addi %mul3A_18, %parallel_loop3A_607 : vector<16xi32>
        %parallel_loop3A_843 = arith.constant 2 : i32
        %parallel_loop3A_844 = arith.constant 0 : i32
        %parallel_loop3A_845 = tpu.memref_slice %arg8[%parallel_loop3A_843, %parallel_loop3A_844] : memref<4x6272xf32, #tpu.memory_space<vmem>> -> memref<1x6272xf32, #tpu.memory_space<vmem>>
        %parallel_loop3A_846 = tpu.memref_squeeze %parallel_loop3A_845 : memref<1x6272xf32, #tpu.memory_space<vmem>> -> memref<6272xf32, #tpu.memory_space<vmem>>
        %parallel_loop3A_847 = tpu.vector_load_idx %parallel_loop3A_846[%parallel_loop3A_842] : memref<6272xf32, #tpu.memory_space<vmem>>[vector<16xi32>], vector<16xf32>,
        %parallel_loop3A_848 = arith.constant 2 : i32
        %parallel_loop3A_849 = arith.index_cast %rem3A_401 : i32 to index
        %parallel_loop3A_850 = arith.index_cast %parallel_loop3A_848 : i32 to index
        %parallel_loop3A_851 = arith.index_cast %parallel_loop3A_604 : i32 to index
        %parallel_loop3A_852 = arith.index_cast %parallel_loop3A_606 : i32 to index
        %parallel_loop3A_853 = arith.constant 32 : index
        %parallel_loop3A_854 = tpu.vector_load %arg7[%parallel_loop3A_849, %parallel_loop3A_850, %parallel_loop3A_851, %parallel_loop3A_852, %parallel_loop3A_853] {strides = array<i32>} : memref<2x4x6x8x128xf32, #tpu.memory_space<vmem>>, vector<16xf32>,
        tpu.vector_store %arg7[%parallel_loop3A_849, %parallel_loop3A_850, %parallel_loop3A_851, %parallel_loop3A_852, %parallel_loop3A_853], %parallel_loop3A_847 {strides = array<i32>} : memref<2x4x6x8x128xf32, #tpu.memory_space<vmem>>, vector<16xf32>,
        %parallel_loop3A_855 = arith.addi %mul3A_24, %parallel_loop3A_607 : vector<16xi32>
        %parallel_loop3A_856 = arith.constant 2 : i32
        %parallel_loop3A_857 = arith.constant 0 : i32
        %parallel_loop3A_858 = tpu.memref_slice %arg8[%parallel_loop3A_856, %parallel_loop3A_857] : memref<4x6272xf32, #tpu.memory_space<vmem>> -> memref<1x6272xf32, #tpu.memory_space<vmem>>
        %parallel_loop3A_859 = tpu.memref_squeeze %parallel_loop3A_858 : memref<1x6272xf32, #tpu.memory_space<vmem>> -> memref<6272xf32, #tpu.memory_space<vmem>>
        %parallel_loop3A_860 = tpu.vector_load_idx %parallel_loop3A_859[%parallel_loop3A_855] : memref<6272xf32, #tpu.memory_space<vmem>>[vector<16xi32>], vector<16xf32>,
        %parallel_loop3A_861 = arith.constant 2 : i32
        %parallel_loop3A_862 = arith.index_cast %rem3A_401 : i32 to index
        %parallel_loop3A_863 = arith.index_cast %parallel_loop3A_861 : i32 to index
        %parallel_loop3A_864 = arith.index_cast %parallel_loop3A_604 : i32 to index
        %parallel_loop3A_865 = arith.index_cast %parallel_loop3A_606 : i32 to index
        %parallel_loop3A_866 = arith.constant 48 : index
        %parallel_loop3A_867 = tpu.vector_load %arg7[%parallel_loop3A_862, %parallel_loop3A_863, %parallel_loop3A_864, %parallel_loop3A_865, %parallel_loop3A_866] {strides = array<i32>} : memref<2x4x6x8x128xf32, #tpu.memory_space<vmem>>, vector<16xf32>,
        tpu.vector_store %arg7[%parallel_loop3A_862, %parallel_loop3A_863, %parallel_loop3A_864, %parallel_loop3A_865, %parallel_loop3A_866], %parallel_loop3A_860 {strides = array<i32>} : memref<2x4x6x8x128xf32, #tpu.memory_space<vmem>>, vector<16xf32>,
        %parallel_loop3A_868 = arith.addi %mul3A_30, %parallel_loop3A_607 : vector<16xi32>
        %parallel_loop3A_869 = arith.constant 2 : i32
        %parallel_loop3A_870 = arith.constant 0 : i32
        %parallel_loop3A_871 = tpu.memref_slice %arg8[%parallel_loop3A_869, %parallel_loop3A_870] : memref<4x6272xf32, #tpu.memory_space<vmem>> -> memref<1x6272xf32, #tpu.memory_space<vmem>>
        %parallel_loop3A_872 = tpu.memref_squeeze %parallel_loop3A_871 : memref<1x6272xf32, #tpu.memory_space<vmem>> -> memref<6272xf32, #tpu.memory_space<vmem>>
        %parallel_loop3A_873 = tpu.vector_load_idx %parallel_loop3A_872[%parallel_loop3A_868] : memref<6272xf32, #tpu.memory_space<vmem>>[vector<16xi32>], vector<16xf32>,
        %parallel_loop3A_874 = arith.constant 2 : i32
        %parallel_loop3A_875 = arith.index_cast %rem3A_401 : i32 to index
        %parallel_loop3A_876 = arith.index_cast %parallel_loop3A_874 : i32 to index
        %parallel_loop3A_877 = arith.index_cast %parallel_loop3A_604 : i32 to index
        %parallel_loop3A_878 = arith.index_cast %parallel_loop3A_606 : i32 to index
        %parallel_loop3A_879 = arith.constant 64 : index
        %parallel_loop3A_880 = tpu.vector_load %arg7[%parallel_loop3A_875, %parallel_loop3A_876, %parallel_loop3A_877, %parallel_loop3A_878, %parallel_loop3A_879] {strides = array<i32>} : memref<2x4x6x8x128xf32, #tpu.memory_space<vmem>>, vector<16xf32>,
        tpu.vector_store %arg7[%parallel_loop3A_875, %parallel_loop3A_876, %parallel_loop3A_877, %parallel_loop3A_878, %parallel_loop3A_879], %parallel_loop3A_873 {strides = array<i32>} : memref<2x4x6x8x128xf32, #tpu.memory_space<vmem>>, vector<16xf32>,
        %parallel_loop3A_881 = arith.addi %mul3A_36, %parallel_loop3A_607 : vector<16xi32>
        %parallel_loop3A_882 = arith.constant 2 : i32
        %parallel_loop3A_883 = arith.constant 0 : i32
        %parallel_loop3A_884 = tpu.memref_slice %arg8[%parallel_loop3A_882, %parallel_loop3A_883] : memref<4x6272xf32, #tpu.memory_space<vmem>> -> memref<1x6272xf32, #tpu.memory_space<vmem>>
        %parallel_loop3A_885 = tpu.memref_squeeze %parallel_loop3A_884 : memref<1x6272xf32, #tpu.memory_space<vmem>> -> memref<6272xf32, #tpu.memory_space<vmem>>
        %parallel_loop3A_886 = tpu.vector_load_idx %parallel_loop3A_885[%parallel_loop3A_881] : memref<6272xf32, #tpu.memory_space<vmem>>[vector<16xi32>], vector<16xf32>,
        %parallel_loop3A_887 = arith.constant 2 : i32
        %parallel_loop3A_888 = arith.index_cast %rem3A_401 : i32 to index
        %parallel_loop3A_889 = arith.index_cast %parallel_loop3A_887 : i32 to index
        %parallel_loop3A_890 = arith.index_cast %parallel_loop3A_604 : i32 to index
        %parallel_loop3A_891 = arith.index_cast %parallel_loop3A_606 : i32 to index
        %parallel_loop3A_892 = arith.constant 80 : index
        %parallel_loop3A_893 = tpu.vector_load %arg7[%parallel_loop3A_888, %parallel_loop3A_889, %parallel_loop3A_890, %parallel_loop3A_891, %parallel_loop3A_892] {strides = array<i32>} : memref<2x4x6x8x128xf32, #tpu.memory_space<vmem>>, vector<16xf32>,
        tpu.vector_store %arg7[%parallel_loop3A_888, %parallel_loop3A_889, %parallel_loop3A_890, %parallel_loop3A_891, %parallel_loop3A_892], %parallel_loop3A_886 {strides = array<i32>} : memref<2x4x6x8x128xf32, #tpu.memory_space<vmem>>, vector<16xf32>,
        %parallel_loop3A_894 = arith.addi %mul3A_42, %parallel_loop3A_607 : vector<16xi32>
        %parallel_loop3A_895 = arith.constant 2 : i32
        %parallel_loop3A_896 = arith.constant 0 : i32
        %parallel_loop3A_897 = tpu.memref_slice %arg8[%parallel_loop3A_895, %parallel_loop3A_896] : memref<4x6272xf32, #tpu.memory_space<vmem>> -> memref<1x6272xf32, #tpu.memory_space<vmem>>
        %parallel_loop3A_898 = tpu.memref_squeeze %parallel_loop3A_897 : memref<1x6272xf32, #tpu.memory_space<vmem>> -> memref<6272xf32, #tpu.memory_space<vmem>>
        %parallel_loop3A_899 = tpu.vector_load_idx %parallel_loop3A_898[%parallel_loop3A_894] : memref<6272xf32, #tpu.memory_space<vmem>>[vector<16xi32>], vector<16xf32>,
        %parallel_loop3A_900 = arith.constant 2 : i32
        %parallel_loop3A_901 = arith.index_cast %rem3A_401 : i32 to index
        %parallel_loop3A_902 = arith.index_cast %parallel_loop3A_900 : i32 to index
        %parallel_loop3A_903 = arith.index_cast %parallel_loop3A_604 : i32 to index
        %parallel_loop3A_904 = arith.index_cast %parallel_loop3A_606 : i32 to index
        %parallel_loop3A_905 = arith.constant 96 : index
        %parallel_loop3A_906 = tpu.vector_load %arg7[%parallel_loop3A_901, %parallel_loop3A_902, %parallel_loop3A_903, %parallel_loop3A_904, %parallel_loop3A_905] {strides = array<i32>} : memref<2x4x6x8x128xf32, #tpu.memory_space<vmem>>, vector<16xf32>,
        tpu.vector_store %arg7[%parallel_loop3A_901, %parallel_loop3A_902, %parallel_loop3A_903, %parallel_loop3A_904, %parallel_loop3A_905], %parallel_loop3A_899 {strides = array<i32>} : memref<2x4x6x8x128xf32, #tpu.memory_space<vmem>>, vector<16xf32>,
        %parallel_loop3A_907 = arith.addi %mul3A_48, %parallel_loop3A_607 : vector<16xi32>
        %parallel_loop3A_908 = arith.constant 2 : i32
        %parallel_loop3A_909 = arith.constant 0 : i32
        %parallel_loop3A_910 = tpu.memref_slice %arg8[%parallel_loop3A_908, %parallel_loop3A_909] : memref<4x6272xf32, #tpu.memory_space<vmem>> -> memref<1x6272xf32, #tpu.memory_space<vmem>>
        %parallel_loop3A_911 = tpu.memref_squeeze %parallel_loop3A_910 : memref<1x6272xf32, #tpu.memory_space<vmem>> -> memref<6272xf32, #tpu.memory_space<vmem>>
        %parallel_loop3A_912 = tpu.vector_load_idx %parallel_loop3A_911[%parallel_loop3A_907] : memref<6272xf32, #tpu.memory_space<vmem>>[vector<16xi32>], vector<16xf32>,
        %parallel_loop3A_913 = arith.constant 2 : i32
        %parallel_loop3A_914 = arith.index_cast %rem3A_401 : i32 to index
        %parallel_loop3A_915 = arith.index_cast %parallel_loop3A_913 : i32 to index
        %parallel_loop3A_916 = arith.index_cast %parallel_loop3A_604 : i32 to index
        %parallel_loop3A_917 = arith.index_cast %parallel_loop3A_606 : i32 to index
        %parallel_loop3A_918 = arith.constant 112 : index
        %parallel_loop3A_919 = tpu.vector_load %arg7[%parallel_loop3A_914, %parallel_loop3A_915, %parallel_loop3A_916, %parallel_loop3A_917, %parallel_loop3A_918] {strides = array<i32>} : memref<2x4x6x8x128xf32, #tpu.memory_space<vmem>>, vector<16xf32>,
        tpu.vector_store %arg7[%parallel_loop3A_914, %parallel_loop3A_915, %parallel_loop3A_916, %parallel_loop3A_917, %parallel_loop3A_918], %parallel_loop3A_912 {strides = array<i32>} : memref<2x4x6x8x128xf32, #tpu.memory_space<vmem>>, vector<16xf32>,
        %parallel_loop3A_920 = arith.addi %mul3A_6, %parallel_loop3A_607 : vector<16xi32>
        %parallel_loop3A_921 = arith.constant 3 : i32
        %parallel_loop3A_922 = arith.constant 0 : i32
        %parallel_loop3A_923 = tpu.memref_slice %arg8[%parallel_loop3A_921, %parallel_loop3A_922] : memref<4x6272xf32, #tpu.memory_space<vmem>> -> memref<1x6272xf32, #tpu.memory_space<vmem>>
        %parallel_loop3A_924 = tpu.memref_squeeze %parallel_loop3A_923 : memref<1x6272xf32, #tpu.memory_space<vmem>> -> memref<6272xf32, #tpu.memory_space<vmem>>
        %parallel_loop3A_925 = tpu.vector_load_idx %parallel_loop3A_924[%parallel_loop3A_920] : memref<6272xf32, #tpu.memory_space<vmem>>[vector<16xi32>], vector<16xf32>,
        %parallel_loop3A_926 = arith.constant 3 : i32
        %parallel_loop3A_927 = arith.index_cast %rem3A_401 : i32 to index
        %parallel_loop3A_928 = arith.index_cast %parallel_loop3A_926 : i32 to index
        %parallel_loop3A_929 = arith.index_cast %parallel_loop3A_604 : i32 to index
        %parallel_loop3A_930 = arith.index_cast %parallel_loop3A_606 : i32 to index
        %parallel_loop3A_931 = arith.constant 0 : index
        %parallel_loop3A_932 = tpu.vector_load %arg7[%parallel_loop3A_927, %parallel_loop3A_928, %parallel_loop3A_929, %parallel_loop3A_930, %parallel_loop3A_931] {strides = array<i32>} : memref<2x4x6x8x128xf32, #tpu.memory_space<vmem>>, vector<16xf32>,
        tpu.vector_store %arg7[%parallel_loop3A_927, %parallel_loop3A_928, %parallel_loop3A_929, %parallel_loop3A_930, %parallel_loop3A_931], %parallel_loop3A_925 {strides = array<i32>} : memref<2x4x6x8x128xf32, #tpu.memory_space<vmem>>, vector<16xf32>,
        %parallel_loop3A_933 = arith.addi %mul3A_12, %parallel_loop3A_607 : vector<16xi32>
        %parallel_loop3A_934 = arith.constant 3 : i32
        %parallel_loop3A_935 = arith.constant 0 : i32
        %parallel_loop3A_936 = tpu.memref_slice %arg8[%parallel_loop3A_934, %parallel_loop3A_935] : memref<4x6272xf32, #tpu.memory_space<vmem>> -> memref<1x6272xf32, #tpu.memory_space<vmem>>
        %parallel_loop3A_937 = tpu.memref_squeeze %parallel_loop3A_936 : memref<1x6272xf32, #tpu.memory_space<vmem>> -> memref<6272xf32, #tpu.memory_space<vmem>>
        %parallel_loop3A_938 = tpu.vector_load_idx %parallel_loop3A_937[%parallel_loop3A_933] : memref<6272xf32, #tpu.memory_space<vmem>>[vector<16xi32>], vector<16xf32>,
        %parallel_loop3A_939 = arith.constant 3 : i32
        %parallel_loop3A_940 = arith.index_cast %rem3A_401 : i32 to index
        %parallel_loop3A_941 = arith.index_cast %parallel_loop3A_939 : i32 to index
        %parallel_loop3A_942 = arith.index_cast %parallel_loop3A_604 : i32 to index
        %parallel_loop3A_943 = arith.index_cast %parallel_loop3A_606 : i32 to index
        %parallel_loop3A_944 = arith.constant 16 : index
        %parallel_loop3A_945 = tpu.vector_load %arg7[%parallel_loop3A_940, %parallel_loop3A_941, %parallel_loop3A_942, %parallel_loop3A_943, %parallel_loop3A_944] {strides = array<i32>} : memref<2x4x6x8x128xf32, #tpu.memory_space<vmem>>, vector<16xf32>,
        tpu.vector_store %arg7[%parallel_loop3A_940, %parallel_loop3A_941, %parallel_loop3A_942, %parallel_loop3A_943, %parallel_loop3A_944], %parallel_loop3A_938 {strides = array<i32>} : memref<2x4x6x8x128xf32, #tpu.memory_space<vmem>>, vector<16xf32>,
        %parallel_loop3A_946 = arith.addi %mul3A_18, %parallel_loop3A_607 : vector<16xi32>
        %parallel_loop3A_947 = arith.constant 3 : i32
        %parallel_loop3A_948 = arith.constant 0 : i32
        %parallel_loop3A_949 = tpu.memref_slice %arg8[%parallel_loop3A_947, %parallel_loop3A_948] : memref<4x6272xf32, #tpu.memory_space<vmem>> -> memref<1x6272xf32, #tpu.memory_space<vmem>>
        %parallel_loop3A_950 = tpu.memref_squeeze %parallel_loop3A_949 : memref<1x6272xf32, #tpu.memory_space<vmem>> -> memref<6272xf32, #tpu.memory_space<vmem>>
        %parallel_loop3A_951 = tpu.vector_load_idx %parallel_loop3A_950[%parallel_loop3A_946] : memref<6272xf32, #tpu.memory_space<vmem>>[vector<16xi32>], vector<16xf32>,
        %parallel_loop3A_952 = arith.constant 3 : i32
        %parallel_loop3A_953 = arith.index_cast %rem3A_401 : i32 to index
        %parallel_loop3A_954 = arith.index_cast %parallel_loop3A_952 : i32 to index
        %parallel_loop3A_955 = arith.index_cast %parallel_loop3A_604 : i32 to index
        %parallel_loop3A_956 = arith.index_cast %parallel_loop3A_606 : i32 to index
        %parallel_loop3A_957 = arith.constant 32 : index
        %parallel_loop3A_958 = tpu.vector_load %arg7[%parallel_loop3A_953, %parallel_loop3A_954, %parallel_loop3A_955, %parallel_loop3A_956, %parallel_loop3A_957] {strides = array<i32>} : memref<2x4x6x8x128xf32, #tpu.memory_space<vmem>>, vector<16xf32>,
        tpu.vector_store %arg7[%parallel_loop3A_953, %parallel_loop3A_954, %parallel_loop3A_955, %parallel_loop3A_956, %parallel_loop3A_957], %parallel_loop3A_951 {strides = array<i32>} : memref<2x4x6x8x128xf32, #tpu.memory_space<vmem>>, vector<16xf32>,
        %parallel_loop3A_959 = arith.addi %mul3A_24, %parallel_loop3A_607 : vector<16xi32>
        %parallel_loop3A_960 = arith.constant 3 : i32
        %parallel_loop3A_961 = arith.constant 0 : i32
        %parallel_loop3A_962 = tpu.memref_slice %arg8[%parallel_loop3A_960, %parallel_loop3A_961] : memref<4x6272xf32, #tpu.memory_space<vmem>> -> memref<1x6272xf32, #tpu.memory_space<vmem>>
        %parallel_loop3A_963 = tpu.memref_squeeze %parallel_loop3A_962 : memref<1x6272xf32, #tpu.memory_space<vmem>> -> memref<6272xf32, #tpu.memory_space<vmem>>
        %parallel_loop3A_964 = tpu.vector_load_idx %parallel_loop3A_963[%parallel_loop3A_959] : memref<6272xf32, #tpu.memory_space<vmem>>[vector<16xi32>], vector<16xf32>,
        %parallel_loop3A_965 = arith.constant 3 : i32
        %parallel_loop3A_966 = arith.index_cast %rem3A_401 : i32 to index
        %parallel_loop3A_967 = arith.index_cast %parallel_loop3A_965 : i32 to index
        %parallel_loop3A_968 = arith.index_cast %parallel_loop3A_604 : i32 to index
        %parallel_loop3A_969 = arith.index_cast %parallel_loop3A_606 : i32 to index
        %parallel_loop3A_970 = arith.constant 48 : index
        %parallel_loop3A_971 = tpu.vector_load %arg7[%parallel_loop3A_966, %parallel_loop3A_967, %parallel_loop3A_968, %parallel_loop3A_969, %parallel_loop3A_970] {strides = array<i32>} : memref<2x4x6x8x128xf32, #tpu.memory_space<vmem>>, vector<16xf32>,
        tpu.vector_store %arg7[%parallel_loop3A_966, %parallel_loop3A_967, %parallel_loop3A_968, %parallel_loop3A_969, %parallel_loop3A_970], %parallel_loop3A_964 {strides = array<i32>} : memref<2x4x6x8x128xf32, #tpu.memory_space<vmem>>, vector<16xf32>,
        %parallel_loop3A_972 = arith.addi %mul3A_30, %parallel_loop3A_607 : vector<16xi32>
        %parallel_loop3A_973 = arith.constant 3 : i32
        %parallel_loop3A_974 = arith.constant 0 : i32
        %parallel_loop3A_975 = tpu.memref_slice %arg8[%parallel_loop3A_973, %parallel_loop3A_974] : memref<4x6272xf32, #tpu.memory_space<vmem>> -> memref<1x6272xf32, #tpu.memory_space<vmem>>
        %parallel_loop3A_976 = tpu.memref_squeeze %parallel_loop3A_975 : memref<1x6272xf32, #tpu.memory_space<vmem>> -> memref<6272xf32, #tpu.memory_space<vmem>>
        %parallel_loop3A_977 = tpu.vector_load_idx %parallel_loop3A_976[%parallel_loop3A_972] : memref<6272xf32, #tpu.memory_space<vmem>>[vector<16xi32>], vector<16xf32>,
        %parallel_loop3A_978 = arith.constant 3 : i32
        %parallel_loop3A_979 = arith.index_cast %rem3A_401 : i32 to index
        %parallel_loop3A_980 = arith.index_cast %parallel_loop3A_978 : i32 to index
        %parallel_loop3A_981 = arith.index_cast %parallel_loop3A_604 : i32 to index
        %parallel_loop3A_982 = arith.index_cast %parallel_loop3A_606 : i32 to index
        %parallel_loop3A_983 = arith.constant 64 : index
        %parallel_loop3A_984 = tpu.vector_load %arg7[%parallel_loop3A_979, %parallel_loop3A_980, %parallel_loop3A_981, %parallel_loop3A_982, %parallel_loop3A_983] {strides = array<i32>} : memref<2x4x6x8x128xf32, #tpu.memory_space<vmem>>, vector<16xf32>,
        tpu.vector_store %arg7[%parallel_loop3A_979, %parallel_loop3A_980, %parallel_loop3A_981, %parallel_loop3A_982, %parallel_loop3A_983], %parallel_loop3A_977 {strides = array<i32>} : memref<2x4x6x8x128xf32, #tpu.memory_space<vmem>>, vector<16xf32>,
        %parallel_loop3A_985 = arith.addi %mul3A_36, %parallel_loop3A_607 : vector<16xi32>
        %parallel_loop3A_986 = arith.constant 3 : i32
        %parallel_loop3A_987 = arith.constant 0 : i32
        %parallel_loop3A_988 = tpu.memref_slice %arg8[%parallel_loop3A_986, %parallel_loop3A_987] : memref<4x6272xf32, #tpu.memory_space<vmem>> -> memref<1x6272xf32, #tpu.memory_space<vmem>>
        %parallel_loop3A_989 = tpu.memref_squeeze %parallel_loop3A_988 : memref<1x6272xf32, #tpu.memory_space<vmem>> -> memref<6272xf32, #tpu.memory_space<vmem>>
        %parallel_loop3A_990 = tpu.vector_load_idx %parallel_loop3A_989[%parallel_loop3A_985] : memref<6272xf32, #tpu.memory_space<vmem>>[vector<16xi32>], vector<16xf32>,
        %parallel_loop3A_991 = arith.constant 3 : i32
        %parallel_loop3A_992 = arith.index_cast %rem3A_401 : i32 to index
        %parallel_loop3A_993 = arith.index_cast %parallel_loop3A_991 : i32 to index
        %parallel_loop3A_994 = arith.index_cast %parallel_loop3A_604 : i32 to index
        %parallel_loop3A_995 = arith.index_cast %parallel_loop3A_606 : i32 to index
        %parallel_loop3A_996 = arith.constant 80 : index
        %parallel_loop3A_997 = tpu.vector_load %arg7[%parallel_loop3A_992, %parallel_loop3A_993, %parallel_loop3A_994, %parallel_loop3A_995, %parallel_loop3A_996] {strides = array<i32>} : memref<2x4x6x8x128xf32, #tpu.memory_space<vmem>>, vector<16xf32>,
        tpu.vector_store %arg7[%parallel_loop3A_992, %parallel_loop3A_993, %parallel_loop3A_994, %parallel_loop3A_995, %parallel_loop3A_996], %parallel_loop3A_990 {strides = array<i32>} : memref<2x4x6x8x128xf32, #tpu.memory_space<vmem>>, vector<16xf32>,
        %parallel_loop3A_998 = arith.addi %mul3A_42, %parallel_loop3A_607 : vector<16xi32>
        %parallel_loop3A_999 = arith.constant 3 : i32
        %parallel_loop3A_1000 = arith.constant 0 : i32
        %parallel_loop3A_1001 = tpu.memref_slice %arg8[%parallel_loop3A_999, %parallel_loop3A_1000] : memref<4x6272xf32, #tpu.memory_space<vmem>> -> memref<1x6272xf32, #tpu.memory_space<vmem>>
        %parallel_loop3A_1002 = tpu.memref_squeeze %parallel_loop3A_1001 : memref<1x6272xf32, #tpu.memory_space<vmem>> -> memref<6272xf32, #tpu.memory_space<vmem>>
        %parallel_loop3A_1003 = tpu.vector_load_idx %parallel_loop3A_1002[%parallel_loop3A_998] : memref<6272xf32, #tpu.memory_space<vmem>>[vector<16xi32>], vector<16xf32>,
        %parallel_loop3A_1004 = arith.constant 3 : i32
        %parallel_loop3A_1005 = arith.index_cast %rem3A_401 : i32 to index
        %parallel_loop3A_1006 = arith.index_cast %parallel_loop3A_1004 : i32 to index
        %parallel_loop3A_1007 = arith.index_cast %parallel_loop3A_604 : i32 to index
        %parallel_loop3A_1008 = arith.index_cast %parallel_loop3A_606 : i32 to index
        %parallel_loop3A_1009 = arith.constant 96 : index
        %parallel_loop3A_1010 = tpu.vector_load %arg7[%parallel_loop3A_1005, %parallel_loop3A_1006, %parallel_loop3A_1007, %parallel_loop3A_1008, %parallel_loop3A_1009] {strides = array<i32>} : memref<2x4x6x8x128xf32, #tpu.memory_space<vmem>>, vector<16xf32>,
        tpu.vector_store %arg7[%parallel_loop3A_1005, %parallel_loop3A_1006, %parallel_loop3A_1007, %parallel_loop3A_1008, %parallel_loop3A_1009], %parallel_loop3A_1003 {strides = array<i32>} : memref<2x4x6x8x128xf32, #tpu.memory_space<vmem>>, vector<16xf32>,
        %parallel_loop3A_1011 = arith.addi %mul3A_48, %parallel_loop3A_607 : vector<16xi32>
        %parallel_loop3A_1012 = arith.constant 3 : i32
        %parallel_loop3A_1013 = arith.constant 0 : i32
        %parallel_loop3A_1014 = tpu.memref_slice %arg8[%parallel_loop3A_1012, %parallel_loop3A_1013] : memref<4x6272xf32, #tpu.memory_space<vmem>> -> memref<1x6272xf32, #tpu.memory_space<vmem>>
        %parallel_loop3A_1015 = tpu.memref_squeeze %parallel_loop3A_1014 : memref<1x6272xf32, #tpu.memory_space<vmem>> -> memref<6272xf32, #tpu.memory_space<vmem>>
        %parallel_loop3A_1016 = tpu.vector_load_idx %parallel_loop3A_1015[%parallel_loop3A_1011] : memref<6272xf32, #tpu.memory_space<vmem>>[vector<16xi32>], vector<16xf32>,
        %parallel_loop3A_1017 = arith.constant 3 : i32
        %parallel_loop3A_1018 = arith.index_cast %rem3A_401 : i32 to index
        %parallel_loop3A_1019 = arith.index_cast %parallel_loop3A_1017 : i32 to index
        %parallel_loop3A_1020 = arith.index_cast %parallel_loop3A_604 : i32 to index
        %parallel_loop3A_1021 = arith.index_cast %parallel_loop3A_606 : i32 to index
        %parallel_loop3A_1022 = arith.constant 112 : index
        %parallel_loop3A_1023 = tpu.vector_load %arg7[%parallel_loop3A_1018, %parallel_loop3A_1019, %parallel_loop3A_1020, %parallel_loop3A_1021, %parallel_loop3A_1022] {strides = array<i32>} : memref<2x4x6x8x128xf32, #tpu.memory_space<vmem>>, vector<16xf32>,
        tpu.vector_store %arg7[%parallel_loop3A_1018, %parallel_loop3A_1019, %parallel_loop3A_1020, %parallel_loop3A_1021, %parallel_loop3A_1022], %parallel_loop3A_1016 {strides = array<i32>} : memref<2x4x6x8x128xf32, #tpu.memory_space<vmem>>, vector<16xf32>,
      } {sc.loop_unroll_factor = 1 : i64, sc.parallel_access}
      %mul3A_494 = arith.constant 4 : i32
      %mul3A_495 = arith.muli %mul3A_494, %add3A : i32
      %add3A_496 = arith.constant 0 : i32
      %add3A_497 = arith.addi %mul3A_495, %add3A_496 : i32
      %dma_start3A_498 = arith.constant 0 : i32
      %dma_start3A_499 = arith.constant 0 : i32
      %dma_start3A_500 = arith.constant 0 : i32
      %dma_start3A_501 = arith.constant 0 : i32
      %dma_start3A_502 = tpu.memref_slice %arg7[%rem3A_401, %dma_start3A_498, %dma_start3A_499, %dma_start3A_500, %dma_start3A_501] : memref<2x4x6x8x128xf32, #tpu.memory_space<vmem>> -> memref<1x1x6x8x128xf32, #tpu.memory_space<vmem>>
      %dma_start3A_503 = tpu.memref_squeeze %dma_start3A_502 : memref<1x1x6x8x128xf32, #tpu.memory_space<vmem>> -> memref<6x8x128xf32, #tpu.memory_space<vmem>>
      %dma_start3A_504 = arith.constant 0 : i32
      %dma_start3A_505 = arith.constant 0 : i32
      %dma_start3A_506 = arith.constant 0 : i32
      %dma_start3A_507 = tpu.memref_slice %arg4[%scan3A_399, %dma_start3A_504, %add3A_497, %dma_start3A_505, %dma_start3A_506] : memref<200x6x128x8x128xf32, #tpu.memory_space<hbm>> -> memref<1x6x1x8x128xf32, #tpu.memory_space<hbm>>
      %dma_start3A_508 = tpu.memref_squeeze %dma_start3A_507 : memref<1x6x1x8x128xf32, #tpu.memory_space<hbm>> -> memref<6x8x128xf32, #tpu.memory_space<hbm>>
      %dma_start3A_509 = tpu.memref_slice %arg10[%rem3A_401] : memref<2x!tpu.dma_semaphore, #tpu.memory_space<semaphore_mem>> -> memref<1x!tpu.dma_semaphore, #tpu.memory_space<semaphore_mem>>
      %dma_start3A_510 = tpu.memref_squeeze %dma_start3A_509 : memref<1x!tpu.dma_semaphore, #tpu.memory_space<semaphore_mem>> -> memref<!tpu.dma_semaphore, #tpu.memory_space<semaphore_mem>>
      %dma_start3A_511 = arith.constant 0 : i32
      %dma_start3A_512 = arith.constant 0 : i32
      %dma_start3A_513 = arith.constant 0 : i32
      %dma_start3A_514 = tpu.memref_slice %arg4[%scan3A_399, %dma_start3A_511, %add3A_497, %dma_start3A_512, %dma_start3A_513] : memref<200x6x128x8x128xf32, #tpu.memory_space<hbm>> -> memref<1x6x1x8x128xf32, #tpu.memory_space<hbm>>
      %dma_start3A_515 = tpu.memref_squeeze %dma_start3A_514 : memref<1x6x1x8x128xf32, #tpu.memory_space<hbm>> -> memref<6x8x128xf32, #tpu.memory_space<hbm>>
      %dma_start3A_516 = arith.constant 0 : i32
      %dma_start3A_517 = arith.constant 0 : i32
      %dma_start3A_518 = arith.constant 0 : i32
      %dma_start3A_519 = tpu.memref_slice %arg7[%rem3A_401, %dma_start3A_498, %dma_start3A_516, %dma_start3A_517, %dma_start3A_518] : memref<2x4x6x8x128xf32, #tpu.memory_space<vmem>> -> memref<1x1x6x8x128xf32, #tpu.memory_space<vmem>>
      %dma_start3A_520 = tpu.memref_squeeze %dma_start3A_519 : memref<1x1x6x8x128xf32, #tpu.memory_space<vmem>> -> memref<6x8x128xf32, #tpu.memory_space<vmem>>
      tpu.enqueue_dma source(%dma_start3A_520 : memref<6x8x128xf32, #tpu.memory_space<vmem>>) target(%dma_start3A_515 : memref<6x8x128xf32, #tpu.memory_space<hbm>>) target_semaphore(%dma_start3A_510 : memref<!tpu.dma_semaphore, #tpu.memory_space<semaphore_mem>>)
      %mul3A_521 = arith.constant 4 : i32
      %mul3A_522 = arith.muli %mul3A_521, %add3A : i32
      %add3A_523 = arith.constant 1 : i32
      %add3A_524 = arith.addi %mul3A_522, %add3A_523 : i32
      %dma_start3A_525 = arith.constant 1 : i32
      %dma_start3A_526 = arith.constant 0 : i32
      %dma_start3A_527 = arith.constant 0 : i32
      %dma_start3A_528 = arith.constant 0 : i32
      %dma_start3A_529 = tpu.memref_slice %arg7[%rem3A_401, %dma_start3A_525, %dma_start3A_526, %dma_start3A_527, %dma_start3A_528] : memref<2x4x6x8x128xf32, #tpu.memory_space<vmem>> -> memref<1x1x6x8x128xf32, #tpu.memory_space<vmem>>
      %dma_start3A_530 = tpu.memref_squeeze %dma_start3A_529 : memref<1x1x6x8x128xf32, #tpu.memory_space<vmem>> -> memref<6x8x128xf32, #tpu.memory_space<vmem>>
      %dma_start3A_531 = arith.constant 0 : i32
      %dma_start3A_532 = arith.constant 0 : i32
      %dma_start3A_533 = arith.constant 0 : i32
      %dma_start3A_534 = tpu.memref_slice %arg4[%scan3A_399, %dma_start3A_531, %add3A_524, %dma_start3A_532, %dma_start3A_533] : memref<200x6x128x8x128xf32, #tpu.memory_space<hbm>> -> memref<1x6x1x8x128xf32, #tpu.memory_space<hbm>>
      %dma_start3A_535 = tpu.memref_squeeze %dma_start3A_534 : memref<1x6x1x8x128xf32, #tpu.memory_space<hbm>> -> memref<6x8x128xf32, #tpu.memory_space<hbm>>
      %dma_start3A_536 = tpu.memref_slice %arg10[%rem3A_401] : memref<2x!tpu.dma_semaphore, #tpu.memory_space<semaphore_mem>> -> memref<1x!tpu.dma_semaphore, #tpu.memory_space<semaphore_mem>>
      %dma_start3A_537 = tpu.memref_squeeze %dma_start3A_536 : memref<1x!tpu.dma_semaphore, #tpu.memory_space<semaphore_mem>> -> memref<!tpu.dma_semaphore, #tpu.memory_space<semaphore_mem>>
      %dma_start3A_538 = arith.constant 0 : i32
      %dma_start3A_539 = arith.constant 0 : i32
      %dma_start3A_540 = arith.constant 0 : i32
      %dma_start3A_541 = tpu.memref_slice %arg4[%scan3A_399, %dma_start3A_538, %add3A_524, %dma_start3A_539, %dma_start3A_540] : memref<200x6x128x8x128xf32, #tpu.memory_space<hbm>> -> memref<1x6x1x8x128xf32, #tpu.memory_space<hbm>>
      %dma_start3A_542 = tpu.memref_squeeze %dma_start3A_541 : memref<1x6x1x8x128xf32, #tpu.memory_space<hbm>> -> memref<6x8x128xf32, #tpu.memory_space<hbm>>
      %dma_start3A_543 = arith.constant 0 : i32
      %dma_start3A_544 = arith.constant 0 : i32
      %dma_start3A_545 = arith.constant 0 : i32
      %dma_start3A_546 = tpu.memref_slice %arg7[%rem3A_401, %dma_start3A_525, %dma_start3A_543, %dma_start3A_544, %dma_start3A_545] : memref<2x4x6x8x128xf32, #tpu.memory_space<vmem>> -> memref<1x1x6x8x128xf32, #tpu.memory_space<vmem>>
      %dma_start3A_547 = tpu.memref_squeeze %dma_start3A_546 : memref<1x1x6x8x128xf32, #tpu.memory_space<vmem>> -> memref<6x8x128xf32, #tpu.memory_space<vmem>>
      tpu.enqueue_dma source(%dma_start3A_547 : memref<6x8x128xf32, #tpu.memory_space<vmem>>) target(%dma_start3A_542 : memref<6x8x128xf32, #tpu.memory_space<hbm>>) target_semaphore(%dma_start3A_537 : memref<!tpu.dma_semaphore, #tpu.memory_space<semaphore_mem>>)
      %mul3A_548 = arith.constant 4 : i32
      %mul3A_549 = arith.muli %mul3A_548, %add3A : i32
      %add3A_550 = arith.constant 2 : i32
      %add3A_551 = arith.addi %mul3A_549, %add3A_550 : i32
      %dma_start3A_552 = arith.constant 2 : i32
      %dma_start3A_553 = arith.constant 0 : i32
      %dma_start3A_554 = arith.constant 0 : i32
      %dma_start3A_555 = arith.constant 0 : i32
      %dma_start3A_556 = tpu.memref_slice %arg7[%rem3A_401, %dma_start3A_552, %dma_start3A_553, %dma_start3A_554, %dma_start3A_555] : memref<2x4x6x8x128xf32, #tpu.memory_space<vmem>> -> memref<1x1x6x8x128xf32, #tpu.memory_space<vmem>>
      %dma_start3A_557 = tpu.memref_squeeze %dma_start3A_556 : memref<1x1x6x8x128xf32, #tpu.memory_space<vmem>> -> memref<6x8x128xf32, #tpu.memory_space<vmem>>
      %dma_start3A_558 = arith.constant 0 : i32
      %dma_start3A_559 = arith.constant 0 : i32
      %dma_start3A_560 = arith.constant 0 : i32
      %dma_start3A_561 = tpu.memref_slice %arg4[%scan3A_399, %dma_start3A_558, %add3A_551, %dma_start3A_559, %dma_start3A_560] : memref<200x6x128x8x128xf32, #tpu.memory_space<hbm>> -> memref<1x6x1x8x128xf32, #tpu.memory_space<hbm>>
      %dma_start3A_562 = tpu.memref_squeeze %dma_start3A_561 : memref<1x6x1x8x128xf32, #tpu.memory_space<hbm>> -> memref<6x8x128xf32, #tpu.memory_space<hbm>>
      %dma_start3A_563 = tpu.memref_slice %arg10[%rem3A_401] : memref<2x!tpu.dma_semaphore, #tpu.memory_space<semaphore_mem>> -> memref<1x!tpu.dma_semaphore, #tpu.memory_space<semaphore_mem>>
      %dma_start3A_564 = tpu.memref_squeeze %dma_start3A_563 : memref<1x!tpu.dma_semaphore, #tpu.memory_space<semaphore_mem>> -> memref<!tpu.dma_semaphore, #tpu.memory_space<semaphore_mem>>
      %dma_start3A_565 = arith.constant 0 : i32
      %dma_start3A_566 = arith.constant 0 : i32
      %dma_start3A_567 = arith.constant 0 : i32
      %dma_start3A_568 = tpu.memref_slice %arg4[%scan3A_399, %dma_start3A_565, %add3A_551, %dma_start3A_566, %dma_start3A_567] : memref<200x6x128x8x128xf32, #tpu.memory_space<hbm>> -> memref<1x6x1x8x128xf32, #tpu.memory_space<hbm>>
      %dma_start3A_569 = tpu.memref_squeeze %dma_start3A_568 : memref<1x6x1x8x128xf32, #tpu.memory_space<hbm>> -> memref<6x8x128xf32, #tpu.memory_space<hbm>>
      %dma_start3A_570 = arith.constant 0 : i32
      %dma_start3A_571 = arith.constant 0 : i32
      %dma_start3A_572 = arith.constant 0 : i32
      %dma_start3A_573 = tpu.memref_slice %arg7[%rem3A_401, %dma_start3A_552, %dma_start3A_570, %dma_start3A_571, %dma_start3A_572] : memref<2x4x6x8x128xf32, #tpu.memory_space<vmem>> -> memref<1x1x6x8x128xf32, #tpu.memory_space<vmem>>
      %dma_start3A_574 = tpu.memref_squeeze %dma_start3A_573 : memref<1x1x6x8x128xf32, #tpu.memory_space<vmem>> -> memref<6x8x128xf32, #tpu.memory_space<vmem>>
      tpu.enqueue_dma source(%dma_start3A_574 : memref<6x8x128xf32, #tpu.memory_space<vmem>>) target(%dma_start3A_569 : memref<6x8x128xf32, #tpu.memory_space<hbm>>) target_semaphore(%dma_start3A_564 : memref<!tpu.dma_semaphore, #tpu.memory_space<semaphore_mem>>)
      %mul3A_575 = arith.constant 4 : i32
      %mul3A_576 = arith.muli %mul3A_575, %add3A : i32
      %add3A_577 = arith.constant 3 : i32
      %add3A_578 = arith.addi %mul3A_576, %add3A_577 : i32
      %dma_start3A_579 = arith.constant 3 : i32
      %dma_start3A_580 = arith.constant 0 : i32
      %dma_start3A_581 = arith.constant 0 : i32
      %dma_start3A_582 = arith.constant 0 : i32
      %dma_start3A_583 = tpu.memref_slice %arg7[%rem3A_401, %dma_start3A_579, %dma_start3A_580, %dma_start3A_581, %dma_start3A_582] : memref<2x4x6x8x128xf32, #tpu.memory_space<vmem>> -> memref<1x1x6x8x128xf32, #tpu.memory_space<vmem>>
      %dma_start3A_584 = tpu.memref_squeeze %dma_start3A_583 : memref<1x1x6x8x128xf32, #tpu.memory_space<vmem>> -> memref<6x8x128xf32, #tpu.memory_space<vmem>>
      %dma_start3A_585 = arith.constant 0 : i32
      %dma_start3A_586 = arith.constant 0 : i32
      %dma_start3A_587 = arith.constant 0 : i32
      %dma_start3A_588 = tpu.memref_slice %arg4[%scan3A_399, %dma_start3A_585, %add3A_578, %dma_start3A_586, %dma_start3A_587] : memref<200x6x128x8x128xf32, #tpu.memory_space<hbm>> -> memref<1x6x1x8x128xf32, #tpu.memory_space<hbm>>
      %dma_start3A_589 = tpu.memref_squeeze %dma_start3A_588 : memref<1x6x1x8x128xf32, #tpu.memory_space<hbm>> -> memref<6x8x128xf32, #tpu.memory_space<hbm>>
      %dma_start3A_590 = tpu.memref_slice %arg10[%rem3A_401] : memref<2x!tpu.dma_semaphore, #tpu.memory_space<semaphore_mem>> -> memref<1x!tpu.dma_semaphore, #tpu.memory_space<semaphore_mem>>
      %dma_start3A_591 = tpu.memref_squeeze %dma_start3A_590 : memref<1x!tpu.dma_semaphore, #tpu.memory_space<semaphore_mem>> -> memref<!tpu.dma_semaphore, #tpu.memory_space<semaphore_mem>>
      %dma_start3A_592 = arith.constant 0 : i32
      %dma_start3A_593 = arith.constant 0 : i32
      %dma_start3A_594 = arith.constant 0 : i32
      %dma_start3A_595 = tpu.memref_slice %arg4[%scan3A_399, %dma_start3A_592, %add3A_578, %dma_start3A_593, %dma_start3A_594] : memref<200x6x128x8x128xf32, #tpu.memory_space<hbm>> -> memref<1x6x1x8x128xf32, #tpu.memory_space<hbm>>
      %dma_start3A_596 = tpu.memref_squeeze %dma_start3A_595 : memref<1x6x1x8x128xf32, #tpu.memory_space<hbm>> -> memref<6x8x128xf32, #tpu.memory_space<hbm>>
      %dma_start3A_597 = arith.constant 0 : i32
      %dma_start3A_598 = arith.constant 0 : i32
      %dma_start3A_599 = arith.constant 0 : i32
      %dma_start3A_600 = tpu.memref_slice %arg7[%rem3A_401, %dma_start3A_579, %dma_start3A_597, %dma_start3A_598, %dma_start3A_599] : memref<2x4x6x8x128xf32, #tpu.memory_space<vmem>> -> memref<1x1x6x8x128xf32, #tpu.memory_space<vmem>>
      %dma_start3A_601 = tpu.memref_squeeze %dma_start3A_600 : memref<1x1x6x8x128xf32, #tpu.memory_space<vmem>> -> memref<6x8x128xf32, #tpu.memory_space<vmem>>
      tpu.enqueue_dma source(%dma_start3A_601 : memref<6x8x128xf32, #tpu.memory_space<vmem>>) target(%dma_start3A_596 : memref<6x8x128xf32, #tpu.memory_space<hbm>>) target_semaphore(%dma_start3A_591 : memref<!tpu.dma_semaphore, #tpu.memory_space<semaphore_mem>>)
    }
    %scan3A_182 = arith.constant 200 : i32
    %dma_wait3A_183 = arith.constant 0 : i32
    %dma_wait3A_184 = arith.constant 0 : i32
    %dma_wait3A_185 = arith.constant 0 : i32
    %dma_wait3A_186 = arith.constant 0 : i32
    %dma_wait3A_187 = arith.constant 0 : i32
    %dma_wait3A_188 = arith.constant 0 : i32
    %dma_wait3A_189 = arith.constant 0 : i32
    %dma_wait3A_190 = arith.constant 0 : i32
    %dma_wait3A_191 = tpu.memref_slice %arg7[%dma_wait3A_183, %dma_wait3A_184, %dma_wait3A_188, %dma_wait3A_189, %dma_wait3A_190] : memref<2x4x6x8x128xf32, #tpu.memory_space<vmem>> -> memref<1x1x6x8x128xf32, #tpu.memory_space<vmem>>
    %dma_wait3A_192 = tpu.memref_squeeze %dma_wait3A_191 : memref<1x1x6x8x128xf32, #tpu.memory_space<vmem>> -> memref<6x8x128xf32, #tpu.memory_space<vmem>>
    %dma_wait3A_193 = arith.constant 0 : i32
    %dma_wait3A_194 = arith.constant 0 : i32
    %dma_wait3A_195 = arith.constant 0 : i32
    %dma_wait3A_196 = tpu.memref_slice %arg4[%dma_wait3A_185, %dma_wait3A_193, %dma_wait3A_186, %dma_wait3A_194, %dma_wait3A_195] : memref<200x6x128x8x128xf32, #tpu.memory_space<hbm>> -> memref<1x6x1x8x128xf32, #tpu.memory_space<hbm>>
    %dma_wait3A_197 = tpu.memref_squeeze %dma_wait3A_196 : memref<1x6x1x8x128xf32, #tpu.memory_space<hbm>> -> memref<6x8x128xf32, #tpu.memory_space<hbm>>
    %dma_wait3A_198 = tpu.memref_slice %arg10[%dma_wait3A_187] : memref<2x!tpu.dma_semaphore, #tpu.memory_space<semaphore_mem>> -> memref<1x!tpu.dma_semaphore, #tpu.memory_space<semaphore_mem>>
    %dma_wait3A_199 = tpu.memref_squeeze %dma_wait3A_198 : memref<1x!tpu.dma_semaphore, #tpu.memory_space<semaphore_mem>> -> memref<!tpu.dma_semaphore, #tpu.memory_space<semaphore_mem>>
    %dma_wait3A_200 = arith.constant 0 : i32
    %dma_wait3A_201 = arith.constant 0 : i32
    %dma_wait3A_202 = arith.constant 0 : i32
    %dma_wait3A_203 = tpu.memref_slice %arg4[%dma_wait3A_185, %dma_wait3A_200, %dma_wait3A_186, %dma_wait3A_201, %dma_wait3A_202] : memref<200x6x128x8x128xf32, #tpu.memory_space<hbm>> -> memref<1x6x1x8x128xf32, #tpu.memory_space<hbm>>
    %dma_wait3A_204 = tpu.memref_squeeze %dma_wait3A_203 : memref<1x6x1x8x128xf32, #tpu.memory_space<hbm>> -> memref<6x8x128xf32, #tpu.memory_space<hbm>>
    %dma_wait3A_205 = arith.constant 0 : i32
    %dma_wait3A_206 = arith.constant 0 : i32
    %dma_wait3A_207 = arith.constant 0 : i32
    %dma_wait3A_208 = tpu.memref_slice %arg7[%dma_wait3A_183, %dma_wait3A_184, %dma_wait3A_205, %dma_wait3A_206, %dma_wait3A_207] : memref<2x4x6x8x128xf32, #tpu.memory_space<vmem>> -> memref<1x1x6x8x128xf32, #tpu.memory_space<vmem>>
    %dma_wait3A_209 = tpu.memref_squeeze %dma_wait3A_208 : memref<1x1x6x8x128xf32, #tpu.memory_space<vmem>> -> memref<6x8x128xf32, #tpu.memory_space<vmem>>
    tpu.wait_dma2 semaphore(%dma_wait3A_199 : memref<!tpu.dma_semaphore, #tpu.memory_space<semaphore_mem>>) src(%dma_wait3A_209 : memref<6x8x128xf32, #tpu.memory_space<vmem>>) dst(%dma_wait3A_204 : memref<6x8x128xf32, #tpu.memory_space<hbm>>)
    %dma_wait3A_210 = arith.constant 0 : i32
    %dma_wait3A_211 = arith.constant 0 : i32
    %dma_wait3A_212 = arith.constant 0 : i32
    %dma_wait3A_213 = arith.constant 0 : i32
    %dma_wait3A_214 = arith.constant 0 : i32
    %dma_wait3A_215 = arith.constant 0 : i32
    %dma_wait3A_216 = arith.constant 0 : i32
    %dma_wait3A_217 = arith.constant 0 : i32
    %dma_wait3A_218 = tpu.memref_slice %arg7[%dma_wait3A_210, %dma_wait3A_211, %dma_wait3A_215, %dma_wait3A_216, %dma_wait3A_217] : memref<2x4x6x8x128xf32, #tpu.memory_space<vmem>> -> memref<1x1x6x8x128xf32, #tpu.memory_space<vmem>>
    %dma_wait3A_219 = tpu.memref_squeeze %dma_wait3A_218 : memref<1x1x6x8x128xf32, #tpu.memory_space<vmem>> -> memref<6x8x128xf32, #tpu.memory_space<vmem>>
    %dma_wait3A_220 = arith.constant 0 : i32
    %dma_wait3A_221 = arith.constant 0 : i32
    %dma_wait3A_222 = arith.constant 0 : i32
    %dma_wait3A_223 = tpu.memref_slice %arg4[%dma_wait3A_212, %dma_wait3A_220, %dma_wait3A_213, %dma_wait3A_221, %dma_wait3A_222] : memref<200x6x128x8x128xf32, #tpu.memory_space<hbm>> -> memref<1x6x1x8x128xf32, #tpu.memory_space<hbm>>
    %dma_wait3A_224 = tpu.memref_squeeze %dma_wait3A_223 : memref<1x6x1x8x128xf32, #tpu.memory_space<hbm>> -> memref<6x8x128xf32, #tpu.memory_space<hbm>>
    %dma_wait3A_225 = tpu.memref_slice %arg10[%dma_wait3A_214] : memref<2x!tpu.dma_semaphore, #tpu.memory_space<semaphore_mem>> -> memref<1x!tpu.dma_semaphore, #tpu.memory_space<semaphore_mem>>
    %dma_wait3A_226 = tpu.memref_squeeze %dma_wait3A_225 : memref<1x!tpu.dma_semaphore, #tpu.memory_space<semaphore_mem>> -> memref<!tpu.dma_semaphore, #tpu.memory_space<semaphore_mem>>
    %dma_wait3A_227 = arith.constant 0 : i32
    %dma_wait3A_228 = arith.constant 0 : i32
    %dma_wait3A_229 = arith.constant 0 : i32
    %dma_wait3A_230 = tpu.memref_slice %arg4[%dma_wait3A_212, %dma_wait3A_227, %dma_wait3A_213, %dma_wait3A_228, %dma_wait3A_229] : memref<200x6x128x8x128xf32, #tpu.memory_space<hbm>> -> memref<1x6x1x8x128xf32, #tpu.memory_space<hbm>>
    %dma_wait3A_231 = tpu.memref_squeeze %dma_wait3A_230 : memref<1x6x1x8x128xf32, #tpu.memory_space<hbm>> -> memref<6x8x128xf32, #tpu.memory_space<hbm>>
    %dma_wait3A_232 = arith.constant 0 : i32
    %dma_wait3A_233 = arith.constant 0 : i32
    %dma_wait3A_234 = arith.constant 0 : i32
    %dma_wait3A_235 = tpu.memref_slice %arg7[%dma_wait3A_210, %dma_wait3A_211, %dma_wait3A_232, %dma_wait3A_233, %dma_wait3A_234] : memref<2x4x6x8x128xf32, #tpu.memory_space<vmem>> -> memref<1x1x6x8x128xf32, #tpu.memory_space<vmem>>
    %dma_wait3A_236 = tpu.memref_squeeze %dma_wait3A_235 : memref<1x1x6x8x128xf32, #tpu.memory_space<vmem>> -> memref<6x8x128xf32, #tpu.memory_space<vmem>>
    tpu.wait_dma2 semaphore(%dma_wait3A_226 : memref<!tpu.dma_semaphore, #tpu.memory_space<semaphore_mem>>) src(%dma_wait3A_236 : memref<6x8x128xf32, #tpu.memory_space<vmem>>) dst(%dma_wait3A_231 : memref<6x8x128xf32, #tpu.memory_space<hbm>>)
    %dma_wait3A_237 = arith.constant 0 : i32
    %dma_wait3A_238 = arith.constant 0 : i32
    %dma_wait3A_239 = arith.constant 0 : i32
    %dma_wait3A_240 = arith.constant 0 : i32
    %dma_wait3A_241 = arith.constant 0 : i32
    %dma_wait3A_242 = arith.constant 0 : i32
    %dma_wait3A_243 = arith.constant 0 : i32
    %dma_wait3A_244 = arith.constant 0 : i32
    %dma_wait3A_245 = tpu.memref_slice %arg7[%dma_wait3A_237, %dma_wait3A_238, %dma_wait3A_242, %dma_wait3A_243, %dma_wait3A_244] : memref<2x4x6x8x128xf32, #tpu.memory_space<vmem>> -> memref<1x1x6x8x128xf32, #tpu.memory_space<vmem>>
    %dma_wait3A_246 = tpu.memref_squeeze %dma_wait3A_245 : memref<1x1x6x8x128xf32, #tpu.memory_space<vmem>> -> memref<6x8x128xf32, #tpu.memory_space<vmem>>
    %dma_wait3A_247 = arith.constant 0 : i32
    %dma_wait3A_248 = arith.constant 0 : i32
    %dma_wait3A_249 = arith.constant 0 : i32
    %dma_wait3A_250 = tpu.memref_slice %arg4[%dma_wait3A_239, %dma_wait3A_247, %dma_wait3A_240, %dma_wait3A_248, %dma_wait3A_249] : memref<200x6x128x8x128xf32, #tpu.memory_space<hbm>> -> memref<1x6x1x8x128xf32, #tpu.memory_space<hbm>>
    %dma_wait3A_251 = tpu.memref_squeeze %dma_wait3A_250 : memref<1x6x1x8x128xf32, #tpu.memory_space<hbm>> -> memref<6x8x128xf32, #tpu.memory_space<hbm>>
    %dma_wait3A_252 = tpu.memref_slice %arg10[%dma_wait3A_241] : memref<2x!tpu.dma_semaphore, #tpu.memory_space<semaphore_mem>> -> memref<1x!tpu.dma_semaphore, #tpu.memory_space<semaphore_mem>>
    %dma_wait3A_253 = tpu.memref_squeeze %dma_wait3A_252 : memref<1x!tpu.dma_semaphore, #tpu.memory_space<semaphore_mem>> -> memref<!tpu.dma_semaphore, #tpu.memory_space<semaphore_mem>>
    %dma_wait3A_254 = arith.constant 0 : i32
    %dma_wait3A_255 = arith.constant 0 : i32
    %dma_wait3A_256 = arith.constant 0 : i32
    %dma_wait3A_257 = tpu.memref_slice %arg4[%dma_wait3A_239, %dma_wait3A_254, %dma_wait3A_240, %dma_wait3A_255, %dma_wait3A_256] : memref<200x6x128x8x128xf32, #tpu.memory_space<hbm>> -> memref<1x6x1x8x128xf32, #tpu.memory_space<hbm>>
    %dma_wait3A_258 = tpu.memref_squeeze %dma_wait3A_257 : memref<1x6x1x8x128xf32, #tpu.memory_space<hbm>> -> memref<6x8x128xf32, #tpu.memory_space<hbm>>
    %dma_wait3A_259 = arith.constant 0 : i32
    %dma_wait3A_260 = arith.constant 0 : i32
    %dma_wait3A_261 = arith.constant 0 : i32
    %dma_wait3A_262 = tpu.memref_slice %arg7[%dma_wait3A_237, %dma_wait3A_238, %dma_wait3A_259, %dma_wait3A_260, %dma_wait3A_261] : memref<2x4x6x8x128xf32, #tpu.memory_space<vmem>> -> memref<1x1x6x8x128xf32, #tpu.memory_space<vmem>>
    %dma_wait3A_263 = tpu.memref_squeeze %dma_wait3A_262 : memref<1x1x6x8x128xf32, #tpu.memory_space<vmem>> -> memref<6x8x128xf32, #tpu.memory_space<vmem>>
    tpu.wait_dma2 semaphore(%dma_wait3A_253 : memref<!tpu.dma_semaphore, #tpu.memory_space<semaphore_mem>>) src(%dma_wait3A_263 : memref<6x8x128xf32, #tpu.memory_space<vmem>>) dst(%dma_wait3A_258 : memref<6x8x128xf32, #tpu.memory_space<hbm>>)
    %dma_wait3A_264 = arith.constant 0 : i32
    %dma_wait3A_265 = arith.constant 0 : i32
    %dma_wait3A_266 = arith.constant 0 : i32
    %dma_wait3A_267 = arith.constant 0 : i32
    %dma_wait3A_268 = arith.constant 0 : i32
    %dma_wait3A_269 = arith.constant 0 : i32
    %dma_wait3A_270 = arith.constant 0 : i32
    %dma_wait3A_271 = arith.constant 0 : i32
    %dma_wait3A_272 = tpu.memref_slice %arg7[%dma_wait3A_264, %dma_wait3A_265, %dma_wait3A_269, %dma_wait3A_270, %dma_wait3A_271] : memref<2x4x6x8x128xf32, #tpu.memory_space<vmem>> -> memref<1x1x6x8x128xf32, #tpu.memory_space<vmem>>
    %dma_wait3A_273 = tpu.memref_squeeze %dma_wait3A_272 : memref<1x1x6x8x128xf32, #tpu.memory_space<vmem>> -> memref<6x8x128xf32, #tpu.memory_space<vmem>>
    %dma_wait3A_274 = arith.constant 0 : i32
    %dma_wait3A_275 = arith.constant 0 : i32
    %dma_wait3A_276 = arith.constant 0 : i32
    %dma_wait3A_277 = tpu.memref_slice %arg4[%dma_wait3A_266, %dma_wait3A_274, %dma_wait3A_267, %dma_wait3A_275, %dma_wait3A_276] : memref<200x6x128x8x128xf32, #tpu.memory_space<hbm>> -> memref<1x6x1x8x128xf32, #tpu.memory_space<hbm>>
    %dma_wait3A_278 = tpu.memref_squeeze %dma_wait3A_277 : memref<1x6x1x8x128xf32, #tpu.memory_space<hbm>> -> memref<6x8x128xf32, #tpu.memory_space<hbm>>
    %dma_wait3A_279 = tpu.memref_slice %arg10[%dma_wait3A_268] : memref<2x!tpu.dma_semaphore, #tpu.memory_space<semaphore_mem>> -> memref<1x!tpu.dma_semaphore, #tpu.memory_space<semaphore_mem>>
    %dma_wait3A_280 = tpu.memref_squeeze %dma_wait3A_279 : memref<1x!tpu.dma_semaphore, #tpu.memory_space<semaphore_mem>> -> memref<!tpu.dma_semaphore, #tpu.memory_space<semaphore_mem>>
    %dma_wait3A_281 = arith.constant 0 : i32
    %dma_wait3A_282 = arith.constant 0 : i32
    %dma_wait3A_283 = arith.constant 0 : i32
    %dma_wait3A_284 = tpu.memref_slice %arg4[%dma_wait3A_266, %dma_wait3A_281, %dma_wait3A_267, %dma_wait3A_282, %dma_wait3A_283] : memref<200x6x128x8x128xf32, #tpu.memory_space<hbm>> -> memref<1x6x1x8x128xf32, #tpu.memory_space<hbm>>
    %dma_wait3A_285 = tpu.memref_squeeze %dma_wait3A_284 : memref<1x6x1x8x128xf32, #tpu.memory_space<hbm>> -> memref<6x8x128xf32, #tpu.memory_space<hbm>>
    %dma_wait3A_286 = arith.constant 0 : i32
    %dma_wait3A_287 = arith.constant 0 : i32
    %dma_wait3A_288 = arith.constant 0 : i32
    %dma_wait3A_289 = tpu.memref_slice %arg7[%dma_wait3A_264, %dma_wait3A_265, %dma_wait3A_286, %dma_wait3A_287, %dma_wait3A_288] : memref<2x4x6x8x128xf32, #tpu.memory_space<vmem>> -> memref<1x1x6x8x128xf32, #tpu.memory_space<vmem>>
    %dma_wait3A_290 = tpu.memref_squeeze %dma_wait3A_289 : memref<1x1x6x8x128xf32, #tpu.memory_space<vmem>> -> memref<6x8x128xf32, #tpu.memory_space<vmem>>
    tpu.wait_dma2 semaphore(%dma_wait3A_280 : memref<!tpu.dma_semaphore, #tpu.memory_space<semaphore_mem>>) src(%dma_wait3A_290 : memref<6x8x128xf32, #tpu.memory_space<vmem>>) dst(%dma_wait3A_285 : memref<6x8x128xf32, #tpu.memory_space<hbm>>)
    %dma_wait3A_291 = arith.constant 1 : i32
    %dma_wait3A_292 = arith.constant 0 : i32
    %dma_wait3A_293 = arith.constant 0 : i32
    %dma_wait3A_294 = arith.constant 0 : i32
    %dma_wait3A_295 = arith.constant 1 : i32
    %dma_wait3A_296 = arith.constant 0 : i32
    %dma_wait3A_297 = arith.constant 0 : i32
    %dma_wait3A_298 = arith.constant 0 : i32
    %dma_wait3A_299 = tpu.memref_slice %arg7[%dma_wait3A_291, %dma_wait3A_292, %dma_wait3A_296, %dma_wait3A_297, %dma_wait3A_298] : memref<2x4x6x8x128xf32, #tpu.memory_space<vmem>> -> memref<1x1x6x8x128xf32, #tpu.memory_space<vmem>>
    %dma_wait3A_300 = tpu.memref_squeeze %dma_wait3A_299 : memref<1x1x6x8x128xf32, #tpu.memory_space<vmem>> -> memref<6x8x128xf32, #tpu.memory_space<vmem>>
    %dma_wait3A_301 = arith.constant 0 : i32
    %dma_wait3A_302 = arith.constant 0 : i32
    %dma_wait3A_303 = arith.constant 0 : i32
    %dma_wait3A_304 = tpu.memref_slice %arg4[%dma_wait3A_293, %dma_wait3A_301, %dma_wait3A_294, %dma_wait3A_302, %dma_wait3A_303] : memref<200x6x128x8x128xf32, #tpu.memory_space<hbm>> -> memref<1x6x1x8x128xf32, #tpu.memory_space<hbm>>
    %dma_wait3A_305 = tpu.memref_squeeze %dma_wait3A_304 : memref<1x6x1x8x128xf32, #tpu.memory_space<hbm>> -> memref<6x8x128xf32, #tpu.memory_space<hbm>>
    %dma_wait3A_306 = tpu.memref_slice %arg10[%dma_wait3A_295] : memref<2x!tpu.dma_semaphore, #tpu.memory_space<semaphore_mem>> -> memref<1x!tpu.dma_semaphore, #tpu.memory_space<semaphore_mem>>
    %dma_wait3A_307 = tpu.memref_squeeze %dma_wait3A_306 : memref<1x!tpu.dma_semaphore, #tpu.memory_space<semaphore_mem>> -> memref<!tpu.dma_semaphore, #tpu.memory_space<semaphore_mem>>
    %dma_wait3A_308 = arith.constant 0 : i32
    %dma_wait3A_309 = arith.constant 0 : i32
    %dma_wait3A_310 = arith.constant 0 : i32
    %dma_wait3A_311 = tpu.memref_slice %arg4[%dma_wait3A_293, %dma_wait3A_308, %dma_wait3A_294, %dma_wait3A_309, %dma_wait3A_310] : memref<200x6x128x8x128xf32, #tpu.memory_space<hbm>> -> memref<1x6x1x8x128xf32, #tpu.memory_space<hbm>>
    %dma_wait3A_312 = tpu.memref_squeeze %dma_wait3A_311 : memref<1x6x1x8x128xf32, #tpu.memory_space<hbm>> -> memref<6x8x128xf32, #tpu.memory_space<hbm>>
    %dma_wait3A_313 = arith.constant 0 : i32
    %dma_wait3A_314 = arith.constant 0 : i32
    %dma_wait3A_315 = arith.constant 0 : i32
    %dma_wait3A_316 = tpu.memref_slice %arg7[%dma_wait3A_291, %dma_wait3A_292, %dma_wait3A_313, %dma_wait3A_314, %dma_wait3A_315] : memref<2x4x6x8x128xf32, #tpu.memory_space<vmem>> -> memref<1x1x6x8x128xf32, #tpu.memory_space<vmem>>
    %dma_wait3A_317 = tpu.memref_squeeze %dma_wait3A_316 : memref<1x1x6x8x128xf32, #tpu.memory_space<vmem>> -> memref<6x8x128xf32, #tpu.memory_space<vmem>>
    tpu.wait_dma2 semaphore(%dma_wait3A_307 : memref<!tpu.dma_semaphore, #tpu.memory_space<semaphore_mem>>) src(%dma_wait3A_317 : memref<6x8x128xf32, #tpu.memory_space<vmem>>) dst(%dma_wait3A_312 : memref<6x8x128xf32, #tpu.memory_space<hbm>>)
    %dma_wait3A_318 = arith.constant 1 : i32
    %dma_wait3A_319 = arith.constant 0 : i32
    %dma_wait3A_320 = arith.constant 0 : i32
    %dma_wait3A_321 = arith.constant 0 : i32
    %dma_wait3A_322 = arith.constant 1 : i32
    %dma_wait3A_323 = arith.constant 0 : i32
    %dma_wait3A_324 = arith.constant 0 : i32
    %dma_wait3A_325 = arith.constant 0 : i32
    %dma_wait3A_326 = tpu.memref_slice %arg7[%dma_wait3A_318, %dma_wait3A_319, %dma_wait3A_323, %dma_wait3A_324, %dma_wait3A_325] : memref<2x4x6x8x128xf32, #tpu.memory_space<vmem>> -> memref<1x1x6x8x128xf32, #tpu.memory_space<vmem>>
    %dma_wait3A_327 = tpu.memref_squeeze %dma_wait3A_326 : memref<1x1x6x8x128xf32, #tpu.memory_space<vmem>> -> memref<6x8x128xf32, #tpu.memory_space<vmem>>
    %dma_wait3A_328 = arith.constant 0 : i32
    %dma_wait3A_329 = arith.constant 0 : i32
    %dma_wait3A_330 = arith.constant 0 : i32
    %dma_wait3A_331 = tpu.memref_slice %arg4[%dma_wait3A_320, %dma_wait3A_328, %dma_wait3A_321, %dma_wait3A_329, %dma_wait3A_330] : memref<200x6x128x8x128xf32, #tpu.memory_space<hbm>> -> memref<1x6x1x8x128xf32, #tpu.memory_space<hbm>>
    %dma_wait3A_332 = tpu.memref_squeeze %dma_wait3A_331 : memref<1x6x1x8x128xf32, #tpu.memory_space<hbm>> -> memref<6x8x128xf32, #tpu.memory_space<hbm>>
    %dma_wait3A_333 = tpu.memref_slice %arg10[%dma_wait3A_322] : memref<2x!tpu.dma_semaphore, #tpu.memory_space<semaphore_mem>> -> memref<1x!tpu.dma_semaphore, #tpu.memory_space<semaphore_mem>>
    %dma_wait3A_334 = tpu.memref_squeeze %dma_wait3A_333 : memref<1x!tpu.dma_semaphore, #tpu.memory_space<semaphore_mem>> -> memref<!tpu.dma_semaphore, #tpu.memory_space<semaphore_mem>>
    %dma_wait3A_335 = arith.constant 0 : i32
    %dma_wait3A_336 = arith.constant 0 : i32
    %dma_wait3A_337 = arith.constant 0 : i32
    %dma_wait3A_338 = tpu.memref_slice %arg4[%dma_wait3A_320, %dma_wait3A_335, %dma_wait3A_321, %dma_wait3A_336, %dma_wait3A_337] : memref<200x6x128x8x128xf32, #tpu.memory_space<hbm>> -> memref<1x6x1x8x128xf32, #tpu.memory_space<hbm>>
    %dma_wait3A_339 = tpu.memref_squeeze %dma_wait3A_338 : memref<1x6x1x8x128xf32, #tpu.memory_space<hbm>> -> memref<6x8x128xf32, #tpu.memory_space<hbm>>
    %dma_wait3A_340 = arith.constant 0 : i32
    %dma_wait3A_341 = arith.constant 0 : i32
    %dma_wait3A_342 = arith.constant 0 : i32
    %dma_wait3A_343 = tpu.memref_slice %arg7[%dma_wait3A_318, %dma_wait3A_319, %dma_wait3A_340, %dma_wait3A_341, %dma_wait3A_342] : memref<2x4x6x8x128xf32, #tpu.memory_space<vmem>> -> memref<1x1x6x8x128xf32, #tpu.memory_space<vmem>>
    %dma_wait3A_344 = tpu.memref_squeeze %dma_wait3A_343 : memref<1x1x6x8x128xf32, #tpu.memory_space<vmem>> -> memref<6x8x128xf32, #tpu.memory_space<vmem>>
    tpu.wait_dma2 semaphore(%dma_wait3A_334 : memref<!tpu.dma_semaphore, #tpu.memory_space<semaphore_mem>>) src(%dma_wait3A_344 : memref<6x8x128xf32, #tpu.memory_space<vmem>>) dst(%dma_wait3A_339 : memref<6x8x128xf32, #tpu.memory_space<hbm>>)
    %dma_wait3A_345 = arith.constant 1 : i32
    %dma_wait3A_346 = arith.constant 0 : i32
    %dma_wait3A_347 = arith.constant 0 : i32
    %dma_wait3A_348 = arith.constant 0 : i32
    %dma_wait3A_349 = arith.constant 1 : i32
    %dma_wait3A_350 = arith.constant 0 : i32
    %dma_wait3A_351 = arith.constant 0 : i32
    %dma_wait3A_352 = arith.constant 0 : i32
    %dma_wait3A_353 = tpu.memref_slice %arg7[%dma_wait3A_345, %dma_wait3A_346, %dma_wait3A_350, %dma_wait3A_351, %dma_wait3A_352] : memref<2x4x6x8x128xf32, #tpu.memory_space<vmem>> -> memref<1x1x6x8x128xf32, #tpu.memory_space<vmem>>
    %dma_wait3A_354 = tpu.memref_squeeze %dma_wait3A_353 : memref<1x1x6x8x128xf32, #tpu.memory_space<vmem>> -> memref<6x8x128xf32, #tpu.memory_space<vmem>>
    %dma_wait3A_355 = arith.constant 0 : i32
    %dma_wait3A_356 = arith.constant 0 : i32
    %dma_wait3A_357 = arith.constant 0 : i32
    %dma_wait3A_358 = tpu.memref_slice %arg4[%dma_wait3A_347, %dma_wait3A_355, %dma_wait3A_348, %dma_wait3A_356, %dma_wait3A_357] : memref<200x6x128x8x128xf32, #tpu.memory_space<hbm>> -> memref<1x6x1x8x128xf32, #tpu.memory_space<hbm>>
    %dma_wait3A_359 = tpu.memref_squeeze %dma_wait3A_358 : memref<1x6x1x8x128xf32, #tpu.memory_space<hbm>> -> memref<6x8x128xf32, #tpu.memory_space<hbm>>
    %dma_wait3A_360 = tpu.memref_slice %arg10[%dma_wait3A_349] : memref<2x!tpu.dma_semaphore, #tpu.memory_space<semaphore_mem>> -> memref<1x!tpu.dma_semaphore, #tpu.memory_space<semaphore_mem>>
    %dma_wait3A_361 = tpu.memref_squeeze %dma_wait3A_360 : memref<1x!tpu.dma_semaphore, #tpu.memory_space<semaphore_mem>> -> memref<!tpu.dma_semaphore, #tpu.memory_space<semaphore_mem>>
    %dma_wait3A_362 = arith.constant 0 : i32
    %dma_wait3A_363 = arith.constant 0 : i32
    %dma_wait3A_364 = arith.constant 0 : i32
    %dma_wait3A_365 = tpu.memref_slice %arg4[%dma_wait3A_347, %dma_wait3A_362, %dma_wait3A_348, %dma_wait3A_363, %dma_wait3A_364] : memref<200x6x128x8x128xf32, #tpu.memory_space<hbm>> -> memref<1x6x1x8x128xf32, #tpu.memory_space<hbm>>
    %dma_wait3A_366 = tpu.memref_squeeze %dma_wait3A_365 : memref<1x6x1x8x128xf32, #tpu.memory_space<hbm>> -> memref<6x8x128xf32, #tpu.memory_space<hbm>>
    %dma_wait3A_367 = arith.constant 0 : i32
    %dma_wait3A_368 = arith.constant 0 : i32
    %dma_wait3A_369 = arith.constant 0 : i32
    %dma_wait3A_370 = tpu.memref_slice %arg7[%dma_wait3A_345, %dma_wait3A_346, %dma_wait3A_367, %dma_wait3A_368, %dma_wait3A_369] : memref<2x4x6x8x128xf32, #tpu.memory_space<vmem>> -> memref<1x1x6x8x128xf32, #tpu.memory_space<vmem>>
    %dma_wait3A_371 = tpu.memref_squeeze %dma_wait3A_370 : memref<1x1x6x8x128xf32, #tpu.memory_space<vmem>> -> memref<6x8x128xf32, #tpu.memory_space<vmem>>
    tpu.wait_dma2 semaphore(%dma_wait3A_361 : memref<!tpu.dma_semaphore, #tpu.memory_space<semaphore_mem>>) src(%dma_wait3A_371 : memref<6x8x128xf32, #tpu.memory_space<vmem>>) dst(%dma_wait3A_366 : memref<6x8x128xf32, #tpu.memory_space<hbm>>)
    %dma_wait3A_372 = arith.constant 1 : i32
    %dma_wait3A_373 = arith.constant 0 : i32
    %dma_wait3A_374 = arith.constant 0 : i32
    %dma_wait3A_375 = arith.constant 0 : i32
    %dma_wait3A_376 = arith.constant 1 : i32
    %dma_wait3A_377 = arith.constant 0 : i32
    %dma_wait3A_378 = arith.constant 0 : i32
    %dma_wait3A_379 = arith.constant 0 : i32
    %dma_wait3A_380 = tpu.memref_slice %arg7[%dma_wait3A_372, %dma_wait3A_373, %dma_wait3A_377, %dma_wait3A_378, %dma_wait3A_379] : memref<2x4x6x8x128xf32, #tpu.memory_space<vmem>> -> memref<1x1x6x8x128xf32, #tpu.memory_space<vmem>>
    %dma_wait3A_381 = tpu.memref_squeeze %dma_wait3A_380 : memref<1x1x6x8x128xf32, #tpu.memory_space<vmem>> -> memref<6x8x128xf32, #tpu.memory_space<vmem>>
    %dma_wait3A_382 = arith.constant 0 : i32
    %dma_wait3A_383 = arith.constant 0 : i32
    %dma_wait3A_384 = arith.constant 0 : i32
    %dma_wait3A_385 = tpu.memref_slice %arg4[%dma_wait3A_374, %dma_wait3A_382, %dma_wait3A_375, %dma_wait3A_383, %dma_wait3A_384] : memref<200x6x128x8x128xf32, #tpu.memory_space<hbm>> -> memref<1x6x1x8x128xf32, #tpu.memory_space<hbm>>
    %dma_wait3A_386 = tpu.memref_squeeze %dma_wait3A_385 : memref<1x6x1x8x128xf32, #tpu.memory_space<hbm>> -> memref<6x8x128xf32, #tpu.memory_space<hbm>>
    %dma_wait3A_387 = tpu.memref_slice %arg10[%dma_wait3A_376] : memref<2x!tpu.dma_semaphore, #tpu.memory_space<semaphore_mem>> -> memref<1x!tpu.dma_semaphore, #tpu.memory_space<semaphore_mem>>
    %dma_wait3A_388 = tpu.memref_squeeze %dma_wait3A_387 : memref<1x!tpu.dma_semaphore, #tpu.memory_space<semaphore_mem>> -> memref<!tpu.dma_semaphore, #tpu.memory_space<semaphore_mem>>
    %dma_wait3A_389 = arith.constant 0 : i32
    %dma_wait3A_390 = arith.constant 0 : i32
    %dma_wait3A_391 = arith.constant 0 : i32
    %dma_wait3A_392 = tpu.memref_slice %arg4[%dma_wait3A_374, %dma_wait3A_389, %dma_wait3A_375, %dma_wait3A_390, %dma_wait3A_391] : memref<200x6x128x8x128xf32, #tpu.memory_space<hbm>> -> memref<1x6x1x8x128xf32, #tpu.memory_space<hbm>>
    %dma_wait3A_393 = tpu.memref_squeeze %dma_wait3A_392 : memref<1x6x1x8x128xf32, #tpu.memory_space<hbm>> -> memref<6x8x128xf32, #tpu.memory_space<hbm>>
    %dma_wait3A_394 = arith.constant 0 : i32
    %dma_wait3A_395 = arith.constant 0 : i32
    %dma_wait3A_396 = arith.constant 0 : i32
    %dma_wait3A_397 = tpu.memref_slice %arg7[%dma_wait3A_372, %dma_wait3A_373, %dma_wait3A_394, %dma_wait3A_395, %dma_wait3A_396] : memref<2x4x6x8x128xf32, #tpu.memory_space<vmem>> -> memref<1x1x6x8x128xf32, #tpu.memory_space<vmem>>
    %dma_wait3A_398 = tpu.memref_squeeze %dma_wait3A_397 : memref<1x1x6x8x128xf32, #tpu.memory_space<vmem>> -> memref<6x8x128xf32, #tpu.memory_space<vmem>>
    tpu.wait_dma2 semaphore(%dma_wait3A_388 : memref<!tpu.dma_semaphore, #tpu.memory_space<semaphore_mem>>) src(%dma_wait3A_398 : memref<6x8x128xf32, #tpu.memory_space<vmem>>) dst(%dma_wait3A_393 : memref<6x8x128xf32, #tpu.memory_space<hbm>>)
    return
  }
}

</mosaic_0001>

<sc_bundles>
// kernel: _emb.3.cloned.1.call-start
scs
__scs_entry_jumppad:
0x0: {  	(pc) =	sbr.rel $0x88, $3  }
0x1: {  	(tag) =	ssettag $0x0;
	lr =	simm.s32 $0x1  }
0x2: {  	[smem:$0x3F9F] =	sst lr;
	_ =	strace $0xD0000000  }
0x3: {  	_ = 	snop  }
0x4: {  	_ = 	snop  }
0x5: {  	_ = 	snop  }
0x6: {  	_ = 	snop  }
0x7: {  	_ = 	snop  }
__scs_overlays_trampoline_lowered:
0x8: {  	[smem:$0x3FAE] =	sst s0  }
0x9: {  	[smem:$0x3FAF] =	sst s1  }
0xa: {  	[smem:$0x3FB0] =	sst s2  }
0xb: {  	[smem:$0x3FB1] =	sst s3  }
0xc: {  	[smem:$0x3FB2] =	sst s4  }
0xd: {  	[smem:$0x3FB3] =	sst s5  }
0xe: {  	[smem:$0x3FB4] =	sst s6  }
0xf: {  	[smem:$0x3FB5] =	sst s7  }
0x10: {  	[smem:$0x3FB6] =	sst s8  }
0x11: {  	[smem:$0x3FB7] =	sst s9;
	s0 =	simm.s32 @!p0 $0x0  }
0x12: {  	s1 =	sld [smem:$0x3F9D];
	s0 =	simm.s32 @p0 $0x1  }
0x13: {  	[smem:$0x3FB8] =	sst s0;
	s0 =	simm.s32 @!p1 $0x0  }
0x14: {  	s2 =	sld [smem:$0x3F9C];
	s0 =	simm.s32 @p1 $0x1  }
0x15: {  	[smem:$0x3FB9] =	sst s0;
	s0 =	simm.s32 @!p2 $0x0  }
0x16: {  	s3 =	sld [smem:$0x3FDB];
	s0 =	simm.s32 @p2 $0x1  }
0x17: {  	s4 =	simm.s32 $0x1BF5;
	[smem:$0x3FBB] =	sst s0  }
0x18: {  	s0 =	sld [smem:$0x3F9E];
	_ =	swait.ge [sflag:s4], $0x0  }
0x19: {  	s7 =	sld [smem:$0x3F9F]  }
0x1a: {  	s8 =	sadd.s32 $0xFFFFE003, lr  }
0x1b: {  	s9 =	sadd.s32 $0xFFFFFEF7, lr;
	s5 =	simm.s32 $0xFFFFFFFF;
	p2 =	slt.u32 s8, $0xFFFFF086  }
0x1c: {  	p1 =	slt.u32 s9, $0xF7A;
	s5 =	simm.s32 @!p2 $0x0  }
0x1d: {  	s5 =	simm.s32 @p1 $0x1;
	p0 =	seq.s32 s7, s2  }
0x1e: {  	s7 =	smul.u32 @!p0 $0xF7A, s2;
	p2 =	seq.s32 @!p0 s5, $0x0  }
0x1f: {  	s9 =	smul.u32 $0xF7A, s1;
	s8 =	simm.s32 @!p0 $0x1BF5;
	p2 =	por !p2, p0  }
0x20: {  	[sflag:s8] =	ssyncset.s32 @!p0 $0xFFFFF086;
	s6 =	sadd.s32 @!p0 s3, s7;
	s7 =	simm.s32 @!p0 $0x108  }
0x21: {  	s3 =	sadd.s32 s3, s9;
	s6 =	sadd.s32 @!p0 $0x88, s6;
	s7 =	simm.s32 @p2 $0x1082  }
0x22: {  	[simem:s7], [sflag:s8] =	dma.local @!p0 [hbm:s6], $0xF7A  }
0x23: {  	s9 =	sor.u32 $0xD0000000, s2;
	s6 =	simm.s32 $0x108;
	_ =	swait.ge @!p0 [sflag:s8], $0x0  }
0x24: {  	s3 =	sadd.s32 $0x88, s3;
	s6 =	simm.s32 @!p1 $0x1082;
	[sflag:s4] =	ssyncset.s32 $0xFFFFF086  }
0x25: {  	[simem:s6], [sflag:s4] =	dma.local [hbm:s3], $0xF7A  }
0x26: {  	[smem:$0x3F9F] =	sst s1;
	(tag) =	ssettag s2;
	_ =	strace s9  }
0x27: {  	s1 =	sld [smem:$0x3FAF]  }
0x28: {  	s2 =	sld [smem:$0x3FB0]  }
0x29: {  	s4 =	sld [smem:$0x3FB2]  }
0x2a: {  	p0 =	seq.s32 s5, $0x0;
	s5 =	sld [smem:$0x3FB3]  }
0x2b: {  	s6 =	sld [smem:$0x3FB4]  }
0x2c: {  	s7 =	sld [smem:$0x3FB5]  }
0x2d: {  	s3 =	simm.s32 $0x108;
	s8 =	sld [smem:$0x3FB6]  }
0x2e: {  	s3 =	simm.s32 @!p0 $0x1082;
	s9 =	sld [smem:$0x3FB7]  }
0x2f: {  	lr =	sadd.s32 s0, s3;
	s0 =	sld [smem:$0x3FAE]  }
0x30: {  	s3 =	sld [smem:$0x3FB1]  }
0x31: {  	[smem:$0x3FBA] =	sst s10  }
0x32: {  	s10 =	sld [smem:$0x3FB8];
	_ =	sdelay $0x3  }
0x33: {  	p0 =	seq.s32 s10, $0x1;
	s10 =	sld [smem:$0x3FBA];
	_ =	sdelay $0x3  }
0x34: {  	[smem:$0x3FBA] =	sst s10  }
0x35: {  	s10 =	sld [smem:$0x3FB9];
	_ =	sdelay $0x3  }
0x36: {  	p1 =	seq.s32 s10, $0x1;
	s10 =	sld [smem:$0x3FBA];
	_ =	sdelay $0x3  }
0x37: {  	[smem:$0x3FBA] =	sst s10  }
0x38: {  	s10 =	sld [smem:$0x3FBB]  }
0x39: {  	_ = 	snop;
	(pc) =	sbr.ind lr, $3  }
0x3a: {  	_ = 	snop  }
0x3b: {  	_ = 	snop  }
0x3c: {  	p2 =	seq.s32 s10, $0x1;
	s10 =	sld [smem:$0x3FBA]  }
0x3d: {  	_ =	shalt  }
0x3e: {  	_ =	shalt  }
0x3f: {  	_ =	shalt  }
0x40: {  	_ =	shalt  }
0x41: {  	_ =	shalt  }
0x42: {  	_ =	shalt  }
0x43: {  	_ =	shalt  }
0x44: {  	_ =	shalt  }
0x45: {  	_ =	shalt  }
0x46: {  	_ =	shalt  }
0x47: {  	_ =	shalt  }
0x48: {  	_ =	shalt  }
0x49: {  	_ =	shalt  }
0x4a: {  	_ =	shalt  }
0x4b: {  	_ =	shalt  }
0x4c: {  	_ =	shalt  }
0x4d: {  	_ =	shalt  }
0x4e: {  	_ =	shalt  }
0x4f: {  	_ =	shalt  }
0x50: {  	_ =	shalt  }
0x51: {  	_ =	shalt  }
0x52: {  	_ =	shalt  }
0x53: {  	_ =	shalt  }
0x54: {  	_ =	shalt  }
0x55: {  	_ =	shalt  }
0x56: {  	_ =	shalt  }
0x57: {  	_ =	shalt  }
0x58: {  	_ =	shalt  }
0x59: {  	_ =	shalt  }
0x5a: {  	_ =	shalt  }
0x5b: {  	_ =	shalt  }
0x5c: {  	_ =	shalt  }
0x5d: {  	_ =	shalt  }
0x5e: {  	_ =	shalt  }
0x5f: {  	_ =	shalt  }
0x60: {  	_ =	shalt  }
0x61: {  	_ =	shalt  }
0x62: {  	_ =	shalt  }
0x63: {  	_ =	shalt  }
0x64: {  	_ =	shalt  }
0x65: {  	_ =	shalt  }
0x66: {  	_ =	shalt  }
0x67: {  	_ =	shalt  }
0x68: {  	_ =	shalt  }
0x69: {  	_ =	shalt  }
0x6a: {  	_ =	shalt  }
0x6b: {  	_ =	shalt  }
0x6c: {  	_ =	shalt  }
0x6d: {  	_ =	shalt  }
0x6e: {  	_ =	shalt  }
0x6f: {  	_ =	shalt  }
0x70: {  	_ =	shalt  }
0x71: {  	_ =	shalt  }
0x72: {  	_ =	shalt  }
0x73: {  	_ =	shalt  }
0x74: {  	_ =	shalt  }
0x75: {  	_ =	shalt  }
0x76: {  	_ =	shalt  }
0x77: {  	_ =	shalt  }
0x78: {  	_ =	shalt  }
0x79: {  	_ =	shalt  }
0x7a: {  	_ =	shalt  }
0x7b: {  	_ =	shalt  }
0x7c: {  	_ =	shalt  }
0x7d: {  	_ =	shalt  }
0x7e: {  	_ =	shalt  }
0x7f: {  	_ =	shalt  }
0x80: {  	_ =	shalt  }
0x81: {  	_ =	shalt  }
0x82: {  	_ =	shalt  }
0x83: {  	_ =	shalt  }
0x84: {  	_ =	shalt  }
0x85: {  	_ =	shalt  }
0x86: {  	_ =	shalt  }
0x87: {  	_ =	shalt  }
.Lfunc_end0:
.L_simem_size_0:
called_computation_lowered:
.L_overlay_start_0:
0x88: {  	s2 =	sld [smem:$0x3FD9]  }
0x89: {  	s3 =	sld [smem:$0x3FFE];
	_ =	sdelay $0x1  }
0x8a: {  	s1 =	srdreg.scid  }
0x8b: {  	s0 =	sand.u32 $0x1, s1  }
0x8c: {  	s17 =	sshll.u32 s0, $0xA;
	s2 =	sadd.s32 s3, s2  }
0x8d: {  	s2 =	sadd.s32 s2, s17  }
0x8e: {  	[smem:$0x3FC6] =	sst s2  }
0x8f: {  	_ = 	snop  }
0x90: {  	s2 =	sld [smem:$0x3FC9]  }
0x91: {  	s18 =	sld [smem:$0x3FD0];
	(tm) =	ssettm $0x1  }
0x92: {  	s4 =	sld [smem:$0x3FFB];
	_ =	sdelay $0x3  }
0x93: {  	_ =	strace s4  }
0x94: {  	s4 =	sld [smem:$0x3FFC];
	_ =	sdelay $0x3  }
0x95: {  	_ =	strace s4  }
0x96: {  	s4 =	sld [smem:$0x3FFD];
	_ =	sdelay $0x3  }
0x97: {  	_ =	strace s4  }
0x98: {  	_ =	strace $0x8FFFFFFF  }
0x99: {  	s19 =	sld [smem:$0x3FDB];
	_ =	sdelay $0x1  }
0x9a: {  	s5 =	simm.s32 $_scs_section_size  }
0x9b: {  	s6 =	simm.s32 $_size__tile_overlayer_lowered;
	s7 =	simm.s32 $_tile_overlayer_lowered  }
0x9c: {  	s22 =	simm.s32 $0x1BFF;
	s21 =	sshll.u32 s7, $0x1;
	s4 =	sadd.s32 s5, s19  }
0x9d: {  	s8 =	simm.s32 $0x0;
	s20 =	sshll.u32 s6, $0x1;
	s6 =	sadd.s32 s21, s4  }
0x9e: {  	[timem:s8], [sflag:s22] =	dma.local [hbm:s6], s20  }
0x9f: {  	_ =	swait.ge [sflag:s22], s20  }
0xa0: {  	s5 =	ssub.s32 $0x0, s20;
	[sflag:s22] =	ssyncset.done $0x0  }
0xa1: {  	[sflag:s22] =	ssyncadd.s32 s5;
	_ =	sdelay $0x1  }
0xa2: {  	s23 =	simm.s32 $0x1B8B  }
0xa3: {  	_ =	swait.ge [sflag:s23], $0x1  }
0xa4: {  	[sflag:s23] =	ssyncset.done $0x0  }
0xa5: {  	s25 =	simm.s32 $0x1B8E;
	s24 =	sld [smem:$0x3FFE];
	[sflag:s23] =	ssyncadd.s32 $0xFFFFFFFF  }
0xa6: {  	s26 =	simm.s32 $execute0_lowered;
	[smem:$0x3FD2] =	sst s25  }
0xa7: {  	s6 =	sshll.u32 s26, $0x1;
	_ =	strace $0x80000046;
	[dreg:$0x1] =	wrdreg $0xFFFFFFFF  }
0xa8: {  	s28 =	simm.s32 $_size_execute0_lowered;
	s4 =	sadd.s32 s4, s6;
	[dreg:$0x0] =	wrdreg $0x0  }
0xa9: {  	s6 =	sshll.u32 s28, $0x1;
	[dreg:$0x2] =	wrdreg s4  }
0xaa: {  	[dreg:$0x3] =	wrdreg s6  }
0xab: {  	[dreg:$0x4] =	wrdreg $0xC0  }
0xac: {  	_ =	task [dreg:s8], $0x5FFFF  }
0xad: {  	[dreg:$0x1] =	wrdreg $0xFFFFFFFF  }
0xae: {  	[dreg:$0x0] =	wrdreg $0x60  }
0xaf: {  	[dreg:$0x2] =	wrdreg s2  }
0xb0: {  	[dreg:$0x3] =	wrdreg s24  }
0xb1: {  	[dreg:$0x4] =	wrdreg s18  }
0xb2: {  	[dreg:$0x5] =	wrdreg $0x9  }
0xb3: {  	_ =	task.clear_ibuf [dreg:s8], $0x6FFFF;
	_ =	strace $0x90000046  }
0xb4: {  	s29 =	simm.s32 $0x9;
	_ =	strace $0x80000048  }
0xb5: {  	_ =	swait.ge [sflag:s29], $0x1  }
0xb6: {  	[sflag:s29] =	ssyncadd.s32 $0xFFFFFFFF  }
0xb7: {  	_ =	strace $0x90000048  }
0xb8: {  	_ =	sfence  }
0xb9: {  	s30 =	sld [smem:$0x0];
	_ =	sdelay $0x2  }
0xba: {  	s31 =	sshll.u32 s1, $0xD;
	s1 =	sshrl.u32 s1, $0x2  }
0xbb: {  	s3 =	sand.u32 $0x4000, s31;
	s1 =	sadd.s32 s1, s30  }
0xbc: {  	s0 =	sor.u32 s3, s0;
	s1 =	sshll.u32 s1, $0x11  }
0xbd: {  	s0 =	sor.u32 s1, s0  }
0xbe: {  	s0 =	sadd.s32 $0x8F2B, s0  }
0xbf: {  	[sflag:s0] =	ssyncadd.remote.s32 $0x1  }
0xc0: {  	_ =	sfence.sel $0xFFFF  }
0xc1: {  	[dreg:$0x0] =	wrdreg $0xFFFFFFFF;
	(pc) =	sbr.abs _section_cstart, $3  }
0xc2: {  	[dreg:$0x1] =	wrdreg $0xFFFFFFFF  }
0xc3: {  	_ =	task.clear_ibuf [dreg:s8], $0x2FFFF;
	_ =	strace $0x9FFFFFFF  }
0xc4: {  	(tm) =	ssettm $0x7FFFFFFF  }
0xc5: {  	_ =	shalt  }
tec
execute0_lowered:
.L_overlay_start_1:
0x0: {  	(tag) =	ssettag $0x1  }
0x1: {  	s4 =	rddreg [dreg:$0x0]  }
0x2: {  	s0 =	rddreg [dreg:$0x1];
	s1 =	srdreg.scid  }
0x3: {  	s2 =	stileid.u32;
	s5 =	simm.s32 $0x0;
	s19 =	simm.s32 $0x18400  }
0x4: {  	s1 =	sand.u32 $0x1, s1;
	s2 =	sshll.u32 s2, $0x3;
	[smem:$0x7FF] =	sst s5  }
0x5: {  	s0 =	sadd.s32 $0x400, s0;
	s3 =	sshll.u32 s1, $0x2;
	_ =	strace $0x80000047  }
0x6: {  	v0 =	vlaneseq.u32;
	s1 =	ssub.s32 $0x2, s1;
	[dreg:$0x5] =	wrdreg s0;
	s2 =	sor.u32 s3, s2  }
0x7: {  	v0 =	vmul.u32 $0x31, v0;
	s30 =	sshrl.u32 s1, $0x1;
	s3 =	sshll.u32 s2, $0x7;
	s6 =	sshll.u32 s2, $0xA  }
0x8: {  	s0 =	ssub.s32 s1, s30;
	s3 =	sadd.s32 s4, s3;
	[dreg:$0x7] =	wrdreg s6  }
0x9: {  	s20 =	simm.s32 $0x19C80;
	v1 =	vadd.s32 $0x310, v0;
	s0 =	smax.u32 s0, $0x1;
	[dreg:$0x6] =	wrdreg s3  }
0xa: {  	s21 =	simm.s32 $0x1B500;
	v2 =	vadd.s32 $0x620, v0;
	v3 =	vadd.s32 $0x930, v0;
	v4 =	vadd.s32 $0xC40, v0;
	s31 =	sadd.s32 $0x10, s3;
	[dreg:$0x9] =	wrdreg s0  }
0xb: {  	s22 =	simm.s32 $0x1CD80;
	v5 =	vadd.s32 $0xF50, v0;
	v6 =	vadd.s32 $0x1260, v0;
	v7 =	vadd.s32 $0x1570, v0;
	s2 =	simm.s32 $0x0;
	[dreg:$0x8] =	wrdreg s31  }
.LBB2_1:
0xc: {  	[dreg:$0xa] =	wrdreg s2  }
0xd: {  	s0 =	simm.s32 $0x0;
	s1 =	rddreg [dreg:$0x6]  }
0xe: {  	s18 =	simm.s32 $0x80;
	s3 =	simm.s32 $0x400;
	s23 =	simm.s32 $0x5  }
0xf: {  	[tilespmem:s0], [sflag:$0x5] =	stream.strided.gather [hbm4b:s1+s18], $0x200, s3, s18, $0x38;
	[tilespmem:$0x1E600] =	vst v63  }
0x10: {  	_ =	swait.ge [sflag:s23], $0x200  }
0x11: {  	[sflag:s23] =	ssyncset.done $0x0  }
0x12: {  	s24 =	rddreg [dreg:$0x5];
	[sflag:s23] =	ssyncadd.s32 $0xFFFFFE00  }
0x13: {  	[tilespmem:s3], [sflag:$0x1] =	stream.indirect.gather [hbm4b:s24+s18], $0x30, s0, s18, $0xb8;
	[tilespmem:$0x1E600] =	vst v63  }
0x14: {  	s25 =	simm.s32 $0x1C00  }
0x15: {  	[tilespmem:s25], [sflag:$0x1] =	stream.indirect.gather [hbm4b:s24+s18], $0x30, s18, s18, $0xb8;
	[tilespmem:$0x1E600] =	vst v63  }
0x16: {  	s26 =	simm.s32 $0x100;
	s4 =	simm.s32 $0x3400  }
0x17: {  	[tilespmem:s4], [sflag:$0x1] =	stream.indirect.gather [hbm4b:s24+s18], $0x30, s26, s18, $0xb8;
	[tilespmem:$0x1E600] =	vst v63  }
0x18: {  	s28 =	simm.s32 $0x180;
	s29 =	simm.s32 $0x4C00;
	s31 =	simm.s32 $0x200  }
0x19: {  	[tilespmem:s29], [sflag:$0x1] =	stream.indirect.gather [hbm4b:s24+s18], $0x30, s28, s18, $0xb8;
	[tilespmem:$0x1E600] =	vst v63  }
0x1a: {  	p0 =	por $0x0, $0x0;
	s10 =	simm.s32 $0x0;
	s30 =	rddreg [dreg:$0x8]  }
0x1b: {  	[tilespmem:s31], [sflag:$0x5] =	stream.strided.gather [hbm4b:s30+s18], $0x200, s3, s18, $0x38;
	[tilespmem:$0x1E600] =	vst v63  }
.LBB2_2:
0x1c: {  	s8 =	sand.u32 $0x1, s10;
	p1 =	slt.u32 s10, $0x2  }
0x1d: {  	s0 =	sadd.s32 @!p1 $0x3, s8  }
0x1e: {  	_ =	swait.ge @!p1 [sflag:s0], $0x1800  }
0x1f: {  	[sflag:s0] =	ssyncset.done @!p1 $0x0  }
0x20: {  	[sflag:s0] =	ssyncadd.s32 @!p1 $0xFFFFE800  }
0x21: {  	_ =	swait.ge @!p1 [sflag:s0], $0x1800  }
0x22: {  	[sflag:s0] =	ssyncset.done @!p1 $0x0  }
0x23: {  	[sflag:s0] =	ssyncadd.s32 @!p1 $0xFFFFE800  }
0x24: {  	_ =	swait.ge @!p1 [sflag:s0], $0x1800  }
0x25: {  	[sflag:s0] =	ssyncset.done @!p1 $0x0  }
0x26: {  	[sflag:s0] =	ssyncadd.s32 @!p1 $0xFFFFE800  }
0x27: {  	p2 =	seq.s32 @!p1 s10, $0xC7;
	_ =	swait.ge @!p1 [sflag:s0], $0x1800  }
0x28: {  	s9 =	sadd.s32 $0x1, s10;
	p2 =	por p1, !p2;
	[sflag:s0] =	ssyncset.done @!p1 $0x0  }
0x29: {  	[sflag:s0] =	ssyncadd.s32 @!p1 $0xFFFFE800;
	s0 =	sand.u32 @p2 $0x1, s9  }
0x2a: {  	s2 =	simm.s32 @p2 $0x5;
	s1 =	smul.u32 @p2 $0x18000, s0  }
0x2b: {  	s7 =	simm.s32 @p2 $0x80;
	_ =	swait.ge @p2 [sflag:s2], $0x200;
	s3 =	sshll.u32 @p2 s0, $0x9  }
0x2c: {  	s0 =	sadd.s32 @p2 $0x1, s0;
	[sflag:s2] =	ssyncset.done @p2 $0x0;
	s1 =	sshrl.u32 @p2 s1, $0x2  }
0x2d: {  	s5 =	rddreg @p2 [dreg:$0x5];
	[sflag:s2] =	ssyncadd.s32 @p2 $0xFFFFFE00;
	s2 =	sor.u32 @p2 $0x400, s1  }
0x2e: {  	[tilespmem:s2], [sflag:s0] =	stream.indirect.gather @p2 [hbm4b:s5+s7], $0x30, s3, s7, $0xb8;
	[tilespmem:$0x1E600] =	vst v63  }
0x2f: {  	s4 =	sor.u32 @p2 $0x80, s3;
	s2 =	sor.u32 @p2 $0x1C00, s1  }
0x30: {  	[tilespmem:s2], [sflag:s0] =	stream.indirect.gather @p2 [hbm4b:s5+s7], $0x30, s4, s7, $0xb8;
	[tilespmem:$0x1E600] =	vst v63  }
0x31: {  	s23 =	sadd.s32 $0x1, s8;
	s2 =	sadd.s32 @p2 $0x3400, s1;
	s4 =	sor.u32 @p2 $0x100, s3  }
0x32: {  	[tilespmem:s2], [sflag:s0] =	stream.indirect.gather @p2 [hbm4b:s5+s7], $0x30, s4, s7, $0xb8;
	[tilespmem:$0x1E600] =	vst v63  }
0x33: {  	[dreg:$0xc] =	wrdreg s9;
	s1 =	sadd.s32 @p2 $0x4C00, s1;
	s2 =	sor.u32 @p2 $0x180, s3  }
0x34: {  	[tilespmem:s1], [sflag:s0] =	stream.indirect.gather @p2 [hbm4b:s5+s7], $0x30, s2, s7, $0xb8;
	[tilespmem:$0x1E600] =	vst v63  }
0x35: {  	_ =	swait.ge [sflag:s23], $0x1800  }
0x36: {  	[sflag:s23] =	ssyncset.done $0x0  }
0x37: {  	[sflag:s23] =	ssyncadd.s32 $0xFFFFE800  }
0x38: {  	_ =	swait.ge [sflag:s23], $0x1800  }
0x39: {  	p1 =	sgt.u32 s10, $0xC5;
	[sflag:s23] =	ssyncset.done $0x0  }
0x3a: {  	s4 =	simm.s32 @!p1 $0x400;
	s1 =	simm.s32 $0x1;
	[sflag:s23] =	ssyncadd.s32 $0xFFFFE800  }
0x3b: {  	s2 =	sadd.s32 @!p1 $0x2, s10;
	s1 =	simm.s32 @!p0 $0x0;
	_ =	swait.ge [sflag:s23], $0x1800  }
0x3c: {  	s3 =	sshll.u32 @!p1 s2, $0x7;
	s2 =	sshll.u32 @!p1 s2, $0xE;
	[sflag:s23] =	ssyncset.done $0x0  }
0x3d: {  	s1 =	smul.u32 $0x18000, s1;
	[dreg:$0xd] =	wrdreg s10;
	[sflag:s23] =	ssyncadd.s32 $0xFFFFE800  }
0x3e: {  	s3 =	sand.u32 @!p1 $0x380, s3;
	s2 =	sand.u32 @!p1 $0x7E0000, s2;
	_ =	swait.ge [sflag:s23], $0x1800  }
0x3f: {  	s0 =	sshll.u32 @!p1 s8, $0x9;
	s2 =	sor.u32 @!p1 s2, s3;
	[sflag:s23] =	ssyncset.done $0x0  }
0x40: {  	s1 =	sshrl.u32 s1, $0x2;
	s2 =	sor.u32 @!p1 s6, s2;
	[sflag:s23] =	ssyncadd.s32 $0xFFFFE800  }
0x41: {  	s2 =	sshrl.u32 @!p1 s2, $0x3;
	s11 =	sor.u32 $0x400, s1;
	s3 =	rddreg [dreg:$0x0]  }
0x42: {  	[dreg:$0xb] =	wrdreg s8;
	s2 =	sadd.s32 @!p1 s3, s2;
	s3 =	simm.s32 @!p1 $0x80  }
0x43: {  	[tilespmem:s0], [sflag:$0x5] =	stream.strided.gather @!p1 [hbm4b:s2+s3], $0x200, s4, s3, $0x38;
	[tilespmem:$0x1E600] =	vst v63  }
0x44: {  	v8 =	vld [tilespmem:s11+$0x30];
	_ =	sdelay $0x2  }
0x45: {  	v9 =	vld [tilespmem:s11+$0x0]  }
0x46: {  	s25 =	simm.s32 $0x18431  }
0x47: {  	[tilespmem:s25+$0x0] =	vst v8  }
0x48: {  	v8 =	vld [tilespmem:s11+$0x40];
	_ =	sdelay $0x1  }
0x49: {  	[tilespmem:s25+$0xFFFFFFCF] =	vst v9  }
0x4a: {  	s26 =	simm.s32 $0x31;
	v9 =	vld [tilespmem:s11+$0x10]  }
0x4b: {  	s1 =	sand.u32 $0x1FFF, s26  }
0x4c: {  	[tilespmem:s1+$0x18410] =	vst v8  }
0x4d: {  	s24 =	simm.s32 $0x0;
	v8 =	vld [tilespmem:s11+$0x50]  }
0x4e: {  	s2 =	sand.u32 $0x1FFE, s24  }
0x4f: {  	[tilespmem:s2+$0x18410] =	vst v9  }
0x50: {  	v9 =	vld [tilespmem:s11+$0x20];
	_ =	sdelay $0x1  }
0x51: {  	[tilespmem:s1+$0x18420] =	vst v8  }
0x52: {  	v8 =	vld [tilespmem:s11+$0x1830];
	_ =	sdelay $0x1  }
0x53: {  	[tilespmem:s2+$0x18420] =	vst v9  }
0x54: {  	v9 =	vld [tilespmem:s11+$0x1800]  }
0x55: {  	s3 =	sadd.s32 $0x60, s11  }
0x56: {  	[tilespmem:s1+$0x19C80] =	vst v8;
	v8 =	vld [tilespmem:s3+$0x30]  }
0x57: {  	v10 =	vld [tilespmem:s11+$0x1840];
	_ =	sdelay $0x1  }
0x58: {  	[tilespmem:s2+$0x19C80] =	vst v9;
	v9 =	vld [tilespmem:s3+$0x0]  }
0x59: {  	s28 =	simm.s32 $0x18493;
	v11 =	vld [tilespmem:s11+$0x1810]  }
0x5a: {  	[tilespmem:s28+$0x0] =	vst v8  }
0x5b: {  	v8 =	vld [tilespmem:s3+$0x40];
	[tilespmem:s1+$0x19C90] =	vst v10  }
0x5c: {  	v10 =	vld [tilespmem:s11+$0x1850]  }
0x5d: {  	[tilespmem:s28+$0xFFFFFFCF] =	vst v9  }
0x5e: {  	s29 =	simm.s32 $0x93;
	v9 =	vld [tilespmem:s3+$0x10];
	[tilespmem:s2+$0x19C90] =	vst v11  }
0x5f: {  	s4 =	sand.u32 $0x1FFF, s29;
	v11 =	vld [tilespmem:s11+$0x1820]  }
0x60: {  	[tilespmem:s4+$0x18410] =	vst v8  }
0x61: {  	s30 =	simm.s32 $0x62;
	v8 =	vld [tilespmem:s3+$0x50];
	[tilespmem:s1+$0x19CA0] =	vst v10  }
0x62: {  	s5 =	sand.u32 $0x1FFE, s30;
	v10 =	vld [tilespmem:s11+$0x3030]  }
0x63: {  	[tilespmem:s5+$0x18410] =	vst v9  }
0x64: {  	v9 =	vld [tilespmem:s3+$0x20];
	[tilespmem:s2+$0x19CA0] =	vst v11  }
0x65: {  	v11 =	vld [tilespmem:s11+$0x3000]  }
0x66: {  	[tilespmem:s4+$0x18420] =	vst v8  }
0x67: {  	v8 =	vld [tilespmem:s3+$0x1830];
	[tilespmem:s1+$0x1B500] =	vst v10  }
0x68: {  	v10 =	vld [tilespmem:s11+$0x3040]  }
0x69: {  	[tilespmem:s5+$0x18420] =	vst v9  }
0x6a: {  	v9 =	vld [tilespmem:s3+$0x1800];
	[tilespmem:s2+$0x1B500] =	vst v11  }
0x6b: {  	s6 =	sadd.s32 $0x60, s3;
	v11 =	vld [tilespmem:s11+$0x3010]  }
0x6c: {  	[tilespmem:s4+$0x19C80] =	vst v8;
	v8 =	vld [tilespmem:s6+$0x30]  }
0x6d: {  	[tilespmem:s1+$0x1B510] =	vst v10;
	v10 =	vld [tilespmem:s3+$0x1840]  }
0x6e: {  	v12 =	vld [tilespmem:s11+$0x3050]  }
0x6f: {  	[tilespmem:s5+$0x19C80] =	vst v9;
	v9 =	vld [tilespmem:s6+$0x0]  }
0x70: {  	s9 =	simm.s32 $0x184F5;
	[tilespmem:s2+$0x1B510] =	vst v11;
	v11 =	vld [tilespmem:s3+$0x1810]  }
0x71: {  	[tilespmem:s9+$0x0] =	vst v8;
	v8 =	vld [tilespmem:s11+$0x3020]  }
0x72: {  	v13 =	vld [tilespmem:s6+$0x40];
	[tilespmem:s4+$0x19C90] =	vst v10  }
0x73: {  	v10 =	vld [tilespmem:s3+$0x1850];
	[tilespmem:s1+$0x1B520] =	vst v12  }
0x74: {  	[tilespmem:s9+$0xFFFFFFCF] =	vst v9;
	v9 =	vld [tilespmem:s11+$0x4830]  }
0x75: {  	s31 =	simm.s32 $0xF5;
	[tilespmem:s5+$0x19C90] =	vst v11;
	v12 =	vld [tilespmem:s6+$0x10]  }
0x76: {  	s0 =	smul.u32 $0x6000, s8;
	s8 =	sand.u32 $0x1FFF, s31;
	v11 =	vld [tilespmem:s3+$0x1820];
	[tilespmem:s2+$0x1B520] =	vst v8  }
0x77: {  	[tilespmem:s8+$0x18410] =	vst v13;
	v8 =	vld [tilespmem:s11+$0x4800]  }
0x78: {  	s10 =	simm.s32 $0xC4;
	v13 =	vld [tilespmem:s6+$0x50];
	[tilespmem:s4+$0x19CA0] =	vst v10  }
0x79: {  	s7 =	sand.u32 $0x1FFE, s10;
	v10 =	vld [tilespmem:s3+$0x3030];
	[tilespmem:s1+$0x1CD80] =	vst v9  }
0x7a: {  	[tilespmem:s7+$0x18410] =	vst v12;
	v9 =	vld [tilespmem:s11+$0x4840]  }
0x7b: {  	[tilespmem:s5+$0x19CA0] =	vst v11;
	v12 =	vld [tilespmem:s6+$0x20]  }
0x7c: {  	v11 =	vld [tilespmem:s3+$0x3000];
	[tilespmem:s2+$0x1CD80] =	vst v8  }
0x7d: {  	[tilespmem:s8+$0x18420] =	vst v13;
	v13 =	vld [tilespmem:s11+$0x4810]  }
0x7e: {  	v14 =	vld [tilespmem:s6+$0x1830];
	[tilespmem:s4+$0x1B500] =	vst v10  }
0x7f: {  	v10 =	vld [tilespmem:s3+$0x3040];
	[tilespmem:s1+$0x1CD90] =	vst v9  }
0x80: {  	[tilespmem:s7+$0x18420] =	vst v12;
	v8 =	vld [tilespmem:s11+$0x4850]  }
0x81: {  	[tilespmem:s5+$0x1B500] =	vst v11;
	v12 =	vld [tilespmem:s6+$0x1800]  }
0x82: {  	v11 =	vld [tilespmem:s3+$0x3010];
	[tilespmem:s2+$0x1CD90] =	vst v13  }
0x83: {  	s12 =	simm.s32 $0x4;
	s13 =	sadd.s32 $0x60, s6;
	[tilespmem:s8+$0x19C80] =	vst v14;
	v9 =	vld [tilespmem:s11+$0x4820]  }
.LBB2_3:
0x84: {  	v13 =	vld [tilespmem:s13+$0x30];
	[tilespmem:s4+$0x1B510] =	vst v10  }
0x85: {  	v10 =	vld [tilespmem:s6+$0x1840];
	[tilespmem:s1+$0x1CDA0] =	vst v8;
	s1 =	smov.u32 s4;
	s4 =	smov.u32 s8  }
0x86: {  	s12 =	sadd.s32 $0x2, s12;
	[tilespmem:s7+$0x19C80] =	vst v12;
	v8 =	vld [tilespmem:s3+$0x3050]  }
0x87: {  	p1 =	slt.u32 s12, $0x7E;
	v12 =	vld [tilespmem:s13+$0x0];
	[tilespmem:s5+$0x1B510] =	vst v11  }
0x88: {  	s9 =	sadd.s32 $0x62, s9;
	v11 =	vld [tilespmem:s6+$0x1810];
	[tilespmem:s2+$0x1CDA0] =	vst v9;
	s2 =	smov.u32 s5;
	s5 =	smov.u32 s7  }
0x89: {  	[tilespmem:s9+$0x0] =	vst v13;
	v9 =	vld [tilespmem:s3+$0x3020]  }
0x8a: {  	v13 =	vld [tilespmem:s13+$0x40];
	[tilespmem:s4+$0x19C90] =	vst v10  }
0x8b: {  	v10 =	vld [tilespmem:s6+$0x1850];
	[tilespmem:s1+$0x1B520] =	vst v8  }
0x8c: {  	s10 =	sadd.s32 $0x62, s10;
	[tilespmem:s9+$0xFFFFFFCF] =	vst v12;
	v8 =	vld [tilespmem:s3+$0x4830]  }
0x8d: {  	s8 =	sadd.s32 $0x31, s10;
	s7 =	sand.u32 $0x1FFE, s10;
	v12 =	vld [tilespmem:s13+$0x10];
	[tilespmem:s5+$0x19C90] =	vst v11  }
0x8e: {  	s8 =	sand.u32 $0x1FFF, s8;
	v11 =	vld [tilespmem:s6+$0x1820];
	[tilespmem:s2+$0x1B520] =	vst v9  }
0x8f: {  	[tilespmem:s8+$0x18410] =	vst v13;
	v9 =	vld [tilespmem:s3+$0x4800]  }
0x90: {  	v13 =	vld [tilespmem:s13+$0x50];
	[tilespmem:s4+$0x19CA0] =	vst v10  }
0x91: {  	v10 =	vld [tilespmem:s6+$0x3030];
	[tilespmem:s1+$0x1CD80] =	vst v8  }
0x92: {  	[tilespmem:s7+$0x18410] =	vst v12;
	v8 =	vld [tilespmem:s3+$0x4840]  }
0x93: {  	v12 =	vld [tilespmem:s13+$0x20];
	[tilespmem:s5+$0x19CA0] =	vst v11  }
0x94: {  	v11 =	vld [tilespmem:s6+$0x3000];
	[tilespmem:s2+$0x1CD80] =	vst v9  }
0x95: {  	[tilespmem:s8+$0x18420] =	vst v13;
	v9 =	vld [tilespmem:s3+$0x4810]  }
0x96: {  	v13 =	vld [tilespmem:s13+$0x1830];
	[tilespmem:s4+$0x1B500] =	vst v10  }
.Ltmp0:
0x97: {  	v10 =	vld [tilespmem:s6+$0x3040];
	[tilespmem:s1+$0x1CD90] =	vst v8;
	(pc) =	sbr.rel @p1 .LBB2_3-.Ltmp0, $4  }
0x98: {  	[tilespmem:s7+$0x18420] =	vst v12;
	v8 =	vld [tilespmem:s3+$0x4850]  }
0x99: {  	v12 =	vld [tilespmem:s13+$0x1800];
	[tilespmem:s5+$0x1B500] =	vst v11  }
0x9a: {  	v11 =	vld [tilespmem:s6+$0x3010];
	[tilespmem:s2+$0x1CD90] =	vst v9  }
0x9b: {  	[tilespmem:s8+$0x19C80] =	vst v13;
	v9 =	vld [tilespmem:s3+$0x4820];
	s3 =	smov.u32 s6;
	s6 =	smov.u32 s13;
	s13 =	sadd.s32 $0x60, s13  }
0x9c: {  	_ =	sdelay $0x1  }
0x9d: {  	v13 =	vld [tilespmem:s6+$0x1840];
	[tilespmem:s7+$0x19C80] =	vst v12  }
0x9e: {  	v12 =	vld [tilespmem:s6+$0x1810];
	_ =	sdelay $0x3  }
0x9f: {  	[tilespmem:s8+$0x19C90] =	vst v13  }
0xa0: {  	v13 =	vld [tilespmem:s6+$0x1850];
	[tilespmem:s7+$0x19C90] =	vst v12  }
0xa1: {  	v12 =	vld [tilespmem:s6+$0x1820];
	_ =	sdelay $0x3  }
0xa2: {  	[tilespmem:s8+$0x19CA0] =	vst v13  }
0xa3: {  	v13 =	vld [tilespmem:s6+$0x3030];
	[tilespmem:s7+$0x19CA0] =	vst v12  }
0xa4: {  	v12 =	vld [tilespmem:s6+$0x3000];
	_ =	sdelay $0x3  }
0xa5: {  	[tilespmem:s8+$0x1B500] =	vst v13  }
0xa6: {  	v13 =	vld [tilespmem:s6+$0x3040];
	[tilespmem:s7+$0x1B500] =	vst v12  }
0xa7: {  	v12 =	vld [tilespmem:s6+$0x3010];
	_ =	sdelay $0x1  }
0xa8: {  	[tilespmem:s4+$0x1B510] =	vst v10  }
0xa9: {  	v10 =	vld [tilespmem:s3+$0x3050];
	[tilespmem:s5+$0x1B510] =	vst v11  }
0xaa: {  	v11 =	vld [tilespmem:s3+$0x3020];
	[tilespmem:s8+$0x1B510] =	vst v13  }
0xab: {  	v13 =	vld [tilespmem:s6+$0x3050];
	[tilespmem:s7+$0x1B510] =	vst v12  }
0xac: {  	v12 =	vld [tilespmem:s6+$0x3020];
	_ =	sdelay $0x1  }
0xad: {  	[tilespmem:s4+$0x1B520] =	vst v10  }
0xae: {  	v10 =	vld [tilespmem:s3+$0x4830];
	[tilespmem:s5+$0x1B520] =	vst v11  }
0xaf: {  	v11 =	vld [tilespmem:s3+$0x4800];
	[tilespmem:s8+$0x1B520] =	vst v13  }
0xb0: {  	v13 =	vld [tilespmem:s6+$0x4830];
	[tilespmem:s7+$0x1B520] =	vst v12  }
0xb1: {  	v12 =	vld [tilespmem:s6+$0x4800];
	_ =	sdelay $0x1  }
0xb2: {  	[tilespmem:s4+$0x1CD80] =	vst v10  }
0xb3: {  	v10 =	vld [tilespmem:s3+$0x4840];
	[tilespmem:s5+$0x1CD80] =	vst v11  }
0xb4: {  	v11 =	vld [tilespmem:s3+$0x4810];
	[tilespmem:s8+$0x1CD80] =	vst v13  }
0xb5: {  	v13 =	vld [tilespmem:s6+$0x4840];
	[tilespmem:s7+$0x1CD80] =	vst v12  }
0xb6: {  	v12 =	vld [tilespmem:s6+$0x4810];
	_ =	sdelay $0x1  }
0xb7: {  	[tilespmem:s4+$0x1CD90] =	vst v10  }
0xb8: {  	v10 =	vld [tilespmem:s3+$0x4850];
	[tilespmem:s5+$0x1CD90] =	vst v11  }
0xb9: {  	v11 =	vld [tilespmem:s3+$0x4820];
	[tilespmem:s8+$0x1CD90] =	vst v13  }
0xba: {  	[tilespmem:s7+$0x1CD90] =	vst v12;
	v12 =	vld [tilespmem:s6+$0x4850]  }
0xbb: {  	[tilespmem:s1+$0x1CDA0] =	vst v8;
	v8 =	vld [tilespmem:s6+$0x4820]  }
0xbc: {  	s14 =	simm.s32 $0x0;
	[tilespmem:s2+$0x1CDA0] =	vst v9  }
0xbd: {  	v36 =	vadd.s32 s14, v0;
	[tilespmem:s4+$0x1CDA0] =	vst v10  }
0xbe: {  	[tilespmem:s5+$0x1CDA0] =	vst v11  }
0xbf: {  	[tilespmem:s8+$0x1CDA0] =	vst v12  }
0xc0: {  	s12 =	sadd.s32 $0x10C00, s0;
	[tilespmem:s7+$0x1CDA0] =	vst v8  }
0xc1: {  	[dreg:$0x4] =	wrdreg s12  }
0xc2: {  	v8 =	vld.idx.msk [tilespmem:v36+s19+$0x0], $0xffff  }
0xc3: {  	v40 =	vadd.s32 s14, v1  }
0xc4: {  	s4 =	sadd.s32 $0xC400, s0;
	s6 =	sand.u32 $0x1C00, s14  }
0xc5: {  	s1 =	sand.u32 $0x380, s14;
	s15 =	sadd.s32 s6, s4  }
0xc6: {  	s2 =	sadd.s32 s1, s15  }
0xc7: {  	[tilespmem:s2+$0x0] =	vst v8  }
0xc8: {  	v8 =	vld.idx.msk [tilespmem:v40+s19+$0x0], $0xffff  }
0xc9: {  	v41 =	vadd.s32 s14, v2;
	_ =	sdelay $0x3  }
0xca: {  	[tilespmem:s2+$0x10] =	vst v8  }
0xcb: {  	v8 =	vld.idx.msk [tilespmem:v41+s19+$0x0], $0xffff  }
0xcc: {  	v42 =	vadd.s32 s14, v3;
	_ =	sdelay $0x3  }
0xcd: {  	[tilespmem:s2+$0x20] =	vst v8  }
0xce: {  	v8 =	vld.idx.msk [tilespmem:v42+s19+$0x0], $0xffff  }
0xcf: {  	v43 =	vadd.s32 s14, v4;
	_ =	sdelay $0x1  }
0xd0: {  	s17 =	simm.s32 $0x1  }
0xd1: {  	v47 =	vadd.s32 s17, v0  }
0xd2: {  	[tilespmem:s2+$0x30] =	vst v8  }
0xd3: {  	v8 =	vld.idx.msk [tilespmem:v43+s19+$0x0], $0xffff  }
0xd4: {  	v44 =	vadd.s32 s14, v5;
	_ =	sdelay $0x1  }
0xd5: {  	v9 =	vld.idx.msk [tilespmem:v47+s19+$0x0], $0xffff  }
0xd6: {  	s18 =	simm.s32 $0x80;
	v48 =	vadd.s32 s17, v1  }
0xd7: {  	s12 =	sand.u32 $0x1C00, s18;
	[tilespmem:s2+$0x40] =	vst v8  }
0xd8: {  	s3 =	sand.u32 $0x380, s18;
	s23 =	sadd.s32 s12, s4;
	v8 =	vld.idx.msk [tilespmem:v44+s19+$0x0], $0xffff  }
0xd9: {  	v51 =	vadd.s32 s14, v6;
	s24 =	sadd.s32 s3, s23  }
0xda: {  	[tilespmem:s24+$0x0] =	vst v9  }
0xdb: {  	v9 =	vld.idx.msk [tilespmem:v48+s19+$0x0], $0xffff  }
0xdc: {  	v50 =	vadd.s32 s17, v2  }
0xdd: {  	[tilespmem:s2+$0x50] =	vst v8  }
0xde: {  	v8 =	vld.idx.msk [tilespmem:v51+s19+$0x0], $0xffff  }
0xdf: {  	v49 =	vadd.s32 s14, v7  }
0xe0: {  	[tilespmem:s24+$0x10] =	vst v9  }
0xe1: {  	v9 =	vld.idx.msk [tilespmem:v50+s19+$0x0], $0xffff  }
0xe2: {  	v28 =	vadd.s32 s17, v3  }
0xe3: {  	[tilespmem:s2+$0x60] =	vst v8  }
0xe4: {  	v8 =	vld.idx.msk [tilespmem:v49+s19+$0x0], $0xffff;
	_ =	sdelay $0x1  }
0xe5: {  	[tilespmem:s24+$0x20] =	vst v9  }
0xe6: {  	v9 =	vld.idx.msk [tilespmem:v28+s19+$0x0], $0xffff  }
0xe7: {  	v27 =	vadd.s32 s17, v4  }
0xe8: {  	s25 =	simm.s32 $0x2;
	[tilespmem:s2+$0x70] =	vst v8  }
0xe9: {  	v15 =	vadd.s32 s25, v0;
	v8 =	vld.idx.msk [tilespmem:v36+s20+$0x0], $0xffff;
	_ =	sdelay $0x1  }
0xea: {  	s16 =	sadd.s32 $0xDC00, s0;
	[tilespmem:s24+$0x30] =	vst v9  }
0xeb: {  	s26 =	sadd.s32 s6, s16;
	v9 =	vld.idx.msk [tilespmem:v27+s19+$0x0], $0xffff  }
0xec: {  	v26 =	vadd.s32 s17, v5;
	s10 =	sadd.s32 s1, s26  }
0xed: {  	v10 =	vld.idx.msk [tilespmem:v15+s19+$0x0], $0xffff;
	[tilespmem:s10+$0x0] =	vst v8  }
0xee: {  	s28 =	simm.s32 $0x100;
	v14 =	vadd.s32 s25, v1;
	v8 =	vld.idx.msk [tilespmem:v40+s20+$0x0], $0xffff  }
0xef: {  	s13 =	sadd.s32 $0xF400, s0;
	s0 =	sand.u32 $0x1C00, s28  }
0xf0: {  	s9 =	sadd.s32 s0, s4;
	[tilespmem:s24+$0x40] =	vst v9;
	s2 =	sand.u32 $0x380, s28  }
0xf1: {  	v9 =	vld.idx.msk [tilespmem:v26+s19+$0x0], $0xffff;
	s11 =	sadd.s32 s2, s9  }
0xf2: {  	v25 =	vadd.s32 s17, v6;
	[tilespmem:s11+$0x0] =	vst v10  }
0xf3: {  	v10 =	vld.idx.msk [tilespmem:v14+s19+$0x0], $0xffff;
	[tilespmem:s10+$0x10] =	vst v8  }
0xf4: {  	v13 =	vadd.s32 s25, v2;
	v8 =	vld.idx.msk [tilespmem:v41+s20+$0x0], $0xffff;
	_ =	sdelay $0x1  }
0xf5: {  	[tilespmem:s24+$0x50] =	vst v9  }
0xf6: {  	v9 =	vld.idx.msk [tilespmem:v25+s19+$0x0], $0xffff  }
0xf7: {  	v23 =	vadd.s32 s17, v7;
	[tilespmem:s11+$0x10] =	vst v10  }
0xf8: {  	v10 =	vld.idx.msk [tilespmem:v13+s19+$0x0], $0xffff;
	[tilespmem:s10+$0x20] =	vst v8  }
0xf9: {  	v12 =	vadd.s32 s25, v3;
	v8 =	vld.idx.msk [tilespmem:v42+s20+$0x0], $0xffff;
	_ =	sdelay $0x1  }
0xfa: {  	[tilespmem:s24+$0x60] =	vst v9  }
0xfb: {  	v9 =	vld.idx.msk [tilespmem:v23+s19+$0x0], $0xffff  }
0xfc: {  	[tilespmem:s11+$0x20] =	vst v10  }
0xfd: {  	v11 =	vld.idx.msk [tilespmem:v12+s19+$0x0], $0xffff;
	[tilespmem:s10+$0x30] =	vst v8  }
0xfe: {  	v10 =	vadd.s32 s25, v4;
	v8 =	vld.idx.msk [tilespmem:v43+s20+$0x0], $0xffff;
	_ =	sdelay $0x1  }
0xff: {  	[tilespmem:s24+$0x70] =	vst v9  }
0x100: {  	v16 =	vld.idx.msk [tilespmem:v47+s20+$0x0], $0xffff  }
0x101: {  	s29 =	simm.s32 $0x3;
	[tilespmem:s11+$0x30] =	vst v11  }
0x102: {  	v24 =	vadd.s32 s29, v0;
	v11 =	vld.idx.msk [tilespmem:v10+s19+$0x0], $0xffff;
	[tilespmem:s10+$0x40] =	vst v8  }
0x103: {  	s30 =	sadd.s32 s12, s16;
	v9 =	vadd.s32 s25, v5;
	v8 =	vld.idx.msk [tilespmem:v44+s20+$0x0], $0xffff  }
0x104: {  	s31 =	sadd.s32 s3, s30  }
0x105: {  	[tilespmem:s31+$0x0] =	vst v16  }
0x106: {  	v16 =	vld.idx.msk [tilespmem:v48+s20+$0x0], $0xffff  }
0x107: {  	v17 =	vld.idx.msk [tilespmem:v24+s19+$0x0], $0xffff;
	[tilespmem:s11+$0x40] =	vst v11  }
0x108: {  	v20 =	vadd.s32 s29, v1;
	s18 =	simm.s32 $0x180;
	v18 =	vld.idx.msk [tilespmem:v9+s19+$0x0], $0xffff;
	[tilespmem:s10+$0x50] =	vst v8  }
0x109: {  	s14 =	sand.u32 $0x1C00, s18;
	v11 =	vadd.s32 s25, v6;
	v8 =	vld.idx.msk [tilespmem:v51+s20+$0x0], $0xffff  }
0x10a: {  	s15 =	sand.u32 $0x380, s18;
	s23 =	sadd.s32 s14, s4  }
0x10b: {  	s8 =	sadd.s32 s15, s23;
	[tilespmem:s31+$0x10] =	vst v16  }
0x10c: {  	[tilespmem:s8+$0x0] =	vst v17;
	v16 =	vld.idx.msk [tilespmem:v50+s20+$0x0], $0xffff  }
0x10d: {  	v17 =	vld.idx.msk [tilespmem:v20+s19+$0x0], $0xffff;
	[tilespmem:s11+$0x50] =	vst v18  }
0x10e: {  	v19 =	vadd.s32 s29, v2;
	v21 =	vld.idx.msk [tilespmem:v11+s19+$0x0], $0xffff;
	[tilespmem:s10+$0x60] =	vst v8  }
0x10f: {  	v8 =	vadd.s32 s25, v7;
	v18 =	vld.idx.msk [tilespmem:v49+s20+$0x0], $0xffff;
	_ =	sdelay $0x1  }
0x110: {  	[tilespmem:s31+$0x20] =	vst v16  }
0x111: {  	[tilespmem:s8+$0x10] =	vst v17;
	v16 =	vld.idx.msk [tilespmem:v28+s20+$0x0], $0xffff  }
0x112: {  	v22 =	vld.idx.msk [tilespmem:v19+s19+$0x0], $0xffff;
	[tilespmem:s11+$0x60] =	vst v21  }
0x113: {  	v17 =	vadd.s32 s29, v3;
	v21 =	vld.idx.msk [tilespmem:v8+s19+$0x0], $0xffff;
	[tilespmem:s10+$0x70] =	vst v18  }
0x114: {  	v18 =	vld.idx.msk [tilespmem:v36+s21+$0x0], $0xffff;
	_ =	sdelay $0x1  }
0x115: {  	[tilespmem:s31+$0x30] =	vst v16  }
0x116: {  	[tilespmem:s8+$0x20] =	vst v22;
	s24 =	sadd.s32 s6, s13;
	v22 =	vld.idx.msk [tilespmem:v27+s20+$0x0], $0xffff  }
0x117: {  	v29 =	vld.idx.msk [tilespmem:v17+s19+$0x0], $0xffff;
	s24 =	sadd.s32 s1, s24;
	[tilespmem:s11+$0x70] =	vst v21  }
0x118: {  	v16 =	vadd.s32 s29, v4;
	v21 =	vld.idx.msk [tilespmem:v15+s20+$0x0], $0xffff;
	[tilespmem:s24+$0x0] =	vst v18  }
0x119: {  	v18 =	vld.idx.msk [tilespmem:v40+s21+$0x0], $0xffff  }
0x11a: {  	s23 =	simm.s32 $0x4  }
0x11b: {  	v34 =	vadd.s32 s23, v0;
	[tilespmem:s31+$0x40] =	vst v22;
	s25 =	sadd.s32 s0, s16  }
0x11c: {  	[tilespmem:s8+$0x30] =	vst v29;
	v22 =	vld.idx.msk [tilespmem:v26+s20+$0x0], $0xffff;
	s7 =	sadd.s32 s2, s25  }
0x11d: {  	v30 =	vld.idx.msk [tilespmem:v16+s19+$0x0], $0xffff;
	[tilespmem:s7+$0x0] =	vst v21  }
0x11e: {  	v31 =	vld.idx.msk [tilespmem:v14+s20+$0x0], $0xffff;
	[tilespmem:s24+$0x10] =	vst v18;
	v18 =	vadd.s32 s29, v5  }
0x11f: {  	v21 =	vld.idx.msk [tilespmem:v41+s21+$0x0], $0xffff  }
0x120: {  	v32 =	vld.idx.msk [tilespmem:v34+s19+$0x0], $0xffff  }
0x121: {  	s26 =	simm.s32 $0x200;
	v29 =	vadd.s32 s23, v1;
	[tilespmem:s31+$0x50] =	vst v22  }
0x122: {  	s17 =	sand.u32 $0x1C00, s26;
	[tilespmem:s8+$0x40] =	vst v30;
	v22 =	vld.idx.msk [tilespmem:v25+s20+$0x0], $0xffff  }
0x123: {  	s18 =	sand.u32 $0x380, s26;
	s28 =	sadd.s32 s17, s4;
	[tilespmem:s7+$0x10] =	vst v31;
	v30 =	vld.idx.msk [tilespmem:v18+s19+$0x0], $0xffff  }
0x124: {  	s10 =	sadd.s32 s18, s28;
	[tilespmem:s24+$0x20] =	vst v21;
	v21 =	vadd.s32 s29, v6  }
0x125: {  	[tilespmem:s10+$0x0] =	vst v32;
	v54 =	vld.idx.msk [tilespmem:v13+s20+$0x0], $0xffff  }
0x126: {  	v35 =	vld.idx.msk [tilespmem:v29+s19+$0x0], $0xffff  }
0x127: {  	[tilespmem:s31+$0x60] =	vst v22;
	v31 =	vadd.s32 s23, v2;
	v33 =	vld.idx.msk [tilespmem:v42+s21+$0x0], $0xffff  }
0x128: {  	[tilespmem:s8+$0x50] =	vst v30;
	v30 =	vld.idx.msk [tilespmem:v23+s20+$0x0], $0xffff  }
0x129: {  	v37 =	vld.idx.msk [tilespmem:v21+s19+$0x0], $0xffff  }
0x12a: {  	v22 =	vadd.s32 s29, v7;
	[tilespmem:s7+$0x20] =	vst v54  }
0x12b: {  	[tilespmem:s10+$0x10] =	vst v35;
	v56 =	vld.idx.msk [tilespmem:v12+s20+$0x0], $0xffff  }
0x12c: {  	v35 =	vld.idx.msk [tilespmem:v31+s19+$0x0], $0xffff;
	[tilespmem:s24+$0x30] =	vst v33  }
0x12d: {  	v55 =	vld.idx.msk [tilespmem:v43+s21+$0x0], $0xffff;
	[tilespmem:s31+$0x70] =	vst v30;
	v30 =	vadd.s32 s23, v3  }
0x12e: {  	[tilespmem:s8+$0x60] =	vst v37;
	v57 =	vld.idx.msk [tilespmem:v47+s21+$0x0], $0xffff  }
0x12f: {  	v38 =	vld.idx.msk [tilespmem:v22+s19+$0x0], $0xffff  }
0x130: {  	[tilespmem:s7+$0x30] =	vst v56  }
0x131: {  	s29 =	sadd.s32 s12, s13;
	[tilespmem:s10+$0x20] =	vst v35;
	v59 =	vld.idx.msk [tilespmem:v10+s20+$0x0], $0xffff  }
0x132: {  	s28 =	sadd.s32 s3, s29;
	[tilespmem:s24+$0x40] =	vst v55;
	v45 =	vld.idx.msk [tilespmem:v30+s19+$0x0], $0xffff  }
0x133: {  	v32 =	vadd.s32 s23, v4;
	v58 =	vld.idx.msk [tilespmem:v44+s21+$0x0], $0xffff;
	[tilespmem:s28+$0x0] =	vst v57  }
0x134: {  	[tilespmem:s8+$0x70] =	vst v38;
	v37 =	vld.idx.msk [tilespmem:v48+s21+$0x0], $0xffff  }
0x135: {  	v38 =	vld.idx.msk [tilespmem:v24+s20+$0x0], $0xffff  }
0x136: {  	s5 =	simm.s32 $0x5;
	[tilespmem:s7+$0x40] =	vst v59  }
0x137: {  	v39 =	vadd.s32 s5, v0;
	v61 =	vld.idx.msk [tilespmem:v9+s20+$0x0], $0xffff;
	[tilespmem:s10+$0x30] =	vst v45  }
0x138: {  	s30 =	sadd.s32 s14, s16;
	[tilespmem:s24+$0x50] =	vst v58;
	v46 =	vld.idx.msk [tilespmem:v32+s19+$0x0], $0xffff  }
0x139: {  	s11 =	sadd.s32 s15, s30;
	v33 =	vadd.s32 s23, v5;
	v60 =	vld.idx.msk [tilespmem:v51+s21+$0x0], $0xffff;
	[tilespmem:s28+$0x10] =	vst v37  }
0x13a: {  	[tilespmem:s11+$0x0] =	vst v38;
	v62 =	vld.idx.msk [tilespmem:v50+s21+$0x0], $0xffff  }
0x13b: {  	v52 =	vld.idx.msk [tilespmem:v20+s20+$0x0], $0xffff  }
0x13c: {  	v53 =	vld.idx.msk [tilespmem:v39+s19+$0x0], $0xffff;
	[tilespmem:s7+$0x50] =	vst v61  }
0x13d: {  	s31 =	simm.s32 $0x280;
	v37 =	vadd.s32 s5, v1;
	v57 =	vld.idx.msk [tilespmem:v11+s20+$0x0], $0xffff;
	[tilespmem:s10+$0x40] =	vst v46  }
0x13e: {  	s8 =	sand.u32 $0x1C00, s31;
	[tilespmem:s24+$0x60] =	vst v60;
	v54 =	vld.idx.msk [tilespmem:v33+s19+$0x0], $0xffff  }
0x13f: {  	v35 =	vadd.s32 s23, v6;
	s9 =	sand.u32 $0x380, s31;
	s25 =	sadd.s32 s8, s4;
	v63 =	vld.idx.msk [tilespmem:v49+s21+$0x0], $0xffff;
	[tilespmem:s28+$0x20] =	vst v62  }
0x140: {  	s29 =	sadd.s32 s9, s25;
	[tilespmem:s11+$0x10] =	vst v52;
	v58 =	vld.idx.msk [tilespmem:v28+s21+$0x0], $0xffff  }
0x141: {  	[tilespmem:s29+$0x0] =	vst v53;
	v59 =	vld.idx.msk [tilespmem:v19+s20+$0x0], $0xffff  }
0x142: {  	v55 =	vld.idx.msk [tilespmem:v37+s19+$0x0], $0xffff;
	[tilespmem:s7+$0x60] =	vst v57  }
0x143: {  	v38 =	vadd.s32 s5, v2;
	v46 =	vld.idx.msk [tilespmem:v8+s20+$0x0], $0xffff;
	[tilespmem:s10+$0x50] =	vst v54  }
0x144: {  	[tilespmem:s24+$0x70] =	vst v63;
	v54 =	vld.idx.msk [tilespmem:v35+s19+$0x0], $0xffff  }
0x145: {  	v45 =	vld.idx.msk [tilespmem:v36+s22+$0x0], $0xffff;
	v36 =	vadd.s32 s23, v7;
	[tilespmem:s28+$0x30] =	vst v58  }
0x146: {  	[tilespmem:s11+$0x20] =	vst v59;
	v52 =	vld.idx.msk [tilespmem:v27+s21+$0x0], $0xffff  }
0x147: {  	s30 =	rddreg [dreg:$0x4];
	[tilespmem:s29+$0x10] =	vst v55;
	v53 =	vld.idx.msk [tilespmem:v17+s20+$0x0], $0xffff  }
0x148: {  	[tilespmem:s7+$0x70] =	vst v46;
	s6 =	sadd.s32 s6, s30;
	v55 =	vld.idx.msk [tilespmem:v38+s19+$0x0], $0xffff  }
0x149: {  	v46 =	vld.idx.msk [tilespmem:v15+s21+$0x0], $0xffff;
	s25 =	sadd.s32 s1, s6;
	[tilespmem:s10+$0x60] =	vst v54  }
0x14a: {  	[tilespmem:s25+$0x0] =	vst v45;
	v54 =	vld.idx.msk [tilespmem:v36+s19+$0x0], $0xffff  }
0x14b: {  	v45 =	vld.idx.msk [tilespmem:v40+s22+$0x0], $0xffff;
	v40 =	vadd.s32 s5, v3  }
0x14c: {  	s23 =	sadd.s32 s0, s13;
	[tilespmem:s28+$0x40] =	vst v52  }
0x14d: {  	s26 =	sadd.s32 s2, s23;
	[tilespmem:s11+$0x30] =	vst v53;
	v52 =	vld.idx.msk [tilespmem:v26+s21+$0x0], $0xffff  }
0x14e: {  	v53 =	vld.idx.msk [tilespmem:v16+s20+$0x0], $0xffff;
	[tilespmem:s26+$0x0] =	vst v46  }
0x14f: {  	[tilespmem:s29+$0x20] =	vst v55;
	v60 =	vld.idx.msk [tilespmem:v14+s21+$0x0], $0xffff  }
0x150: {  	[tilespmem:s10+$0x70] =	vst v54;
	v55 =	vld.idx.msk [tilespmem:v40+s19+$0x0], $0xffff  }
0x151: {  	[tilespmem:s25+$0x10] =	vst v45;
	v56 =	vld.idx.msk [tilespmem:v34+s20+$0x0], $0xffff  }
0x152: {  	v45 =	vld.idx.msk [tilespmem:v41+s22+$0x0], $0xffff;
	v41 =	vadd.s32 s5, v4  }
0x153: {  	[tilespmem:s28+$0x50] =	vst v52  }
0x154: {  	s7 =	simm.s32 $0x6;
	[tilespmem:s11+$0x40] =	vst v53;
	v52 =	vld.idx.msk [tilespmem:v25+s21+$0x0], $0xffff  }
0x155: {  	s24 =	sadd.s32 s17, s16;
	v46 =	vadd.s32 s7, v0;
	v53 =	vld.idx.msk [tilespmem:v18+s20+$0x0], $0xffff;
	[tilespmem:s26+$0x10] =	vst v60  }
0x156: {  	s1 =	sadd.s32 s18, s24;
	v62 =	vld.idx.msk [tilespmem:v13+s21+$0x0], $0xffff;
	[tilespmem:s29+$0x30] =	vst v55  }
0x157: {  	[tilespmem:s1+$0x0] =	vst v56;
	v55 =	vld.idx.msk [tilespmem:v41+s19+$0x0], $0xffff  }
0x158: {  	[tilespmem:s25+$0x20] =	vst v45;
	v57 =	vld.idx.msk [tilespmem:v29+s20+$0x0], $0xffff  }
0x159: {  	v61 =	vld.idx.msk [tilespmem:v42+s22+$0x0], $0xffff;
	v42 =	vadd.s32 s5, v5  }
0x15a: {  	v58 =	vld.idx.msk [tilespmem:v46+s19+$0x0], $0xffff;
	[tilespmem:s28+$0x60] =	vst v52  }
0x15b: {  	[tilespmem:s11+$0x50] =	vst v53;
	v52 =	vld.idx.msk [tilespmem:v23+s21+$0x0], $0xffff  }
0x15c: {  	s23 =	simm.s32 $0x300;
	v45 =	vadd.s32 s7, v1;
	v53 =	vld.idx.msk [tilespmem:v21+s20+$0x0], $0xffff;
	[tilespmem:s26+$0x20] =	vst v62  }
0x15d: {  	s6 =	sand.u32 $0x1C00, s23;
	v56 =	vld.idx.msk [tilespmem:v12+s21+$0x0], $0xffff;
	[tilespmem:s29+$0x40] =	vst v55  }
0x15e: {  	s24 =	sand.u32 $0x380, s23;
	s31 =	sadd.s32 s6, s4;
	[tilespmem:s1+$0x10] =	vst v57;
	v55 =	vld.idx.msk [tilespmem:v42+s19+$0x0], $0xffff  }
0x15f: {  	s10 =	sadd.s32 s24, s31;
	[tilespmem:s25+$0x30] =	vst v61;
	v57 =	vld.idx.msk [tilespmem:v31+s20+$0x0], $0xffff  }
0x160: {  	[tilespmem:s10+$0x0] =	vst v58;
	v54 =	vld.idx.msk [tilespmem:v43+s22+$0x0], $0xffff;
	v43 =	vadd.s32 s5, v6  }
0x161: {  	v63 =	vld.idx.msk [tilespmem:v45+s19+$0x0], $0xffff;
	[tilespmem:s28+$0x70] =	vst v52  }
0x162: {  	[tilespmem:s11+$0x60] =	vst v53;
	v53 =	vld.idx.msk [tilespmem:v47+s22+$0x0], $0xffff  }
0x163: {  	v47 =	vadd.s32 s7, v2;
	v60 =	vld.idx.msk [tilespmem:v22+s20+$0x0], $0xffff;
	[tilespmem:s26+$0x30] =	vst v56  }
0x164: {  	v56 =	vld.idx.msk [tilespmem:v10+s21+$0x0], $0xffff;
	[tilespmem:s29+$0x50] =	vst v55  }
0x165: {  	[tilespmem:s1+$0x20] =	vst v57;
	v61 =	vld.idx.msk [tilespmem:v43+s19+$0x0], $0xffff  }
0x166: {  	s30 =	sadd.s32 s12, s30;
	[tilespmem:s25+$0x40] =	vst v54;
	v62 =	vld.idx.msk [tilespmem:v30+s20+$0x0], $0xffff  }
0x167: {  	s3 =	sadd.s32 s3, s30;
	[tilespmem:s10+$0x10] =	vst v63;
	v54 =	vld.idx.msk [tilespmem:v44+s22+$0x0], $0xffff;
	v44 =	vadd.s32 s5, v7  }
0x168: {  	v63 =	vld.idx.msk [tilespmem:v47+s19+$0x0], $0xffff;
	[tilespmem:s3+$0x0] =	vst v53  }
0x169: {  	[tilespmem:s11+$0x70] =	vst v60;
	v53 =	vld.idx.msk [tilespmem:v48+s22+$0x0], $0xffff  }
0x16a: {  	v48 =	vadd.s32 s7, v3;
	v55 =	vld.idx.msk [tilespmem:v24+s21+$0x0], $0xffff;
	[tilespmem:s26+$0x40] =	vst v56  }
0x16b: {  	v52 =	vld.idx.msk [tilespmem:v9+s21+$0x0], $0xffff;
	[tilespmem:s29+$0x60] =	vst v61  }
0x16c: {  	v58 =	vld.idx.msk [tilespmem:v44+s19+$0x0], $0xffff;
	[tilespmem:s25+$0x50] =	vst v54  }
0x16d: {  	[tilespmem:s1+$0x30] =	vst v62;
	v51 =	vld.idx.msk [tilespmem:v51+s22+$0x0], $0xffff  }
0x16e: {  	s31 =	sadd.s32 s14, s13;
	[tilespmem:s10+$0x20] =	vst v63;
	v54 =	vld.idx.msk [tilespmem:v32+s20+$0x0], $0xffff  }
0x16f: {  	s12 =	sadd.s32 s15, s31;
	v56 =	vld.idx.msk [tilespmem:v48+s19+$0x0], $0xffff;
	[tilespmem:s3+$0x10] =	vst v53  }
0x170: {  	[tilespmem:s12+$0x0] =	vst v55;
	v61 =	vld.idx.msk [tilespmem:v50+s22+$0x0], $0xffff  }
0x171: {  	v62 =	vld.idx.msk [tilespmem:v20+s21+$0x0], $0xffff;
	[tilespmem:s29+$0x70] =	vst v58  }
0x172: {  	v53 =	vld.idx.msk [tilespmem:v39+s20+$0x0], $0xffff;
	[tilespmem:s25+$0x60] =	vst v51  }
0x173: {  	[tilespmem:s26+$0x50] =	vst v52;
	v63 =	vld.idx.msk [tilespmem:v49+s22+$0x0], $0xffff;
	v49 =	vadd.s32 s7, v4  }
0x174: {  	s11 =	simm.s32 $0x7;
	[tilespmem:s1+$0x40] =	vst v54;
	v51 =	vld.idx.msk [tilespmem:v11+s21+$0x0], $0xffff  }
0x175: {  	s5 =	simm.s32 $0x8;
	v50 =	vadd.s32 s11, v0;
	[tilespmem:s10+$0x30] =	vst v56;
	v52 =	vld.idx.msk [tilespmem:v33+s20+$0x0], $0xffff  }
.LBB2_5:
0x176: {  	_ =	sdelay $0x1  }
0x177: {  	v54 =	vld.idx.msk [tilespmem:v49+s19+$0x0], $0xffff;
	s28 =	sadd.s32 s8, s16;
	[tilespmem:s3+$0x20] =	vst v61  }
0x178: {  	s29 =	sadd.s32 s9, s28;
	[tilespmem:s12+$0x10] =	vst v62  }
0x179: {  	v55 =	vld.idx.msk [tilespmem:v28+s22+$0x0], $0xffff;
	[tilespmem:s29+$0x0] =	vst v53  }
0x17a: {  	v53 =	vld.idx.msk [tilespmem:v19+s21+$0x0], $0xffff  }
0x17b: {  	v60 =	vadd.s32 s7, v5;
	v56 =	vld.idx.msk [tilespmem:v37+s20+$0x0], $0xffff;
	[tilespmem:s25+$0x70] =	vst v63  }
0x17c: {  	v57 =	vld.idx.msk [tilespmem:v50+s19+$0x0], $0xffff;
	[tilespmem:s26+$0x60] =	vst v51  }
0x17d: {  	[tilespmem:s1+$0x50] =	vst v52  }
0x17e: {  	v28 =	vmov v12;
	v12 =	vmov v17;
	v51 =	vld.idx.msk [tilespmem:v8+s21+$0x0], $0xffff;
	[tilespmem:s10+$0x40] =	vst v54  }
0x17f: {  	s23 =	sadd.s32 $0x80, s23;
	s25 =	smov.u32 s3;
	v54 =	vld.idx.msk [tilespmem:v35+s20+$0x0], $0xffff  }
0x180: {  	v61 =	vadd.s32 s11, v1;
	s31 =	sand.u32 $0x1C00, s23;
	v58 =	vld.idx.msk [tilespmem:v60+s19+$0x0], $0xffff;
	[tilespmem:s25+$0x30] =	vst v55  }
0x181: {  	s30 =	sand.u32 $0x380, s23;
	s28 =	sadd.s32 s31, s4;
	[tilespmem:s12+$0x20] =	vst v53  }
0x182: {  	s28 =	sadd.s32 s30, s28;
	v53 =	vld.idx.msk [tilespmem:v27+s22+$0x0], $0xffff;
	[tilespmem:s29+$0x10] =	vst v56  }
0x183: {  	v55 =	vld.idx.msk [tilespmem:v12+s21+$0x0], $0xffff;
	[tilespmem:s28+$0x0] =	vst v57  }
0x184: {  	v62 =	vadd.s32 s7, v6;
	v56 =	vld.idx.msk [tilespmem:v38+s20+$0x0], $0xffff  }
0x185: {  	v57 =	vld.idx.msk [tilespmem:v61+s19+$0x0], $0xffff;
	[tilespmem:s26+$0x70] =	vst v51  }
0x186: {  	[tilespmem:s1+$0x60] =	vst v54  }
0x187: {  	v27 =	vmov v10;
	v10 =	vmov v16;
	v51 =	vld.idx.msk [tilespmem:v15+s22+$0x0], $0xffff;
	[tilespmem:s10+$0x50] =	vst v58  }
0x188: {  	v17 =	vmov v30;
	v30 =	vmov v40;
	v15 =	vmov v24;
	v54 =	vld.idx.msk [tilespmem:v36+s20+$0x0], $0xffff  }
0x189: {  	s26 =	smov.u32 s12;
	v24 =	vmovc v34;
	v34 =	vmovc v39;
	v39 =	vmov v46;
	v46 =	vmov v50;
	v50 =	vadd.s32 s11, v2;
	v58 =	vld.idx.msk [tilespmem:v62+s19+$0x0], $0xffff;
	[tilespmem:s25+$0x40] =	vst v53  }
0x18a: {  	[tilespmem:s26+$0x30] =	vst v55  }
0x18b: {  	s12 =	rddreg [dreg:$0x4];
	v53 =	vld.idx.msk [tilespmem:v26+s22+$0x0], $0xffff;
	[tilespmem:s29+$0x20] =	vst v56  }
0x18c: {  	s3 =	sadd.s32 s0, s12;
	v56 =	vld.idx.msk [tilespmem:v10+s21+$0x0], $0xffff;
	[tilespmem:s28+$0x10] =	vst v57  }
0x18d: {  	s3 =	sadd.s32 s2, s3;
	v55 =	vadd.s32 s7, v7;
	v57 =	vld.idx.msk [tilespmem:v30+s20+$0x0], $0xffff  }
0x18e: {  	v59 =	vld.idx.msk [tilespmem:v50+s19+$0x0], $0xffff;
	[tilespmem:s3+$0x0] =	vst v51  }
0x18f: {  	[tilespmem:s1+$0x70] =	vst v54  }
0x190: {  	v26 =	vmov v9;
	v9 =	vmov v18;
	v51 =	vld.idx.msk [tilespmem:v14+s22+$0x0], $0xffff;
	[tilespmem:s10+$0x60] =	vst v58  }
0x191: {  	v16 =	vmov v32;
	v32 =	vmov v41;
	v63 =	vld.idx.msk [tilespmem:v24+s21+$0x0], $0xffff  }
0x192: {  	v40 =	vmov v48;
	v48 =	vadd.s32 s11, v3;
	v54 =	vld.idx.msk [tilespmem:v55+s19+$0x0], $0xffff;
	[tilespmem:s25+$0x50] =	vst v53  }
0x193: {  	s1 =	smov.u32 s29;
	[tilespmem:s26+$0x40] =	vst v56  }
0x194: {  	s0 =	smov.u32 s14;
	s14 =	smov.u32 s17;
	v56 =	vld.idx.msk [tilespmem:v25+s22+$0x0], $0xffff;
	[tilespmem:s1+$0x30] =	vst v57  }
0x195: {  	s17 =	smov.u32 s8;
	s8 =	smov.u32 s6;
	s6 =	smov.u32 s31;
	v14 =	vmov v20;
	v20 =	vmov v29;
	v57 =	vld.idx.msk [tilespmem:v9+s21+$0x0], $0xffff;
	[tilespmem:s28+$0x20] =	vst v59  }
0x196: {  	s2 =	smov.u32 s15;
	s15 =	smov.u32 s18;
	s31 =	sadd.s32 s14, s13;
	v58 =	vld.idx.msk [tilespmem:v32+s20+$0x0], $0xffff  }
0x197: {  	s12 =	sadd.s32 s15, s31;
	v59 =	vld.idx.msk [tilespmem:v48+s19+$0x0], $0xffff;
	[tilespmem:s3+$0x10] =	vst v51  }
0x198: {  	[tilespmem:s12+$0x0] =	vst v63  }
0x199: {  	v29 =	vmovc v37;
	v37 =	vmovc v45;
	v45 =	vmov v61;
	v25 =	vmov v11;
	v11 =	vmov v21;
	v61 =	vld.idx.msk [tilespmem:v13+s22+$0x0], $0xffff;
	[tilespmem:s10+$0x70] =	vst v54  }
0x19a: {  	p1 =	sne.s32 s5, $0x2F;
	v18 =	vmovc v33;
	v33 =	vmovc v42;
	v21 =	vmov v35;
	v35 =	vmov v43;
	v43 =	vmov v62;
	v62 =	vld.idx.msk [tilespmem:v20+s21+$0x0], $0xffff  }
.Ltmp1:
0x19b: {  	v53 =	vld.idx.msk [tilespmem:v39+s20+$0x0], $0xffff;
	[tilespmem:s25+$0x60] =	vst v56;
	(pc) =	sbr.rel @p1 .LBB2_5-.Ltmp1, $4  }
0x19c: {  	s7 =	smov.u32 s11;
	[tilespmem:s26+$0x50] =	vst v57  }
0x19d: {  	v41 =	vmovc v49;
	s11 =	smov.u32 s5;
	v42 =	vmov v60;
	v49 =	vadd.s32 s7, v4;
	v13 =	vmov v19;
	s10 =	smov.u32 s28;
	v63 =	vld.idx.msk [tilespmem:v23+s22+$0x0], $0xffff;
	[tilespmem:s1+$0x40] =	vst v58  }
0x19e: {  	s18 =	smov.u32 s9;
	v19 =	vmovc v31;
	v31 =	vmovc v38;
	v38 =	vmov v47;
	v47 =	vmov v50;
	v50 =	vadd.s32 s11, v0;
	v51 =	vld.idx.msk [tilespmem:v11+s21+$0x0], $0xffff;
	[tilespmem:s10+$0x30] =	vst v59  }
0x19f: {  	s9 =	smov.u32 s24;
	s24 =	smov.u32 s30;
	s5 =	sadd.s32 $0x1, s5;
	v23 =	vmovc v8;
	v8 =	vmovc v22;
	v22 =	vmov v36;
	v36 =	vmov v44;
	v44 =	vmov v55;
	v52 =	vld.idx.msk [tilespmem:v33+s20+$0x0], $0xffff  }
0x1a0: {  	_ =	sdelay $0x3  }
0x1a1: {  	v54 =	vld.idx.msk [tilespmem:v50+s19+$0x0], $0xffff  }
0x1a2: {  	v59 =	vadd.s32 s11, v1;
	s23 =	sadd.s32 $0x80, s23  }
0x1a3: {  	s5 =	sand.u32 $0x1C00, s23  }
0x1a4: {  	s23 =	sand.u32 $0x380, s23;
	s4 =	sadd.s32 s5, s4  }
0x1a5: {  	s4 =	sadd.s32 s23, s4  }
0x1a6: {  	[tilespmem:s4+$0x0] =	vst v54  }
0x1a7: {  	v54 =	vld.idx.msk [tilespmem:v59+s19+$0x0], $0xffff  }
0x1a8: {  	v60 =	vadd.s32 s11, v2;
	_ =	sdelay $0x2  }
0x1a9: {  	[tilespmem:$0x1FFB0] =	vst v59  }
0x1aa: {  	[tilespmem:s4+$0x10] =	vst v54  }
0x1ab: {  	v54 =	vld.idx.msk [tilespmem:v60+s19+$0x0], $0xffff  }
0x1ac: {  	v55 =	vadd.s32 s11, v3;
	_ =	sdelay $0x2  }
0x1ad: {  	[tilespmem:$0x1FFC0] =	vst v55  }
0x1ae: {  	[tilespmem:s4+$0x20] =	vst v54  }
0x1af: {  	v54 =	vld.idx.msk [tilespmem:v55+s19+$0x0], $0xffff;
	_ =	sdelay $0x1  }
0x1b0: {  	v57 =	vadd.s32 s11, v4;
	_ =	sdelay $0x1  }
0x1b1: {  	[tilespmem:$0x1FFD0] =	vst v57  }
0x1b2: {  	v56 =	vadd.s32 s7, v5;
	[tilespmem:s4+$0x30] =	vst v54  }
0x1b3: {  	v55 =	vld.idx.msk [tilespmem:v49+s19+$0x0], $0xffff;
	[tilespmem:$0x1FFE0] =	vst v56  }
0x1b4: {  	v54 =	vld.idx.msk [tilespmem:v57+s19+$0x0], $0xffff;
	_ =	sdelay $0x1  }
0x1b5: {  	v57 =	vadd.s32 s11, v5  }
0x1b6: {  	[tilespmem:$0x1FFF0] =	vst v57  }
0x1b7: {  	[tilespmem:s10+$0x40] =	vst v55  }
0x1b8: {  	v55 =	vld.idx.msk [tilespmem:v56+s19+$0x0], $0xffff;
	v56 =	vadd.s32 s7, v6;
	[tilespmem:s4+$0x40] =	vst v54  }
0x1b9: {  	[tilespmem:$0x1FF80] =	vst v56  }
0x1ba: {  	v54 =	vld.idx.msk [tilespmem:v57+s19+$0x0], $0xffff;
	_ =	sdelay $0x1  }
0x1bb: {  	v58 =	vadd.s32 s11, v6;
	_ =	sdelay $0x1  }
0x1bc: {  	[tilespmem:s10+$0x50] =	vst v55  }
0x1bd: {  	v55 =	vadd.s32 s7, v7;
	[tilespmem:s4+$0x50] =	vst v54  }
0x1be: {  	v57 =	vld.idx.msk [tilespmem:v56+s19+$0x0], $0xffff;
	[tilespmem:$0x1FF90] =	vst v55  }
0x1bf: {  	v56 =	vld.idx.msk [tilespmem:v58+s19+$0x0], $0xffff  }
0x1c0: {  	v54 =	vadd.s32 s11, v7;
	_ =	sdelay $0x1  }
0x1c1: {  	[tilespmem:$0x1FFA0] =	vst v54  }
0x1c2: {  	[tilespmem:s10+$0x60] =	vst v57  }
0x1c3: {  	v57 =	vld.idx.msk [tilespmem:v55+s19+$0x0], $0xffff;
	[tilespmem:s4+$0x60] =	vst v56  }
0x1c4: {  	v56 =	vld.idx.msk [tilespmem:v54+s19+$0x0], $0xffff;
	_ =	sdelay $0x3  }
0x1c5: {  	[tilespmem:s10+$0x70] =	vst v57  }
0x1c6: {  	v55 =	vld.idx.msk [tilespmem:v46+s20+$0x0], $0xffff;
	[tilespmem:s4+$0x70] =	vst v56  }
0x1c7: {  	v57 =	vld.idx.msk [tilespmem:v50+s20+$0x0], $0xffff  }
0x1c8: {  	s10 =	sadd.s32 s8, s16  }
0x1c9: {  	s11 =	sadd.s32 s6, s16;
	s4 =	sadd.s32 s9, s10  }
0x1ca: {  	s7 =	sadd.s32 s24, s11;
	s16 =	sadd.s32 s5, s16;
	[tilespmem:s4+$0x0] =	vst v53  }
0x1cb: {  	s10 =	sadd.s32 s23, s16;
	v53 =	vld.idx.msk [tilespmem:v37+s20+$0x0], $0xffff;
	[tilespmem:s7+$0x0] =	vst v55  }
0x1cc: {  	v55 =	vld.idx.msk [tilespmem:v45+s20+$0x0], $0xffff;
	[tilespmem:s10+$0x0] =	vst v57  }
0x1cd: {  	v54 =	vld.idx.msk [tilespmem:v59+s20+$0x0], $0xffff;
	_ =	sdelay $0x2  }
0x1ce: {  	[tilespmem:s4+$0x10] =	vst v53  }
0x1cf: {  	v53 =	vld.idx.msk [tilespmem:v38+s20+$0x0], $0xffff;
	[tilespmem:s7+$0x10] =	vst v55  }
0x1d0: {  	v55 =	vld.idx.msk [tilespmem:v47+s20+$0x0], $0xffff;
	[tilespmem:s10+$0x10] =	vst v54  }
0x1d1: {  	v54 =	vld.idx.msk [tilespmem:v60+s20+$0x0], $0xffff;
	_ =	sdelay $0x2  }
0x1d2: {  	[tilespmem:s4+$0x20] =	vst v53  }
0x1d3: {  	[tilespmem:s7+$0x20] =	vst v55  }
0x1d4: {  	[tilespmem:s10+$0x20] =	vst v54  }
0x1d5: {  	v54 =	vld [tilespmem:$0x1FFC0];
	_ =	sdelay $0x5  }
0x1d6: {  	v53 =	vld.idx.msk [tilespmem:v40+s20+$0x0], $0xffff  }
0x1d7: {  	v55 =	vld.idx.msk [tilespmem:v48+s20+$0x0], $0xffff  }
0x1d8: {  	v54 =	vld.idx.msk [tilespmem:v54+s20+$0x0], $0xffff;
	_ =	sdelay $0x2  }
0x1d9: {  	[tilespmem:s4+$0x30] =	vst v53  }
0x1da: {  	v53 =	vld.idx.msk [tilespmem:v41+s20+$0x0], $0xffff;
	[tilespmem:s7+$0x30] =	vst v55  }
0x1db: {  	v55 =	vld.idx.msk [tilespmem:v49+s20+$0x0], $0xffff;
	[tilespmem:s10+$0x30] =	vst v54  }
0x1dc: {  	v54 =	vld [tilespmem:$0x1FFD0];
	_ =	sdelay $0x2  }
0x1dd: {  	[tilespmem:s4+$0x40] =	vst v53  }
0x1de: {  	[tilespmem:s7+$0x40] =	vst v55  }
0x1df: {  	v55 =	vld [tilespmem:$0x1FFE0];
	_ =	sdelay $0x2  }
0x1e0: {  	v54 =	vld.idx.msk [tilespmem:v54+s20+$0x0], $0xffff;
	_ =	sdelay $0x3  }
0x1e1: {  	v53 =	vld.idx.msk [tilespmem:v42+s20+$0x0], $0xffff  }
0x1e2: {  	v55 =	vld.idx.msk [tilespmem:v55+s20+$0x0], $0xffff;
	[tilespmem:s10+$0x40] =	vst v54  }
0x1e3: {  	v54 =	vld [tilespmem:$0x1FFF0];
	_ =	sdelay $0x1  }
0x1e4: {  	[tilespmem:s1+$0x50] =	vst v52  }
0x1e5: {  	[tilespmem:s4+$0x50] =	vst v53  }
0x1e6: {  	[tilespmem:s7+$0x50] =	vst v55  }
0x1e7: {  	v57 =	vld [tilespmem:$0x1FF80];
	_ =	sdelay $0x2  }
0x1e8: {  	v54 =	vld.idx.msk [tilespmem:v54+s20+$0x0], $0xffff;
	_ =	sdelay $0x2  }
0x1e9: {  	v52 =	vld.idx.msk [tilespmem:v35+s20+$0x0], $0xffff  }
0x1ea: {  	v53 =	vld.idx.msk [tilespmem:v43+s20+$0x0], $0xffff  }
0x1eb: {  	v55 =	vld.idx.msk [tilespmem:v57+s20+$0x0], $0xffff;
	[tilespmem:s10+$0x50] =	vst v54  }
0x1ec: {  	v54 =	vld.idx.msk [tilespmem:v58+s20+$0x0], $0xffff;
	_ =	sdelay $0x1  }
0x1ed: {  	[tilespmem:s1+$0x60] =	vst v52  }
0x1ee: {  	[tilespmem:s4+$0x60] =	vst v53  }
0x1ef: {  	[tilespmem:s7+$0x60] =	vst v55  }
0x1f0: {  	v59 =	vld [tilespmem:$0x1FF90];
	[tilespmem:s10+$0x60] =	vst v54  }
0x1f1: {  	v56 =	vmov v58;
	v58 =	vld [tilespmem:$0x1FFA0];
	_ =	sdelay $0x2  }
0x1f2: {  	v52 =	vld.idx.msk [tilespmem:v36+s20+$0x0], $0xffff  }
0x1f3: {  	v53 =	vld.idx.msk [tilespmem:v44+s20+$0x0], $0xffff;
	_ =	sdelay $0x2  }
0x1f4: {  	v55 =	vld.idx.msk [tilespmem:v59+s20+$0x0], $0xffff  }
0x1f5: {  	[tilespmem:s1+$0x70] =	vst v52;
	v54 =	vld.idx.msk [tilespmem:v58+s20+$0x0], $0xffff  }
0x1f6: {  	[tilespmem:s4+$0x70] =	vst v53  }
0x1f7: {  	[tilespmem:s26+$0x60] =	vst v51;
	v52 =	vld.idx.msk [tilespmem:v34+s21+$0x0], $0xffff  }
0x1f8: {  	[tilespmem:s25+$0x70] =	vst v63;
	v53 =	vld.idx.msk [tilespmem:v39+s21+$0x0], $0xffff  }
0x1f9: {  	v63 =	vld.idx.msk [tilespmem:v8+s21+$0x0], $0xffff;
	[tilespmem:s7+$0x70] =	vst v55  }
0x1fa: {  	s28 =	sadd.s32 s17, s13;
	[tilespmem:s10+$0x70] =	vst v54;
	v54 =	vld.idx.msk [tilespmem:v46+s21+$0x0], $0xffff  }
0x1fb: {  	s29 =	sadd.s32 s8, s13;
	s1 =	sadd.s32 s18, s28;
	v51 =	vld.idx.msk [tilespmem:v50+s21+$0x0], $0xffff  }
0x1fc: {  	s4 =	sadd.s32 s9, s29;
	[tilespmem:s1+$0x0] =	vst v52  }
0x1fd: {  	s30 =	sadd.s32 s6, s13;
	[tilespmem:s4+$0x0] =	vst v53  }
0x1fe: {  	s31 =	sadd.s32 s24, s30;
	s11 =	sadd.s32 s5, s13;
	[tilespmem:s26+$0x70] =	vst v63  }
0x1ff: {  	s7 =	sadd.s32 s23, s11;
	[tilespmem:s31+$0x0] =	vst v54  }
0x200: {  	[tilespmem:s7+$0x0] =	vst v51  }
0x201: {  	v63 =	vld [tilespmem:$0x1FFB0];
	_ =	sdelay $0x2  }
0x202: {  	v52 =	vld.idx.msk [tilespmem:v29+s21+$0x0], $0xffff  }
0x203: {  	v53 =	vld.idx.msk [tilespmem:v37+s21+$0x0], $0xffff;
	_ =	sdelay $0x2  }
0x204: {  	v51 =	vld.idx.msk [tilespmem:v45+s21+$0x0], $0xffff;
	[tilespmem:s12+$0x10] =	vst v62  }
0x205: {  	[tilespmem:s1+$0x10] =	vst v52;
	v54 =	vld.idx.msk [tilespmem:v63+s21+$0x0], $0xffff  }
0x206: {  	[tilespmem:s4+$0x10] =	vst v53;
	v52 =	vld.idx.msk [tilespmem:v19+s21+$0x0], $0xffff  }
0x207: {  	[tilespmem:s3+$0x20] =	vst v61;
	v53 =	vld.idx.msk [tilespmem:v31+s21+$0x0], $0xffff  }
0x208: {  	v28 =	vld.idx.msk [tilespmem:v28+s22+$0x0], $0xffff  }
0x209: {  	[tilespmem:s31+$0x10] =	vst v51;
	v51 =	vld.idx.msk [tilespmem:v38+s21+$0x0], $0xffff  }
0x20a: {  	[tilespmem:s7+$0x10] =	vst v54;
	v54 =	vld.idx.msk [tilespmem:v47+s21+$0x0], $0xffff  }
0x20b: {  	v61 =	vmov v60;
	[tilespmem:s12+$0x20] =	vst v52;
	v60 =	vld.idx.msk [tilespmem:v60+s21+$0x0], $0xffff  }
0x20c: {  	[tilespmem:s1+$0x20] =	vst v53  }
0x20d: {  	[tilespmem:s3+$0x30] =	vst v28  }
0x20e: {  	[tilespmem:s4+$0x20] =	vst v51  }
0x20f: {  	[tilespmem:s31+$0x20] =	vst v54  }
0x210: {  	[tilespmem:s7+$0x20] =	vst v60  }
0x211: {  	v60 =	vld [tilespmem:$0x1FFC0];
	_ =	sdelay $0x2  }
0x212: {  	v52 =	vld.idx.msk [tilespmem:v17+s21+$0x0], $0xffff  }
0x213: {  	v51 =	vld.idx.msk [tilespmem:v30+s21+$0x0], $0xffff  }
0x214: {  	v53 =	vld.idx.msk [tilespmem:v40+s21+$0x0], $0xffff  }
0x215: {  	v27 =	vld.idx.msk [tilespmem:v27+s22+$0x0], $0xffff  }
0x216: {  	v54 =	vld.idx.msk [tilespmem:v48+s21+$0x0], $0xffff  }
0x217: {  	[tilespmem:s12+$0x30] =	vst v52;
	v62 =	vld.idx.msk [tilespmem:v60+s21+$0x0], $0xffff  }
0x218: {  	[tilespmem:s1+$0x30] =	vst v51  }
0x219: {  	[tilespmem:s4+$0x30] =	vst v53  }
0x21a: {  	[tilespmem:s3+$0x40] =	vst v27  }
0x21b: {  	[tilespmem:s31+$0x30] =	vst v54  }
0x21c: {  	[tilespmem:s7+$0x30] =	vst v62  }
0x21d: {  	v55 =	vld [tilespmem:$0x1FFD0];
	_ =	sdelay $0x3  }
0x21e: {  	v51 =	vld.idx.msk [tilespmem:v16+s21+$0x0], $0xffff  }
0x21f: {  	v52 =	vld.idx.msk [tilespmem:v32+s21+$0x0], $0xffff  }
0x220: {  	v53 =	vld.idx.msk [tilespmem:v41+s21+$0x0], $0xffff  }
0x221: {  	v28 =	vld.idx.msk [tilespmem:v49+s21+$0x0], $0xffff  }
0x222: {  	v62 =	vld.idx.msk [tilespmem:v55+s21+$0x0], $0xffff  }
0x223: {  	[tilespmem:s12+$0x40] =	vst v51  }
0x224: {  	[tilespmem:s1+$0x40] =	vst v52  }
0x225: {  	v26 =	vld.idx.msk [tilespmem:v26+s22+$0x0], $0xffff;
	[tilespmem:s4+$0x40] =	vst v53  }
0x226: {  	[tilespmem:s31+$0x40] =	vst v28  }
0x227: {  	[tilespmem:s7+$0x40] =	vst v62  }
0x228: {  	v54 =	vld [tilespmem:$0x1FFE0];
	_ =	sdelay $0x1  }
0x229: {  	v51 =	vld.idx.msk [tilespmem:v18+s21+$0x0], $0xffff;
	[tilespmem:s3+$0x50] =	vst v26  }
0x22a: {  	v53 =	vld [tilespmem:$0x1FFF0]  }
0x22b: {  	v52 =	vld.idx.msk [tilespmem:v33+s21+$0x0], $0xffff  }
0x22c: {  	v28 =	vld.idx.msk [tilespmem:v42+s21+$0x0], $0xffff;
	_ =	sdelay $0x1  }
0x22d: {  	v25 =	vld.idx.msk [tilespmem:v25+s22+$0x0], $0xffff  }
0x22e: {  	[tilespmem:s12+$0x50] =	vst v51;
	v27 =	vld.idx.msk [tilespmem:v54+s21+$0x0], $0xffff  }
0x22f: {  	[tilespmem:s1+$0x50] =	vst v52;
	v51 =	vld.idx.msk [tilespmem:v21+s21+$0x0], $0xffff  }
0x230: {  	[tilespmem:s4+$0x50] =	vst v28;
	v28 =	vld.idx.msk [tilespmem:v35+s21+$0x0], $0xffff  }
0x231: {  	v62 =	vld.idx.msk [tilespmem:v53+s21+$0x0], $0xffff  }
0x232: {  	[tilespmem:s3+$0x60] =	vst v25  }
0x233: {  	[tilespmem:s31+$0x50] =	vst v27;
	v27 =	vld.idx.msk [tilespmem:v43+s21+$0x0], $0xffff  }
0x234: {  	[tilespmem:s12+$0x60] =	vst v51;
	v52 =	vld.idx.msk [tilespmem:v57+s21+$0x0], $0xffff  }
0x235: {  	v23 =	vld.idx.msk [tilespmem:v23+s22+$0x0], $0xffff;
	[tilespmem:s1+$0x60] =	vst v28  }
0x236: {  	v28 =	vld.idx.msk [tilespmem:v22+s21+$0x0], $0xffff;
	[tilespmem:s7+$0x50] =	vst v62  }
0x237: {  	v62 =	vld.idx.msk [tilespmem:v56+s21+$0x0], $0xffff  }
0x238: {  	[tilespmem:s4+$0x60] =	vst v27;
	v27 =	vld.idx.msk [tilespmem:v36+s21+$0x0], $0xffff  }
0x239: {  	[tilespmem:s31+$0x60] =	vst v52;
	v51 =	vld.idx.msk [tilespmem:v44+s21+$0x0], $0xffff  }
0x23a: {  	[tilespmem:s3+$0x70] =	vst v23;
	v52 =	vld.idx.msk [tilespmem:v59+s21+$0x0], $0xffff  }
0x23b: {  	[tilespmem:s12+$0x70] =	vst v28  }
0x23c: {  	[tilespmem:s7+$0x60] =	vst v62  }
0x23d: {  	v62 =	vld.idx.msk [tilespmem:v58+s21+$0x0], $0xffff;
	[tilespmem:s1+$0x70] =	vst v27  }
0x23e: {  	v15 =	vld.idx.msk [tilespmem:v15+s22+$0x0], $0xffff;
	[tilespmem:s4+$0x70] =	vst v51  }
0x23f: {  	v24 =	vld.idx.msk [tilespmem:v24+s22+$0x0], $0xffff;
	[tilespmem:s31+$0x70] =	vst v52  }
0x240: {  	v34 =	vld.idx.msk [tilespmem:v34+s22+$0x0], $0xffff;
	s10 =	rddreg [dreg:$0x4]  }
0x241: {  	v39 =	vld.idx.msk [tilespmem:v39+s22+$0x0], $0xffff;
	s0 =	sadd.s32 s0, s10  }
0x242: {  	[tilespmem:s7+$0x70] =	vst v62;
	v46 =	vld.idx.msk [tilespmem:v46+s22+$0x0], $0xffff;
	s13 =	sadd.s32 s14, s10;
	s0 =	sadd.s32 s2, s0  }
0x243: {  	s14 =	sadd.s32 s17, s10;
	v51 =	vld.idx.msk [tilespmem:v50+s22+$0x0], $0xffff;
	s1 =	sadd.s32 s15, s13;
	[tilespmem:s0+$0x0] =	vst v15  }
0x244: {  	s2 =	sadd.s32 s18, s14;
	s15 =	sadd.s32 s8, s10;
	[tilespmem:s1+$0x0] =	vst v24;
	v14 =	vld.idx.msk [tilespmem:v14+s22+$0x0], $0xffff  }
0x245: {  	s16 =	sadd.s32 s6, s10;
	s3 =	sadd.s32 s9, s15;
	[tilespmem:s2+$0x0] =	vst v34;
	v20 =	vld.idx.msk [tilespmem:v20+s22+$0x0], $0xffff  }
0x246: {  	s5 =	sadd.s32 s5, s10;
	s4 =	sadd.s32 s24, s16;
	v52 =	vld.idx.msk [tilespmem:v29+s22+$0x0], $0xffff;
	[tilespmem:s3+$0x0] =	vst v39  }
0x247: {  	s5 =	sadd.s32 s23, s5;
	v25 =	vld.idx.msk [tilespmem:v37+s22+$0x0], $0xffff;
	[tilespmem:s4+$0x0] =	vst v46  }
0x248: {  	v23 =	vld.idx.msk [tilespmem:v45+s22+$0x0], $0xffff;
	[tilespmem:s5+$0x0] =	vst v51  }
0x249: {  	v62 =	vld.idx.msk [tilespmem:v63+s22+$0x0], $0xffff;
	[tilespmem:s0+$0x10] =	vst v14  }
0x24a: {  	[tilespmem:s1+$0x10] =	vst v20;
	v13 =	vld.idx.msk [tilespmem:v13+s22+$0x0], $0xffff  }
0x24b: {  	[tilespmem:s2+$0x10] =	vst v52;
	v63 =	vld.idx.msk [tilespmem:v19+s22+$0x0], $0xffff  }
0x24c: {  	v26 =	vld.idx.msk [tilespmem:v31+s22+$0x0], $0xffff;
	[tilespmem:s3+$0x10] =	vst v25  }
0x24d: {  	v27 =	vld.idx.msk [tilespmem:v38+s22+$0x0], $0xffff;
	[tilespmem:s4+$0x10] =	vst v23  }
0x24e: {  	v23 =	vld.idx.msk [tilespmem:v47+s22+$0x0], $0xffff;
	[tilespmem:s5+$0x10] =	vst v62  }
0x24f: {  	v28 =	vld.idx.msk [tilespmem:v61+s22+$0x0], $0xffff;
	[tilespmem:s0+$0x20] =	vst v13  }
0x250: {  	[tilespmem:s1+$0x20] =	vst v63;
	v12 =	vld.idx.msk [tilespmem:v12+s22+$0x0], $0xffff  }
0x251: {  	[tilespmem:s2+$0x20] =	vst v26;
	v29 =	vld.idx.msk [tilespmem:v17+s22+$0x0], $0xffff  }
0x252: {  	v31 =	vld.idx.msk [tilespmem:v30+s22+$0x0], $0xffff;
	[tilespmem:s3+$0x20] =	vst v27  }
0x253: {  	v34 =	vld.idx.msk [tilespmem:v40+s22+$0x0], $0xffff;
	[tilespmem:s4+$0x20] =	vst v23  }
0x254: {  	v37 =	vld.idx.msk [tilespmem:v48+s22+$0x0], $0xffff;
	[tilespmem:s5+$0x20] =	vst v28  }
0x255: {  	v38 =	vld.idx.msk [tilespmem:v60+s22+$0x0], $0xffff;
	[tilespmem:s0+$0x30] =	vst v12  }
0x256: {  	[tilespmem:s1+$0x30] =	vst v29;
	v10 =	vld.idx.msk [tilespmem:v10+s22+$0x0], $0xffff  }
0x257: {  	[tilespmem:s2+$0x30] =	vst v31;
	v39 =	vld.idx.msk [tilespmem:v16+s22+$0x0], $0xffff  }
0x258: {  	v40 =	vld.idx.msk [tilespmem:v32+s22+$0x0], $0xffff;
	[tilespmem:s3+$0x30] =	vst v34  }
0x259: {  	v41 =	vld.idx.msk [tilespmem:v41+s22+$0x0], $0xffff;
	[tilespmem:s4+$0x30] =	vst v37  }
0x25a: {  	v45 =	vld.idx.msk [tilespmem:v49+s22+$0x0], $0xffff;
	[tilespmem:s5+$0x30] =	vst v38  }
0x25b: {  	v46 =	vld.idx.msk [tilespmem:v55+s22+$0x0], $0xffff;
	[tilespmem:s0+$0x40] =	vst v10  }
0x25c: {  	[tilespmem:s1+$0x40] =	vst v39;
	v9 =	vld.idx.msk [tilespmem:v9+s22+$0x0], $0xffff  }
0x25d: {  	[tilespmem:s2+$0x40] =	vst v40;
	v47 =	vld.idx.msk [tilespmem:v18+s22+$0x0], $0xffff  }
0x25e: {  	v48 =	vld.idx.msk [tilespmem:v33+s22+$0x0], $0xffff;
	[tilespmem:s3+$0x40] =	vst v41  }
0x25f: {  	v49 =	vld.idx.msk [tilespmem:v42+s22+$0x0], $0xffff;
	[tilespmem:s4+$0x40] =	vst v45  }
0x260: {  	v50 =	vld.idx.msk [tilespmem:v54+s22+$0x0], $0xffff;
	[tilespmem:s5+$0x40] =	vst v46  }
0x261: {  	v51 =	vld.idx.msk [tilespmem:v53+s22+$0x0], $0xffff;
	[tilespmem:s0+$0x50] =	vst v9  }
0x262: {  	[tilespmem:s1+$0x50] =	vst v47;
	v52 =	vld.idx.msk [tilespmem:v11+s22+$0x0], $0xffff  }
0x263: {  	[tilespmem:s2+$0x50] =	vst v48;
	v53 =	vld.idx.msk [tilespmem:v21+s22+$0x0], $0xffff  }
0x264: {  	v54 =	vld.idx.msk [tilespmem:v35+s22+$0x0], $0xffff;
	[tilespmem:s3+$0x50] =	vst v49  }
0x265: {  	v55 =	vld.idx.msk [tilespmem:v43+s22+$0x0], $0xffff;
	[tilespmem:s4+$0x50] =	vst v50  }
0x266: {  	v57 =	vld.idx.msk [tilespmem:v57+s22+$0x0], $0xffff;
	[tilespmem:s5+$0x50] =	vst v51  }
0x267: {  	v9 =	vld.idx.msk [tilespmem:v56+s22+$0x0], $0xffff;
	[tilespmem:s0+$0x60] =	vst v52  }
0x268: {  	[tilespmem:s1+$0x60] =	vst v53;
	v8 =	vld.idx.msk [tilespmem:v8+s22+$0x0], $0xffff  }
0x269: {  	[tilespmem:s2+$0x60] =	vst v54;
	v60 =	vld.idx.msk [tilespmem:v22+s22+$0x0], $0xffff  }
0x26a: {  	v61 =	vld.idx.msk [tilespmem:v36+s22+$0x0], $0xffff;
	[tilespmem:s3+$0x60] =	vst v55  }
0x26b: {  	v62 =	vld.idx.msk [tilespmem:v44+s22+$0x0], $0xffff;
	[tilespmem:s4+$0x60] =	vst v57  }
0x26c: {  	[tilespmem:s5+$0x60] =	vst v9  }
0x26d: {  	v63 =	vld.idx.msk [tilespmem:v59+s22+$0x0], $0xffff;
	[tilespmem:s0+$0x70] =	vst v8  }
0x26e: {  	v8 =	vld.idx.msk [tilespmem:v58+s22+$0x0], $0xffff;
	[tilespmem:s1+$0x70] =	vst v60  }
0x26f: {  	s0 =	rddreg [dreg:$0xd];
	[tilespmem:s2+$0x70] =	vst v61  }
0x270: {  	s0 =	smul.u32 $0xC0000, s0;
	s2 =	rddreg [dreg:$0xb];
	[tilespmem:s3+$0x70] =	vst v62  }
0x271: {  	s25 =	simm.s32 $0x20000;
	s17 =	smul.u32 $0x18000, s2;
	s6 =	rddreg [dreg:$0x7]  }
0x272: {  	s18 =	rddreg [dreg:$0x2];
	s24 =	simm.s32 $0x400;
	[tilespmem:s4+$0x70] =	vst v63;
	s0 =	sor.u32 s6, s0  }
0x273: {  	s2 =	sadd.s32 $0x3, s2;
	s0 =	sshrl.u32 s0, $0x3;
	s1 =	sshrl.u32 s17, $0x2;
	[tilespmem:s5+$0x70] =	vst v8  }
0x274: {  	s0 =	sadd.s32 s18, s0;
	s23 =	sadd.s32 $0xC400, s1;
	s31 =	rddreg [dreg:$0xc]  }
0x275: {  	[hbm4b:s0+s24] =	stream.strided.scatter [tilespmem:s23], [sflag:s2], $0x1800, s25, s24, $0x38;
	[tilespmem:$0x1E600] =	vst v63  }
0x276: {  	s28 =	sadd.s32 $0xDC00, s1;
	s26 =	sadd.s32 $0x80, s0;
	p1 =	sne.s32 s31, $0xC8  }
0x277: {  	[hbm4b:s26+s24] =	stream.strided.scatter [tilespmem:s28], [sflag:s2], $0x1800, s25, s24, $0x38;
	[tilespmem:$0x1E600] =	vst v63  }
.Ltmp2:
0x278: {  	_ = 	snop;
	(pc) =	sbr.rel @p1 .LBB2_2-.Ltmp2, $4  }
0x279: {  	p0 =	por !p0, !p0;
	s30 =	sadd.s32 $0xF400, s1;
	s29 =	sadd.s32 $0x100, s0  }
0x27a: {  	[hbm4b:s29+s24] =	stream.strided.scatter [tilespmem:s30], [sflag:s2], $0x1800, s25, s24, $0x38;
	[tilespmem:$0x1E600] =	vst v63  }
0x27b: {  	s1 =	sor.u32 $0x10C00, s1;
	s0 =	sadd.s32 $0x180, s0;
	s10 =	smov.u32 s31  }
0x27c: {  	[hbm4b:s0+s24] =	stream.strided.scatter [tilespmem:s1], [sflag:s2], $0x1800, s25, s24, $0x38;
	[tilespmem:$0x1E600] =	vst v63  }
0x27d: {  	s0 =	simm.s32 $0x3  }
0x27e: {  	_ =	swait.ge [sflag:s0], $0x1800  }
0x27f: {  	[sflag:s0] =	ssyncset.done $0x0  }
0x280: {  	[sflag:s0] =	ssyncadd.s32 $0xFFFFE800  }
0x281: {  	_ =	swait.ge [sflag:s0], $0x1800  }
0x282: {  	[sflag:s0] =	ssyncset.done $0x0  }
0x283: {  	[sflag:s0] =	ssyncadd.s32 $0xFFFFE800  }
0x284: {  	_ =	swait.ge [sflag:s0], $0x1800  }
0x285: {  	[sflag:s0] =	ssyncset.done $0x0  }
0x286: {  	[sflag:s0] =	ssyncadd.s32 $0xFFFFE800  }
0x287: {  	_ =	swait.ge [sflag:s0], $0x1800  }
0x288: {  	[sflag:s0] =	ssyncset.done $0x0  }
0x289: {  	s1 =	simm.s32 $0x4;
	[sflag:s0] =	ssyncadd.s32 $0xFFFFE800  }
0x28a: {  	_ =	swait.ge [sflag:s1], $0x1800  }
0x28b: {  	[sflag:s1] =	ssyncset.done $0x0  }
0x28c: {  	[sflag:s1] =	ssyncadd.s32 $0xFFFFE800  }
0x28d: {  	_ =	swait.ge [sflag:s1], $0x1800  }
0x28e: {  	[sflag:s1] =	ssyncset.done $0x0  }
0x28f: {  	[sflag:s1] =	ssyncadd.s32 $0xFFFFE800  }
0x290: {  	_ =	swait.ge [sflag:s1], $0x1800  }
0x291: {  	[sflag:s1] =	ssyncset.done $0x0  }
0x292: {  	[sflag:s1] =	ssyncadd.s32 $0xFFFFE800  }
0x293: {  	_ =	swait.ge [sflag:s1], $0x1800  }
0x294: {  	s2 =	rddreg [dreg:$0xa]  }
0x295: {  	s31 =	rddreg [dreg:$0x9];
	s2 =	sadd.s32 $0x1, s2  }
0x296: {  	p0 =	sne.s32 s2, s31  }
.Ltmp3:
0x297: {  	_ = 	snop;
	(pc) =	sbr.rel @p0 .LBB2_1-.Ltmp3, $3  }
0x298: {  	_ =	sdelay $0x1  }
0x299: {  	[sflag:s1] =	ssyncset.done $0x0  }
0x29a: {  	[sflag:s1] =	ssyncadd.s32 $0xFFFFE800  }
0x29b: {  	_ =	sfence.sel $0x180000  }
0x29c: {  	[bflag:$0x0] =	sbarrier.arrive $0xFFFF  }
0x29d: {  	_ =	strace $0x90000047  }
0x29e: {  	s0 =	stileid.u32;
	[bflag:$0x2] =	sbarrier.arrive $0xFFFF  }
0x29f: {  	p0 =	sne.s32 s0, $0x0;
	s0 =	rddreg [dreg:$0x3]  }
0x2a0: {  	s0 =	sadd.s32 @!p0 $0x100000, s0  }
0x2a1: {  	[sflag:s0] =	ssyncadd.tile.s32 @!p0 $0x1;
	_ =	shalt  }
.Lfunc_end2:
_tile_overlayer_lowered:
.L_overlay_start_2:
0x2a2: {  	(tag) =	ssettag $0x2  }
0x2a3: {  	s0 =	rddreg [dreg:$0x0];
	s2 =	stileid.u32  }
0x2a4: {  	s1 =	rddreg [dreg:$0x1];
	p0 =	sne.s32 s2, $0x0  }
0x2a5: {  	s3 =	rddreg [dreg:$0x2];
	[bflag:$0x3] =	sbarrier.arrive $0xFFFF;
	s2 =	simm.s32 @!p0 $0x1C06  }
0x2a6: {  	[timem:s3], [sflag:s2] =	dma.local @!p0 [hbm:s0], s1  }
0x2a7: {  	s0 =	simm.s32 @!p0 $0x6  }
0x2a8: {  	_ =	swait.ge @!p0 [sflag:s0], s1  }
0x2a9: {  	s1 =	ssub.s32 @!p0 $0x0, s1;
	[sflag:s0] =	ssyncset.done @!p0 $0x0  }
0x2aa: {  	[sflag:s0] =	ssyncadd.s32 @!p0 s1  }
0x2ab: {  	[bflag:$0x3] =	sbarrier.arrive $0xFFFF  }
0x2ac: {  	_ =	shalt  }

</sc_bundles>
